<compile_context>
chip_gen: v7x
topology: tpu7x:2x2x1
jax: 0.10.2.dev20260603
libtpu: 0.0.44.dev20260713+nightly
codegen_flags: <defaults>
</compile_context>

<pallas_src>
import functools

import jax
import jax.numpy as jnp
from jax import lax
from jax.experimental import pallas as pl
from jax.experimental.pallas import tpu as pltpu
from jax.experimental.pallas import tpu_sc as plsc

_T, _D, _F, _E = 1024, 768, 1024, 8
_A = 2 * _T
_LIMIT = 7.0
_ALPHA = 1.702
_BR = 128
_NT = (_A + _E * (_BR - 1) + _BR - 1) // _BR
_NROWS = _NT * _BR
_NW = 32
_TPW = _T // _NW


def _router_meta_body(x_ref, w_ref, b_ref, pos_ref, wgt_ref, texp_ref, nact_ref):
    logits = lax.dot_general(w_ref[...], x_ref[...], (((0,), (1,)), ((), ())),
                             preferred_element_type=jnp.float32)
    logits = logits + b_ref[...]
    eidx = lax.broadcasted_iota(jnp.int32, (_E, _T), 0)
    m1 = jnp.max(logits, axis=0, keepdims=True)
    a1 = jnp.min(jnp.where(logits == m1, eidx, _E), axis=0, keepdims=True)
    l2 = jnp.where(eidx == a1, -jnp.inf, logits)
    m2 = jnp.max(l2, axis=0, keepdims=True)
    a2 = jnp.min(jnp.where(l2 == m2, eidx, _E), axis=0, keepdims=True)
    w1 = jax.nn.sigmoid(m1 - m2)

    oh = jnp.concatenate([eidx == a1, eidx == a2], axis=1).astype(jnp.float32)
    lidx = lax.broadcasted_iota(jnp.int32, (_E, _A), 1)
    acc = oh
    k = 1
    while k < _A:
        acc = acc + jnp.where(lidx >= k, pltpu.roll(acc, k, 1), 0.0)
        k *= 2
    ranks = acc - oh
    counts = jnp.sum(oh, axis=1, keepdims=True)
    pc = ((counts.astype(jnp.int32) + (_BR - 1)) // _BR) * _BR
    er = lax.broadcasted_iota(jnp.int32, (_E, 1), 0)
    poff = jnp.zeros((_E, 1), jnp.int32)
    for k in range(1, _E):
        poff = poff + jnp.where(er >= k, pltpu.roll(pc, k, 0), 0)
    poff_f = poff.astype(jnp.float32)
    rank_i = jnp.sum(oh * ranks, axis=0, keepdims=True)
    poff_i = jnp.sum(oh * poff_f, axis=0, keepdims=True)
    pos_ref[...] = (rank_i + poff_i).astype(jnp.int32)
    wgt_ref[...] = jnp.concatenate([w1, 1.0 - w1], axis=1)
    tb = lax.broadcasted_iota(jnp.int32, (1, _NT), 1) * _BR
    texp_ref[...] = jnp.sum((poff <= tb).astype(jnp.int32), axis=0, keepdims=True) - 1
    nact_ref[...] = jnp.sum(pc, axis=0, keepdims=True) // _BR


def _grouped_mlp_body(texp_ref, nact_ref, xs_ref, w1_ref, b1_ref, w2_ref, b2_ref, rows_ref):
    j = pl.program_id(0)

    @pl.when(j < nact_ref[0])
    def _():
        x = xs_ref[...]
        gu = jnp.dot(x, w1_ref[0], preferred_element_type=jnp.float32) + b1_ref[0]
        gate = jnp.minimum(gu[:, :_F], _LIMIT)
        up = jnp.clip(gu[:, _F:], -_LIMIT, _LIMIT)
        act = (up + 1.0) * (gate * jax.nn.sigmoid(_ALPHA * gate))
        rows_ref[...] = (jnp.dot(act, w2_ref[0],
                                 preferred_element_type=jnp.float32) + b2_ref[0])


@functools.lru_cache(maxsize=None)
def _sc_kernels():
    mesh = plsc.VectorSubcoreMesh(core_axis_name="c", subcore_axis_name="s")

    @functools.partial(
        pl.kernel, mesh=mesh,
        out_type=jax.ShapeDtypeStruct((_NROWS, _D), jnp.float32),
        scratch_types=[
            pltpu.VMEM((_TPW,), jnp.int32),
            pltpu.VMEM((_TPW,), jnp.int32),
            pltpu.VMEM((_TPW, _D), jnp.float32),
            pltpu.SemaphoreType.DMA,
        ],
    )
    def _dispatch(x_hbm, pos_hbm, xs_hbm, idx0_v, idx1_v, rows_v, sem):
        wid = lax.axis_index("s") * 2 + lax.axis_index("c")
        base = wid * _TPW
        pltpu.sync_copy(x_hbm.at[pl.ds(base, _TPW)], rows_v)
        pltpu.sync_copy(pos_hbm.at[pl.ds(base, _TPW)], idx0_v)
        pltpu.sync_copy(pos_hbm.at[pl.ds(_T + base, _TPW)], idx1_v)
        pltpu.async_copy(rows_v, xs_hbm.at[idx0_v], sem).wait()
        pltpu.async_copy(rows_v, xs_hbm.at[idx1_v], sem).wait()

    @functools.partial(
        pl.kernel, mesh=mesh,
        out_type=jax.ShapeDtypeStruct((_T, _D), jnp.float32),
        scratch_types=[
            pltpu.VMEM((_TPW,), jnp.int32),
            pltpu.VMEM((_TPW,), jnp.int32),
            pltpu.VMEM((_TPW,), jnp.float32),
            pltpu.VMEM((_TPW,), jnp.float32),
            pltpu.VMEM((_TPW, _D), jnp.float32),
            pltpu.VMEM((_TPW, _D), jnp.float32),
            pltpu.SemaphoreType.DMA,
        ],
    )
    def _combine(rows_hbm, pos_hbm, wgt_hbm, out_hbm, idx0_v, idx1_v, w0_v, w1_v, r0_v, r1_v, sem):
        wid = lax.axis_index("s") * 2 + lax.axis_index("c")
        base = wid * _TPW
        pltpu.sync_copy(pos_hbm.at[pl.ds(base, _TPW)], idx0_v)
        pltpu.sync_copy(pos_hbm.at[pl.ds(_T + base, _TPW)], idx1_v)
        pltpu.sync_copy(wgt_hbm.at[pl.ds(base, _TPW)], w0_v)
        pltpu.sync_copy(wgt_hbm.at[pl.ds(_T + base, _TPW)], w1_v)
        c0 = pltpu.async_copy(rows_hbm.at[idx0_v], r0_v, sem)
        c1 = pltpu.async_copy(rows_hbm.at[idx1_v], r1_v, sem)
        c0.wait()
        c1.wait()

        lane = lax.broadcasted_iota(jnp.int32, (16,), 0)
        for g in range(_TPW // 16):
            w0c = w0_v[pl.ds(g * 16, 16)]
            w1c = w1_v[pl.ds(g * 16, 16)]

            def row_body(rr, carry, w0c=w0c, w1c=w1c, g=g):
                idxv = lane * 0 + rr
                w0b = w0c.at[idxv].get(mode="promise_in_bounds")
                w1b = w1c.at[idxv].get(mode="promise_in_bounds")
                r = g * 16 + rr
                for c in range(_D // 16):
                    sl = pl.ds(c * 16, 16)
                    r0_v[r, sl] = w0b * r0_v[r, sl] + w1b * r1_v[r, sl]
                return carry

            lax.fori_loop(0, 16, row_body, 0)
        pltpu.sync_copy(r0_v, out_hbm.at[pl.ds(base, _TPW)])

    return _dispatch, _combine


@jax.jit
def kernel(x_TD, kernel_DE, bias_E, mlp1_weight_EDF2, mlp1_bias_EF2, mlp2_weight_EFD, mlp2_bias_ED):
    x = x_TD.astype(jnp.float32)
    pos2, wgt2, texp2, nact2 = pl.pallas_call(
        _router_meta_body,
        out_shape=(
            jax.ShapeDtypeStruct((1, _A), jnp.int32),
            jax.ShapeDtypeStruct((1, _A), jnp.float32),
            jax.ShapeDtypeStruct((1, _NT), jnp.int32),
            jax.ShapeDtypeStruct((1, 1), jnp.int32),
        ),
    )(x, kernel_DE, bias_E.reshape(_E, 1))
    pos = pos2.reshape(_A)
    wgt = wgt2.reshape(_A)
    texp = texp2.reshape(_NT)
    nact = nact2.reshape(1)

    dispatch_k, combine_k = _sc_kernels()
    xs = dispatch_k(x, pos)

    rows = pl.pallas_call(
        _grouped_mlp_body,
        grid_spec=pltpu.PrefetchScalarGridSpec(
            num_scalar_prefetch=2,
            grid=(_NT,),
            in_specs=[
                pl.BlockSpec((_BR, _D), lambda j, texp, nact: (j, 0)),
                pl.BlockSpec((1, _D, 2 * _F), lambda j, texp, nact: (texp[j], 0, 0)),
                pl.BlockSpec((1, 1, 2 * _F), lambda j, texp, nact: (texp[j], 0, 0)),
                pl.BlockSpec((1, _F, _D), lambda j, texp, nact: (texp[j], 0, 0)),
                pl.BlockSpec((1, 1, _D), lambda j, texp, nact: (texp[j], 0, 0)),
            ],
            out_specs=pl.BlockSpec((_BR, _D), lambda j, texp, nact: (j, 0)),
        ),
        out_shape=jax.ShapeDtypeStruct((_NROWS, _D), jnp.float32),
        compiler_params=pltpu.CompilerParams(dimension_semantics=("arbitrary",)),
    )(texp, nact, xs, mlp1_weight_EDF2, mlp1_bias_EF2.reshape(_E, 1, 2 * _F),
      mlp2_weight_EFD, mlp2_bias_ED.reshape(_E, 1, _D))

    return combine_k(rows, pos, wgt)

# --- scband reference (transcript-rebuilt; emitter-appended) ---
"""Pipeline reference for scband-gpt-oss-mo-e-39084202393885 (READ-ONLY COPY).

The authoritative reference and input builder live on the scoring server;
editing this copy changes nothing except your own understanding.
"""

import jax, jax.numpy as jnp
import numpy as np

T, D, F, E, TOP_K = 1024, 768, 1024, 8, 2
SWIGLU_LIMIT = 7.0
SWIGLU_ALPHA = 1.702


def setup_inputs(seed: int = 0) -> dict:
    key = jax.random.key(seed)
    ks = jax.random.split(key, 7)
    x_TD = jax.random.normal(ks[0], (T, D), dtype=jnp.float32)
    kernel_DE = jax.random.normal(ks[1], (D, E), dtype=jnp.float32) * (1.0 / np.sqrt(D))
    bias_E = jax.random.normal(ks[2], (E,), dtype=jnp.float32) * 0.01
    mlp1_weight_EDF2 = jax.random.normal(ks[3], (E, D, 2 * F), dtype=jnp.float32) * (1.0 / np.sqrt(D))
    mlp1_bias_EF2 = jax.random.normal(ks[4], (E, 2 * F), dtype=jnp.float32) * 0.01
    mlp2_weight_EFD = jax.random.normal(ks[5], (E, F, D), dtype=jnp.float32) * (1.0 / np.sqrt(F))
    mlp2_bias_ED = jax.random.normal(ks[6], (E, D), dtype=jnp.float32) * 0.01
    return {
        "x_TD": x_TD,
        "kernel_DE": kernel_DE,
        "bias_E": bias_E,
        "mlp1_weight_EDF2": mlp1_weight_EDF2,
        "mlp1_bias_EF2": mlp1_bias_EF2,
        "mlp2_weight_EFD": mlp2_weight_EFD,
        "mlp2_bias_ED": mlp2_bias_ED,
    }


def reference(x_TD, kernel_DE, bias_E, mlp1_weight_EDF2, mlp1_bias_EF2, mlp2_weight_EFD, mlp2_bias_ED):
    x = jnp.asarray(x_TD, jnp.float32)
    # --- GptOssRouter: logits = x @ kernel + bias ---
    router_logits_TE = jnp.einsum('TD,DE->TE', x, kernel_DE) + bias_E
    # --- top-k routing with softmax over selected logits ---
    top_vals, top_idx = jax.lax.top_k(router_logits_TE, TOP_K)  # (T,K)
    routing_weights = jax.nn.softmax(top_vals, axis=-1)          # (T,K)
    combine_TE = jnp.sum(routing_weights[..., None] * jax.nn.one_hot(top_idx, E, dtype=jnp.float32), axis=1)  # (T,E)
    # --- expert MLPs (gpt-oss layout: (E,D,2F) -> (E,2,D,F)) ---
    w1 = jnp.swapaxes(jnp.reshape(mlp1_weight_EDF2, (E, D, 2, F)), 1, 2)  # (E,2,D,F)
    b1 = jnp.reshape(mlp1_bias_EF2, (E, 2, F))                            # (E,2,F)
    gate = jnp.einsum('td,edf->etf', x, w1[:, 0]) + b1[:, 0][:, None, :]  # (E,T,F)
    up = jnp.einsum('td,edf->etf', x, w1[:, 1]) + b1[:, 1][:, None, :]    # (E,T,F)
    # gpt-oss clamped swiglu
    gate = jnp.minimum(gate, SWIGLU_LIMIT)
    up = jnp.clip(up, -SWIGLU_LIMIT, SWIGLU_LIMIT)
    glu = gate * jax.nn.sigmoid(SWIGLU_ALPHA * gate)
    act = (up + 1.0) * glu
    out_ETD = jnp.einsum('etf,efd->etd', act, mlp2_weight_EFD) + mlp2_bias_ED[:, None, :]  # (E,T,D)
    # --- combine by routing weights ---
    output_TD = jnp.einsum('te,etd->td', combine_TE, out_ETD)
    return output_TD.astype(jnp.float32)

if __name__ == "__main__":
    import jax
    _d = setup_inputs()
    print(jax.jit(kernel)(*tuple(_d.values())))

</pallas_src>

<mosaic_0001>
#map = affine_map<(d0, d1) -> (0, 0)>
#map1 = affine_map<(d0, d1) -> (0)>
module attributes {stable_mosaic.version = 14 : i64} {
  func.func @_combine(%arg0: i32, %arg1: i32, %arg2: memref<3072x768xf32, #tpu.memory_space<hbm>>, %arg3: memref<2048xi32, #tpu.memory_space<hbm>>, %arg4: memref<2048xf32, #tpu.memory_space<hbm>>, %arg5: memref<1024x768xf32, #tpu.memory_space<hbm>>, %arg6: memref<32xi32, #tpu.memory_space<vmem>>, %arg7: memref<32xi32, #tpu.memory_space<vmem>>, %arg8: memref<32xf32, #tpu.memory_space<vmem>>, %arg9: memref<32xf32, #tpu.memory_space<vmem>>, %arg10: memref<32x768xf32, #tpu.memory_space<vmem>>, %arg11: memref<32x768xf32, #tpu.memory_space<vmem>>, %arg12: memref<!tpu.dma_semaphore, #tpu.memory_space<semaphore_mem>>) attributes {dimension_semantics = [#tpu.dimension_semantics<core_parallel>, #tpu.dimension_semantics<subcore_parallel>], iteration_bounds = array<i64: 2, 16>, scalar_prefetch = 0 : i64, scratch_operands = 7 : i64, tpu.core_type = #tpu.core_type<sc_vector_subcore>, window_params = [{transform_indices = #map}, {transform_indices = #map1}, {transform_indices = #map1}, {transform_indices = #map}]} {
    %mul3A = arith.constant 2 : i32
    %mul3A_0 = arith.muli %arg1, %mul3A : i32
    %add3A = arith.addi %mul3A_0, %arg0 : i32
    %mul3A_1 = arith.constant 32 : i32
    %mul3A_2 = arith.muli %add3A, %mul3A_1 : i32
    "tpu.region"() ({
      %run_scoped3A = tpu.sem_alloc : memref<!tpu.dma_semaphore, #tpu.memory_space<semaphore_mem>>
      %dma_start3A_39 = tpu.memref_slice %arg3[%mul3A_2] : memref<2048xi32, #tpu.memory_space<hbm>> -> memref<32xi32, #tpu.memory_space<hbm>>
      %dma_start3A_40 = tpu.memref_slice %arg3[%mul3A_2] : memref<2048xi32, #tpu.memory_space<hbm>> -> memref<32xi32, #tpu.memory_space<hbm>>
      tpu.enqueue_dma source(%dma_start3A_40 : memref<32xi32, #tpu.memory_space<hbm>>) target(%arg6 : memref<32xi32, #tpu.memory_space<vmem>>) target_semaphore(%run_scoped3A : memref<!tpu.dma_semaphore, #tpu.memory_space<semaphore_mem>>)
      %dma_wait3A_41 = tpu.memref_slice %arg3[%mul3A_2] : memref<2048xi32, #tpu.memory_space<hbm>> -> memref<32xi32, #tpu.memory_space<hbm>>
      %dma_wait3A_42 = tpu.memref_slice %arg3[%mul3A_2] : memref<2048xi32, #tpu.memory_space<hbm>> -> memref<32xi32, #tpu.memory_space<hbm>>
      tpu.wait_dma2 semaphore(%run_scoped3A : memref<!tpu.dma_semaphore, #tpu.memory_space<semaphore_mem>>) src(%dma_wait3A_42 : memref<32xi32, #tpu.memory_space<hbm>>) dst(%arg6 : memref<32xi32, #tpu.memory_space<vmem>>)
      tpu.yield
    }) : () -> ()
    %add3A_3 = arith.constant 1024 : i32
    %add3A_4 = arith.addi %add3A_3, %mul3A_2 : i32
    "tpu.region"() ({
      %run_scoped3A = tpu.sem_alloc : memref<!tpu.dma_semaphore, #tpu.memory_space<semaphore_mem>>
      %dma_start3A_39 = tpu.memref_slice %arg3[%add3A_4] : memref<2048xi32, #tpu.memory_space<hbm>> -> memref<32xi32, #tpu.memory_space<hbm>>
      %dma_start3A_40 = tpu.memref_slice %arg3[%add3A_4] : memref<2048xi32, #tpu.memory_space<hbm>> -> memref<32xi32, #tpu.memory_space<hbm>>
      tpu.enqueue_dma source(%dma_start3A_40 : memref<32xi32, #tpu.memory_space<hbm>>) target(%arg7 : memref<32xi32, #tpu.memory_space<vmem>>) target_semaphore(%run_scoped3A : memref<!tpu.dma_semaphore, #tpu.memory_space<semaphore_mem>>)
      %dma_wait3A_41 = tpu.memref_slice %arg3[%add3A_4] : memref<2048xi32, #tpu.memory_space<hbm>> -> memref<32xi32, #tpu.memory_space<hbm>>
      %dma_wait3A_42 = tpu.memref_slice %arg3[%add3A_4] : memref<2048xi32, #tpu.memory_space<hbm>> -> memref<32xi32, #tpu.memory_space<hbm>>
      tpu.wait_dma2 semaphore(%run_scoped3A : memref<!tpu.dma_semaphore, #tpu.memory_space<semaphore_mem>>) src(%dma_wait3A_42 : memref<32xi32, #tpu.memory_space<hbm>>) dst(%arg7 : memref<32xi32, #tpu.memory_space<vmem>>)
      tpu.yield
    }) : () -> ()
    "tpu.region"() ({
      %run_scoped3A = tpu.sem_alloc : memref<!tpu.dma_semaphore, #tpu.memory_space<semaphore_mem>>
      %dma_start3A_39 = tpu.memref_slice %arg4[%mul3A_2] : memref<2048xf32, #tpu.memory_space<hbm>> -> memref<32xf32, #tpu.memory_space<hbm>>
      %dma_start3A_40 = tpu.memref_slice %arg4[%mul3A_2] : memref<2048xf32, #tpu.memory_space<hbm>> -> memref<32xf32, #tpu.memory_space<hbm>>
      tpu.enqueue_dma source(%dma_start3A_40 : memref<32xf32, #tpu.memory_space<hbm>>) target(%arg8 : memref<32xf32, #tpu.memory_space<vmem>>) target_semaphore(%run_scoped3A : memref<!tpu.dma_semaphore, #tpu.memory_space<semaphore_mem>>)
      %dma_wait3A_41 = tpu.memref_slice %arg4[%mul3A_2] : memref<2048xf32, #tpu.memory_space<hbm>> -> memref<32xf32, #tpu.memory_space<hbm>>
      %dma_wait3A_42 = tpu.memref_slice %arg4[%mul3A_2] : memref<2048xf32, #tpu.memory_space<hbm>> -> memref<32xf32, #tpu.memory_space<hbm>>
      tpu.wait_dma2 semaphore(%run_scoped3A : memref<!tpu.dma_semaphore, #tpu.memory_space<semaphore_mem>>) src(%dma_wait3A_42 : memref<32xf32, #tpu.memory_space<hbm>>) dst(%arg8 : memref<32xf32, #tpu.memory_space<vmem>>)
      tpu.yield
    }) : () -> ()
    %add3A_5 = arith.constant 1024 : i32
    %add3A_6 = arith.addi %add3A_5, %mul3A_2 : i32
    "tpu.region"() ({
      %run_scoped3A = tpu.sem_alloc : memref<!tpu.dma_semaphore, #tpu.memory_space<semaphore_mem>>
      %dma_start3A_39 = tpu.memref_slice %arg4[%add3A_6] : memref<2048xf32, #tpu.memory_space<hbm>> -> memref<32xf32, #tpu.memory_space<hbm>>
      %dma_start3A_40 = tpu.memref_slice %arg4[%add3A_6] : memref<2048xf32, #tpu.memory_space<hbm>> -> memref<32xf32, #tpu.memory_space<hbm>>
      tpu.enqueue_dma source(%dma_start3A_40 : memref<32xf32, #tpu.memory_space<hbm>>) target(%arg9 : memref<32xf32, #tpu.memory_space<vmem>>) target_semaphore(%run_scoped3A : memref<!tpu.dma_semaphore, #tpu.memory_space<semaphore_mem>>)
      %dma_wait3A_41 = tpu.memref_slice %arg4[%add3A_6] : memref<2048xf32, #tpu.memory_space<hbm>> -> memref<32xf32, #tpu.memory_space<hbm>>
      %dma_wait3A_42 = tpu.memref_slice %arg4[%add3A_6] : memref<2048xf32, #tpu.memory_space<hbm>> -> memref<32xf32, #tpu.memory_space<hbm>>
      tpu.wait_dma2 semaphore(%run_scoped3A : memref<!tpu.dma_semaphore, #tpu.memory_space<semaphore_mem>>) src(%dma_wait3A_42 : memref<32xf32, #tpu.memory_space<hbm>>) dst(%arg9 : memref<32xf32, #tpu.memory_space<vmem>>)
      tpu.yield
    }) : () -> ()
    %dma_start3A = arith.constant 0 : i32
    %dma_start3A_7 = arith.constant 0 : i32
    %dma_start3A_8 = tpu.memref_slice %arg2[%dma_start3A, %dma_start3A_7] : memref<3072x768xf32, #tpu.memory_space<hbm>> -> memref<3072x768xf32, #tpu.memory_space<hbm>>
    tpu.enqueue_indirect_dma source(%dma_start3A_8 : memref<3072x768xf32, #tpu.memory_space<hbm>>) target(%arg10 : memref<32x768xf32, #tpu.memory_space<vmem>>) offsets(%arg6 : memref<32xi32, #tpu.memory_space<vmem>>) semaphore(%arg12 : memref<!tpu.dma_semaphore, #tpu.memory_space<semaphore_mem>>)
    %dma_start3A_9 = arith.constant 0 : i32
    %dma_start3A_10 = arith.constant 0 : i32
    %dma_start3A_11 = tpu.memref_slice %arg2[%dma_start3A_9, %dma_start3A_10] : memref<3072x768xf32, #tpu.memory_space<hbm>> -> memref<3072x768xf32, #tpu.memory_space<hbm>>
    tpu.enqueue_indirect_dma source(%dma_start3A_11 : memref<3072x768xf32, #tpu.memory_space<hbm>>) target(%arg11 : memref<32x768xf32, #tpu.memory_space<vmem>>) offsets(%arg7 : memref<32xi32, #tpu.memory_space<vmem>>) semaphore(%arg12 : memref<!tpu.dma_semaphore, #tpu.memory_space<semaphore_mem>>)
    %dma_wait3A = arith.constant 0 : i32
    %dma_wait3A_12 = arith.constant 0 : i32
    %dma_wait3A_13 = tpu.memref_slice %arg2[%dma_wait3A, %dma_wait3A_12] : memref<3072x768xf32, #tpu.memory_space<hbm>> -> memref<3072x768xf32, #tpu.memory_space<hbm>>
    tpu.wait_indirect_dma semaphore(%arg12 : memref<!tpu.dma_semaphore, #tpu.memory_space<semaphore_mem>>) src(%dma_wait3A_13 : memref<3072x768xf32, #tpu.memory_space<hbm>>) dst(%arg10 : memref<32x768xf32, #tpu.memory_space<vmem>>)
    %dma_wait3A_14 = arith.constant 0 : i32
    %dma_wait3A_15 = arith.constant 0 : i32
    %dma_wait3A_16 = tpu.memref_slice %arg2[%dma_wait3A_14, %dma_wait3A_15] : memref<3072x768xf32, #tpu.memory_space<hbm>> -> memref<3072x768xf32, #tpu.memory_space<hbm>>
    tpu.wait_indirect_dma semaphore(%arg12 : memref<!tpu.dma_semaphore, #tpu.memory_space<semaphore_mem>>) src(%dma_wait3A_16 : memref<3072x768xf32, #tpu.memory_space<hbm>>) dst(%arg11 : memref<32x768xf32, #tpu.memory_space<vmem>>)
    %iota3A = tpu.iota {dimensions = array<i32: 0>} : vector<16xi32>
    %get3A = arith.constant 0 : index
    %get3A_17 = tpu.vector_load %arg8[%get3A] {strides = array<i32>} : memref<32xf32, #tpu.memory_space<vmem>>, vector<16xf32>,
    %get3A_18 = vector.shape_cast %get3A_17 : vector<16xf32> to vector<16xf32>
    %get3A_19 = arith.constant 0 : index
    %get3A_20 = tpu.vector_load %arg9[%get3A_19] {strides = array<i32>} : memref<32xf32, #tpu.memory_space<vmem>>, vector<16xf32>,
    %get3A_21 = vector.shape_cast %get3A_20 : vector<16xf32> to vector<16xf32>
    %scan3A = arith.constant 0 : i32
    %scan3A_22 = arith.constant 0 : i32
    %scan3A_23 = arith.constant 16 : i32
    %scan3A_24 = arith.addi %scan3A_22, %scan3A_23 : i32
    %scan3A_25 = arith.constant 1 : i32
    scf.for %scan3A_39 = %scan3A_22 to %scan3A_24 step %scan3A_25  : i32 {
      %mul3A_40 = arith.constant 0 : i32
      %mul3A_41 = vector.broadcast %mul3A_40 : i32 to vector<16xi32>
      %mul3A_42 = arith.muli %iota3A, %mul3A_41 : vector<16xi32>
      %add3A_43 = vector.broadcast %scan3A_39 : i32 to vector<16xi32>
      %add3A_44 = arith.addi %mul3A_42, %add3A_43 : vector<16xi32>
      %lt3A = arith.constant 0 : i32
      %lt3A_45 = vector.broadcast %lt3A : i32 to vector<16xi32>
      %lt3A_46 = arith.cmpi slt, %add3A_44, %lt3A_45 : vector<16xi32>
      %add3A_47 = arith.constant 16 : i32
      %add3A_48 = vector.broadcast %add3A_47 : i32 to vector<16xi32>
      %add3A_49 = arith.addi %add3A_44, %add3A_48 : vector<16xi32>
      %select_n3A = arith.select %lt3A_46, %add3A_49, %add3A_44 : vector<16xi1>, vector<16xi32>
      %broadcast_in_dim3A = vector.shape_cast %select_n3A : vector<16xi32> to vector<16x1xi32>
      %gather3A = vector.shape_cast %broadcast_in_dim3A : vector<16x1xi32> to vector<16xi32>
      %gather3A_50 = tpu.dynamic_gather %get3A_18[%gather3A] in [0] : vector<16xf32>, vector<16xi32> -> vector<16xf32>
      %lt3A_51 = arith.constant 0 : i32
      %lt3A_52 = vector.broadcast %lt3A_51 : i32 to vector<16xi32>
      %lt3A_53 = arith.cmpi slt, %add3A_44, %lt3A_52 : vector<16xi32>
      %add3A_54 = arith.constant 16 : i32
      %add3A_55 = vector.broadcast %add3A_54 : i32 to vector<16xi32>
      %add3A_56 = arith.addi %add3A_44, %add3A_55 : vector<16xi32>
      %select_n3A_57 = arith.select %lt3A_53, %add3A_56, %add3A_44 : vector<16xi1>, vector<16xi32>
      %broadcast_in_dim3A_58 = vector.shape_cast %select_n3A_57 : vector<16xi32> to vector<16x1xi32>
      %gather3A_59 = vector.shape_cast %broadcast_in_dim3A_58 : vector<16x1xi32> to vector<16xi32>
      %gather3A_60 = tpu.dynamic_gather %get3A_21[%gather3A_59] in [0] : vector<16xf32>, vector<16xi32> -> vector<16xf32>
      %add3A_61 = arith.constant 0 : i32
      %add3A_62 = arith.addi %add3A_61, %scan3A_39 : i32
      %get3A_63 = arith.index_cast %add3A_62 : i32 to index
      %get3A_64 = arith.constant 0 : index
      %get3A_65 = tpu.vector_load %arg10[%get3A_63, %get3A_64] {strides = array<i32>} : memref<32x768xf32, #tpu.memory_space<vmem>>, vector<1x16xf32>,
      %get3A_66 = vector.shape_cast %get3A_65 : vector<1x16xf32> to vector<16xf32>
      %mul3A_67 = arith.mulf %gather3A_50, %get3A_66 : vector<16xf32>
      %get3A_68 = arith.index_cast %add3A_62 : i32 to index
      %get3A_69 = arith.constant 0 : index
      %get3A_70 = tpu.vector_load %arg11[%get3A_68, %get3A_69] {strides = array<i32>} : memref<32x768xf32, #tpu.memory_space<vmem>>, vector<1x16xf32>,
      %get3A_71 = vector.shape_cast %get3A_70 : vector<1x16xf32> to vector<16xf32>
      %mul3A_72 = arith.mulf %gather3A_60, %get3A_71 : vector<16xf32>
      %add3A_73 = arith.addf %mul3A_67, %mul3A_72 : vector<16xf32>
      %swap3A = arith.index_cast %add3A_62 : i32 to index
      %swap3A_74 = arith.constant 0 : index
      %swap3A_75 = tpu.vector_load %arg10[%swap3A, %swap3A_74] {strides = array<i32>} : memref<32x768xf32, #tpu.memory_space<vmem>>, vector<1x16xf32>,
      %swap3A_76 = vector.shape_cast %swap3A_75 : vector<1x16xf32> to vector<16xf32>
      %swap3A_77 = vector.shape_cast %add3A_73 : vector<16xf32> to vector<1x16xf32>
      tpu.vector_store %arg10[%swap3A, %swap3A_74], %swap3A_77 {strides = array<i32>} : memref<32x768xf32, #tpu.memory_space<vmem>>, vector<1x16xf32>,
      %get3A_78 = arith.index_cast %add3A_62 : i32 to index
      %get3A_79 = arith.constant 16 : index
      %get3A_80 = tpu.vector_load %arg10[%get3A_78, %get3A_79] {strides = array<i32>} : memref<32x768xf32, #tpu.memory_space<vmem>>, vector<1x16xf32>,
      %get3A_81 = vector.shape_cast %get3A_80 : vector<1x16xf32> to vector<16xf32>
      %mul3A_82 = arith.mulf %gather3A_50, %get3A_81 : vector<16xf32>
      %get3A_83 = arith.index_cast %add3A_62 : i32 to index
      %get3A_84 = arith.constant 16 : index
      %get3A_85 = tpu.vector_load %arg11[%get3A_83, %get3A_84] {strides = array<i32>} : memref<32x768xf32, #tpu.memory_space<vmem>>, vector<1x16xf32>,
      %get3A_86 = vector.shape_cast %get3A_85 : vector<1x16xf32> to vector<16xf32>
      %mul3A_87 = arith.mulf %gather3A_60, %get3A_86 : vector<16xf32>
      %add3A_88 = arith.addf %mul3A_82, %mul3A_87 : vector<16xf32>
      %swap3A_89 = arith.index_cast %add3A_62 : i32 to index
      %swap3A_90 = arith.constant 16 : index
      %swap3A_91 = tpu.vector_load %arg10[%swap3A_89, %swap3A_90] {strides = array<i32>} : memref<32x768xf32, #tpu.memory_space<vmem>>, vector<1x16xf32>,
      %swap3A_92 = vector.shape_cast %swap3A_91 : vector<1x16xf32> to vector<16xf32>
      %swap3A_93 = vector.shape_cast %add3A_88 : vector<16xf32> to vector<1x16xf32>
      tpu.vector_store %arg10[%swap3A_89, %swap3A_90], %swap3A_93 {strides = array<i32>} : memref<32x768xf32, #tpu.memory_space<vmem>>, vector<1x16xf32>,
      %get3A_94 = arith.index_cast %add3A_62 : i32 to index
      %get3A_95 = arith.constant 32 : index
      %get3A_96 = tpu.vector_load %arg10[%get3A_94, %get3A_95] {strides = array<i32>} : memref<32x768xf32, #tpu.memory_space<vmem>>, vector<1x16xf32>,
      %get3A_97 = vector.shape_cast %get3A_96 : vector<1x16xf32> to vector<16xf32>
      %mul3A_98 = arith.mulf %gather3A_50, %get3A_97 : vector<16xf32>
      %get3A_99 = arith.index_cast %add3A_62 : i32 to index
      %get3A_100 = arith.constant 32 : index
      %get3A_101 = tpu.vector_load %arg11[%get3A_99, %get3A_100] {strides = array<i32>} : memref<32x768xf32, #tpu.memory_space<vmem>>, vector<1x16xf32>,
      %get3A_102 = vector.shape_cast %get3A_101 : vector<1x16xf32> to vector<16xf32>
      %mul3A_103 = arith.mulf %gather3A_60, %get3A_102 : vector<16xf32>
      %add3A_104 = arith.addf %mul3A_98, %mul3A_103 : vector<16xf32>
      %swap3A_105 = arith.index_cast %add3A_62 : i32 to index
      %swap3A_106 = arith.constant 32 : index
      %swap3A_107 = tpu.vector_load %arg10[%swap3A_105, %swap3A_106] {strides = array<i32>} : memref<32x768xf32, #tpu.memory_space<vmem>>, vector<1x16xf32>,
      %swap3A_108 = vector.shape_cast %swap3A_107 : vector<1x16xf32> to vector<16xf32>
      %swap3A_109 = vector.shape_cast %add3A_104 : vector<16xf32> to vector<1x16xf32>
      tpu.vector_store %arg10[%swap3A_105, %swap3A_106], %swap3A_109 {strides = array<i32>} : memref<32x768xf32, #tpu.memory_space<vmem>>, vector<1x16xf32>,
      %get3A_110 = arith.index_cast %add3A_62 : i32 to index
      %get3A_111 = arith.constant 48 : index
      %get3A_112 = tpu.vector_load %arg10[%get3A_110, %get3A_111] {strides = array<i32>} : memref<32x768xf32, #tpu.memory_space<vmem>>, vector<1x16xf32>,
      %get3A_113 = vector.shape_cast %get3A_112 : vector<1x16xf32> to vector<16xf32>
      %mul3A_114 = arith.mulf %gather3A_50, %get3A_113 : vector<16xf32>
      %get3A_115 = arith.index_cast %add3A_62 : i32 to index
      %get3A_116 = arith.constant 48 : index
      %get3A_117 = tpu.vector_load %arg11[%get3A_115, %get3A_116] {strides = array<i32>} : memref<32x768xf32, #tpu.memory_space<vmem>>, vector<1x16xf32>,
      %get3A_118 = vector.shape_cast %get3A_117 : vector<1x16xf32> to vector<16xf32>
      %mul3A_119 = arith.mulf %gather3A_60, %get3A_118 : vector<16xf32>
      %add3A_120 = arith.addf %mul3A_114, %mul3A_119 : vector<16xf32>
      %swap3A_121 = arith.index_cast %add3A_62 : i32 to index
      %swap3A_122 = arith.constant 48 : index
      %swap3A_123 = tpu.vector_load %arg10[%swap3A_121, %swap3A_122] {strides = array<i32>} : memref<32x768xf32, #tpu.memory_space<vmem>>, vector<1x16xf32>,
      %swap3A_124 = vector.shape_cast %swap3A_123 : vector<1x16xf32> to vector<16xf32>
      %swap3A_125 = vector.shape_cast %add3A_120 : vector<16xf32> to vector<1x16xf32>
      tpu.vector_store %arg10[%swap3A_121, %swap3A_122], %swap3A_125 {strides = array<i32>} : memref<32x768xf32, #tpu.memory_space<vmem>>, vector<1x16xf32>,
      %get3A_126 = arith.index_cast %add3A_62 : i32 to index
      %get3A_127 = arith.constant 64 : index
      %get3A_128 = tpu.vector_load %arg10[%get3A_126, %get3A_127] {strides = array<i32>} : memref<32x768xf32, #tpu.memory_space<vmem>>, vector<1x16xf32>,
      %get3A_129 = vector.shape_cast %get3A_128 : vector<1x16xf32> to vector<16xf32>
      %mul3A_130 = arith.mulf %gather3A_50, %get3A_129 : vector<16xf32>
      %get3A_131 = arith.index_cast %add3A_62 : i32 to index
      %get3A_132 = arith.constant 64 : index
      %get3A_133 = tpu.vector_load %arg11[%get3A_131, %get3A_132] {strides = array<i32>} : memref<32x768xf32, #tpu.memory_space<vmem>>, vector<1x16xf32>,
      %get3A_134 = vector.shape_cast %get3A_133 : vector<1x16xf32> to vector<16xf32>
      %mul3A_135 = arith.mulf %gather3A_60, %get3A_134 : vector<16xf32>
      %add3A_136 = arith.addf %mul3A_130, %mul3A_135 : vector<16xf32>
      %swap3A_137 = arith.index_cast %add3A_62 : i32 to index
      %swap3A_138 = arith.constant 64 : index
      %swap3A_139 = tpu.vector_load %arg10[%swap3A_137, %swap3A_138] {strides = array<i32>} : memref<32x768xf32, #tpu.memory_space<vmem>>, vector<1x16xf32>,
      %swap3A_140 = vector.shape_cast %swap3A_139 : vector<1x16xf32> to vector<16xf32>
      %swap3A_141 = vector.shape_cast %add3A_136 : vector<16xf32> to vector<1x16xf32>
      tpu.vector_store %arg10[%swap3A_137, %swap3A_138], %swap3A_141 {strides = array<i32>} : memref<32x768xf32, #tpu.memory_space<vmem>>, vector<1x16xf32>,
      %get3A_142 = arith.index_cast %add3A_62 : i32 to index
      %get3A_143 = arith.constant 80 : index
      %get3A_144 = tpu.vector_load %arg10[%get3A_142, %get3A_143] {strides = array<i32>} : memref<32x768xf32, #tpu.memory_space<vmem>>, vector<1x16xf32>,
      %get3A_145 = vector.shape_cast %get3A_144 : vector<1x16xf32> to vector<16xf32>
      %mul3A_146 = arith.mulf %gather3A_50, %get3A_145 : vector<16xf32>
      %get3A_147 = arith.index_cast %add3A_62 : i32 to index
      %get3A_148 = arith.constant 80 : index
      %get3A_149 = tpu.vector_load %arg11[%get3A_147, %get3A_148] {strides = array<i32>} : memref<32x768xf32, #tpu.memory_space<vmem>>, vector<1x16xf32>,
      %get3A_150 = vector.shape_cast %get3A_149 : vector<1x16xf32> to vector<16xf32>
      %mul3A_151 = arith.mulf %gather3A_60, %get3A_150 : vector<16xf32>
      %add3A_152 = arith.addf %mul3A_146, %mul3A_151 : vector<16xf32>
      %swap3A_153 = arith.index_cast %add3A_62 : i32 to index
      %swap3A_154 = arith.constant 80 : index
      %swap3A_155 = tpu.vector_load %arg10[%swap3A_153, %swap3A_154] {strides = array<i32>} : memref<32x768xf32, #tpu.memory_space<vmem>>, vector<1x16xf32>,
      %swap3A_156 = vector.shape_cast %swap3A_155 : vector<1x16xf32> to vector<16xf32>
      %swap3A_157 = vector.shape_cast %add3A_152 : vector<16xf32> to vector<1x16xf32>
      tpu.vector_store %arg10[%swap3A_153, %swap3A_154], %swap3A_157 {strides = array<i32>} : memref<32x768xf32, #tpu.memory_space<vmem>>, vector<1x16xf32>,
      %get3A_158 = arith.index_cast %add3A_62 : i32 to index
      %get3A_159 = arith.constant 96 : index
      %get3A_160 = tpu.vector_load %arg10[%get3A_158, %get3A_159] {strides = array<i32>} : memref<32x768xf32, #tpu.memory_space<vmem>>, vector<1x16xf32>,
      %get3A_161 = vector.shape_cast %get3A_160 : vector<1x16xf32> to vector<16xf32>
      %mul3A_162 = arith.mulf %gather3A_50, %get3A_161 : vector<16xf32>
      %get3A_163 = arith.index_cast %add3A_62 : i32 to index
      %get3A_164 = arith.constant 96 : index
      %get3A_165 = tpu.vector_load %arg11[%get3A_163, %get3A_164] {strides = array<i32>} : memref<32x768xf32, #tpu.memory_space<vmem>>, vector<1x16xf32>,
      %get3A_166 = vector.shape_cast %get3A_165 : vector<1x16xf32> to vector<16xf32>
      %mul3A_167 = arith.mulf %gather3A_60, %get3A_166 : vector<16xf32>
      %add3A_168 = arith.addf %mul3A_162, %mul3A_167 : vector<16xf32>
      %swap3A_169 = arith.index_cast %add3A_62 : i32 to index
      %swap3A_170 = arith.constant 96 : index
      %swap3A_171 = tpu.vector_load %arg10[%swap3A_169, %swap3A_170] {strides = array<i32>} : memref<32x768xf32, #tpu.memory_space<vmem>>, vector<1x16xf32>,
      %swap3A_172 = vector.shape_cast %swap3A_171 : vector<1x16xf32> to vector<16xf32>
      %swap3A_173 = vector.shape_cast %add3A_168 : vector<16xf32> to vector<1x16xf32>
      tpu.vector_store %arg10[%swap3A_169, %swap3A_170], %swap3A_173 {strides = array<i32>} : memref<32x768xf32, #tpu.memory_space<vmem>>, vector<1x16xf32>,
      %get3A_174 = arith.index_cast %add3A_62 : i32 to index
      %get3A_175 = arith.constant 112 : index
      %get3A_176 = tpu.vector_load %arg10[%get3A_174, %get3A_175] {strides = array<i32>} : memref<32x768xf32, #tpu.memory_space<vmem>>, vector<1x16xf32>,
      %get3A_177 = vector.shape_cast %get3A_176 : vector<1x16xf32> to vector<16xf32>
      %mul3A_178 = arith.mulf %gather3A_50, %get3A_177 : vector<16xf32>
      %get3A_179 = arith.index_cast %add3A_62 : i32 to index
      %get3A_180 = arith.constant 112 : index
      %get3A_181 = tpu.vector_load %arg11[%get3A_179, %get3A_180] {strides = array<i32>} : memref<32x768xf32, #tpu.memory_space<vmem>>, vector<1x16xf32>,
      %get3A_182 = vector.shape_cast %get3A_181 : vector<1x16xf32> to vector<16xf32>
      %mul3A_183 = arith.mulf %gather3A_60, %get3A_182 : vector<16xf32>
      %add3A_184 = arith.addf %mul3A_178, %mul3A_183 : vector<16xf32>
      %swap3A_185 = arith.index_cast %add3A_62 : i32 to index
      %swap3A_186 = arith.constant 112 : index
      %swap3A_187 = tpu.vector_load %arg10[%swap3A_185, %swap3A_186] {strides = array<i32>} : memref<32x768xf32, #tpu.memory_space<vmem>>, vector<1x16xf32>,
      %swap3A_188 = vector.shape_cast %swap3A_187 : vector<1x16xf32> to vector<16xf32>
      %swap3A_189 = vector.shape_cast %add3A_184 : vector<16xf32> to vector<1x16xf32>
      tpu.vector_store %arg10[%swap3A_185, %swap3A_186], %swap3A_189 {strides = array<i32>} : memref<32x768xf32, #tpu.memory_space<vmem>>, vector<1x16xf32>,
      %get3A_190 = arith.index_cast %add3A_62 : i32 to index
      %get3A_191 = arith.constant 128 : index
      %get3A_192 = tpu.vector_load %arg10[%get3A_190, %get3A_191] {strides = array<i32>} : memref<32x768xf32, #tpu.memory_space<vmem>>, vector<1x16xf32>,
      %get3A_193 = vector.shape_cast %get3A_192 : vector<1x16xf32> to vector<16xf32>
      %mul3A_194 = arith.mulf %gather3A_50, %get3A_193 : vector<16xf32>
      %get3A_195 = arith.index_cast %add3A_62 : i32 to index
      %get3A_196 = arith.constant 128 : index
      %get3A_197 = tpu.vector_load %arg11[%get3A_195, %get3A_196] {strides = array<i32>} : memref<32x768xf32, #tpu.memory_space<vmem>>, vector<1x16xf32>,
      %get3A_198 = vector.shape_cast %get3A_197 : vector<1x16xf32> to vector<16xf32>
      %mul3A_199 = arith.mulf %gather3A_60, %get3A_198 : vector<16xf32>
      %add3A_200 = arith.addf %mul3A_194, %mul3A_199 : vector<16xf32>
      %swap3A_201 = arith.index_cast %add3A_62 : i32 to index
      %swap3A_202 = arith.constant 128 : index
      %swap3A_203 = tpu.vector_load %arg10[%swap3A_201, %swap3A_202] {strides = array<i32>} : memref<32x768xf32, #tpu.memory_space<vmem>>, vector<1x16xf32>,
      %swap3A_204 = vector.shape_cast %swap3A_203 : vector<1x16xf32> to vector<16xf32>
      %swap3A_205 = vector.shape_cast %add3A_200 : vector<16xf32> to vector<1x16xf32>
      tpu.vector_store %arg10[%swap3A_201, %swap3A_202], %swap3A_205 {strides = array<i32>} : memref<32x768xf32, #tpu.memory_space<vmem>>, vector<1x16xf32>,
      %get3A_206 = arith.index_cast %add3A_62 : i32 to index
      %get3A_207 = arith.constant 144 : index
      %get3A_208 = tpu.vector_load %arg10[%get3A_206, %get3A_207] {strides = array<i32>} : memref<32x768xf32, #tpu.memory_space<vmem>>, vector<1x16xf32>,
      %get3A_209 = vector.shape_cast %get3A_208 : vector<1x16xf32> to vector<16xf32>
      %mul3A_210 = arith.mulf %gather3A_50, %get3A_209 : vector<16xf32>
      %get3A_211 = arith.index_cast %add3A_62 : i32 to index
      %get3A_212 = arith.constant 144 : index
      %get3A_213 = tpu.vector_load %arg11[%get3A_211, %get3A_212] {strides = array<i32>} : memref<32x768xf32, #tpu.memory_space<vmem>>, vector<1x16xf32>,
      %get3A_214 = vector.shape_cast %get3A_213 : vector<1x16xf32> to vector<16xf32>
      %mul3A_215 = arith.mulf %gather3A_60, %get3A_214 : vector<16xf32>
      %add3A_216 = arith.addf %mul3A_210, %mul3A_215 : vector<16xf32>
      %swap3A_217 = arith.index_cast %add3A_62 : i32 to index
      %swap3A_218 = arith.constant 144 : index
      %swap3A_219 = tpu.vector_load %arg10[%swap3A_217, %swap3A_218] {strides = array<i32>} : memref<32x768xf32, #tpu.memory_space<vmem>>, vector<1x16xf32>,
      %swap3A_220 = vector.shape_cast %swap3A_219 : vector<1x16xf32> to vector<16xf32>
      %swap3A_221 = vector.shape_cast %add3A_216 : vector<16xf32> to vector<1x16xf32>
      tpu.vector_store %arg10[%swap3A_217, %swap3A_218], %swap3A_221 {strides = array<i32>} : memref<32x768xf32, #tpu.memory_space<vmem>>, vector<1x16xf32>,
      %get3A_222 = arith.index_cast %add3A_62 : i32 to index
      %get3A_223 = arith.constant 160 : index
      %get3A_224 = tpu.vector_load %arg10[%get3A_222, %get3A_223] {strides = array<i32>} : memref<32x768xf32, #tpu.memory_space<vmem>>, vector<1x16xf32>,
      %get3A_225 = vector.shape_cast %get3A_224 : vector<1x16xf32> to vector<16xf32>
      %mul3A_226 = arith.mulf %gather3A_50, %get3A_225 : vector<16xf32>
      %get3A_227 = arith.index_cast %add3A_62 : i32 to index
      %get3A_228 = arith.constant 160 : index
      %get3A_229 = tpu.vector_load %arg11[%get3A_227, %get3A_228] {strides = array<i32>} : memref<32x768xf32, #tpu.memory_space<vmem>>, vector<1x16xf32>,
      %get3A_230 = vector.shape_cast %get3A_229 : vector<1x16xf32> to vector<16xf32>
      %mul3A_231 = arith.mulf %gather3A_60, %get3A_230 : vector<16xf32>
      %add3A_232 = arith.addf %mul3A_226, %mul3A_231 : vector<16xf32>
      %swap3A_233 = arith.index_cast %add3A_62 : i32 to index
      %swap3A_234 = arith.constant 160 : index
      %swap3A_235 = tpu.vector_load %arg10[%swap3A_233, %swap3A_234] {strides = array<i32>} : memref<32x768xf32, #tpu.memory_space<vmem>>, vector<1x16xf32>,
      %swap3A_236 = vector.shape_cast %swap3A_235 : vector<1x16xf32> to vector<16xf32>
      %swap3A_237 = vector.shape_cast %add3A_232 : vector<16xf32> to vector<1x16xf32>
      tpu.vector_store %arg10[%swap3A_233, %swap3A_234], %swap3A_237 {strides = array<i32>} : memref<32x768xf32, #tpu.memory_space<vmem>>, vector<1x16xf32>,
      %get3A_238 = arith.index_cast %add3A_62 : i32 to index
      %get3A_239 = arith.constant 176 : index
      %get3A_240 = tpu.vector_load %arg10[%get3A_238, %get3A_239] {strides = array<i32>} : memref<32x768xf32, #tpu.memory_space<vmem>>, vector<1x16xf32>,
      %get3A_241 = vector.shape_cast %get3A_240 : vector<1x16xf32> to vector<16xf32>
      %mul3A_242 = arith.mulf %gather3A_50, %get3A_241 : vector<16xf32>
      %get3A_243 = arith.index_cast %add3A_62 : i32 to index
      %get3A_244 = arith.constant 176 : index
      %get3A_245 = tpu.vector_load %arg11[%get3A_243, %get3A_244] {strides = array<i32>} : memref<32x768xf32, #tpu.memory_space<vmem>>, vector<1x16xf32>,
      %get3A_246 = vector.shape_cast %get3A_245 : vector<1x16xf32> to vector<16xf32>
      %mul3A_247 = arith.mulf %gather3A_60, %get3A_246 : vector<16xf32>
      %add3A_248 = arith.addf %mul3A_242, %mul3A_247 : vector<16xf32>
      %swap3A_249 = arith.index_cast %add3A_62 : i32 to index
      %swap3A_250 = arith.constant 176 : index
      %swap3A_251 = tpu.vector_load %arg10[%swap3A_249, %swap3A_250] {strides = array<i32>} : memref<32x768xf32, #tpu.memory_space<vmem>>, vector<1x16xf32>,
      %swap3A_252 = vector.shape_cast %swap3A_251 : vector<1x16xf32> to vector<16xf32>
      %swap3A_253 = vector.shape_cast %add3A_248 : vector<16xf32> to vector<1x16xf32>
      tpu.vector_store %arg10[%swap3A_249, %swap3A_250], %swap3A_253 {strides = array<i32>} : memref<32x768xf32, #tpu.memory_space<vmem>>, vector<1x16xf32>,
      %get3A_254 = arith.index_cast %add3A_62 : i32 to index
      %get3A_255 = arith.constant 192 : index
      %get3A_256 = tpu.vector_load %arg10[%get3A_254, %get3A_255] {strides = array<i32>} : memref<32x768xf32, #tpu.memory_space<vmem>>, vector<1x16xf32>,
      %get3A_257 = vector.shape_cast %get3A_256 : vector<1x16xf32> to vector<16xf32>
      %mul3A_258 = arith.mulf %gather3A_50, %get3A_257 : vector<16xf32>
      %get3A_259 = arith.index_cast %add3A_62 : i32 to index
      %get3A_260 = arith.constant 192 : index
      %get3A_261 = tpu.vector_load %arg11[%get3A_259, %get3A_260] {strides = array<i32>} : memref<32x768xf32, #tpu.memory_space<vmem>>, vector<1x16xf32>,
      %get3A_262 = vector.shape_cast %get3A_261 : vector<1x16xf32> to vector<16xf32>
      %mul3A_263 = arith.mulf %gather3A_60, %get3A_262 : vector<16xf32>
      %add3A_264 = arith.addf %mul3A_258, %mul3A_263 : vector<16xf32>
      %swap3A_265 = arith.index_cast %add3A_62 : i32 to index
      %swap3A_266 = arith.constant 192 : index
      %swap3A_267 = tpu.vector_load %arg10[%swap3A_265, %swap3A_266] {strides = array<i32>} : memref<32x768xf32, #tpu.memory_space<vmem>>, vector<1x16xf32>,
      %swap3A_268 = vector.shape_cast %swap3A_267 : vector<1x16xf32> to vector<16xf32>
      %swap3A_269 = vector.shape_cast %add3A_264 : vector<16xf32> to vector<1x16xf32>
      tpu.vector_store %arg10[%swap3A_265, %swap3A_266], %swap3A_269 {strides = array<i32>} : memref<32x768xf32, #tpu.memory_space<vmem>>, vector<1x16xf32>,
      %get3A_270 = arith.index_cast %add3A_62 : i32 to index
      %get3A_271 = arith.constant 208 : index
      %get3A_272 = tpu.vector_load %arg10[%get3A_270, %get3A_271] {strides = array<i32>} : memref<32x768xf32, #tpu.memory_space<vmem>>, vector<1x16xf32>,
      %get3A_273 = vector.shape_cast %get3A_272 : vector<1x16xf32> to vector<16xf32>
      %mul3A_274 = arith.mulf %gather3A_50, %get3A_273 : vector<16xf32>
      %get3A_275 = arith.index_cast %add3A_62 : i32 to index
      %get3A_276 = arith.constant 208 : index
      %get3A_277 = tpu.vector_load %arg11[%get3A_275, %get3A_276] {strides = array<i32>} : memref<32x768xf32, #tpu.memory_space<vmem>>, vector<1x16xf32>,
      %get3A_278 = vector.shape_cast %get3A_277 : vector<1x16xf32> to vector<16xf32>
      %mul3A_279 = arith.mulf %gather3A_60, %get3A_278 : vector<16xf32>
      %add3A_280 = arith.addf %mul3A_274, %mul3A_279 : vector<16xf32>
      %swap3A_281 = arith.index_cast %add3A_62 : i32 to index
      %swap3A_282 = arith.constant 208 : index
      %swap3A_283 = tpu.vector_load %arg10[%swap3A_281, %swap3A_282] {strides = array<i32>} : memref<32x768xf32, #tpu.memory_space<vmem>>, vector<1x16xf32>,
      %swap3A_284 = vector.shape_cast %swap3A_283 : vector<1x16xf32> to vector<16xf32>
      %swap3A_285 = vector.shape_cast %add3A_280 : vector<16xf32> to vector<1x16xf32>
      tpu.vector_store %arg10[%swap3A_281, %swap3A_282], %swap3A_285 {strides = array<i32>} : memref<32x768xf32, #tpu.memory_space<vmem>>, vector<1x16xf32>,
      %get3A_286 = arith.index_cast %add3A_62 : i32 to index
      %get3A_287 = arith.constant 224 : index
      %get3A_288 = tpu.vector_load %arg10[%get3A_286, %get3A_287] {strides = array<i32>} : memref<32x768xf32, #tpu.memory_space<vmem>>, vector<1x16xf32>,
      %get3A_289 = vector.shape_cast %get3A_288 : vector<1x16xf32> to vector<16xf32>
      %mul3A_290 = arith.mulf %gather3A_50, %get3A_289 : vector<16xf32>
      %get3A_291 = arith.index_cast %add3A_62 : i32 to index
      %get3A_292 = arith.constant 224 : index
      %get3A_293 = tpu.vector_load %arg11[%get3A_291, %get3A_292] {strides = array<i32>} : memref<32x768xf32, #tpu.memory_space<vmem>>, vector<1x16xf32>,
      %get3A_294 = vector.shape_cast %get3A_293 : vector<1x16xf32> to vector<16xf32>
      %mul3A_295 = arith.mulf %gather3A_60, %get3A_294 : vector<16xf32>
      %add3A_296 = arith.addf %mul3A_290, %mul3A_295 : vector<16xf32>
      %swap3A_297 = arith.index_cast %add3A_62 : i32 to index
      %swap3A_298 = arith.constant 224 : index
      %swap3A_299 = tpu.vector_load %arg10[%swap3A_297, %swap3A_298] {strides = array<i32>} : memref<32x768xf32, #tpu.memory_space<vmem>>, vector<1x16xf32>,
      %swap3A_300 = vector.shape_cast %swap3A_299 : vector<1x16xf32> to vector<16xf32>
      %swap3A_301 = vector.shape_cast %add3A_296 : vector<16xf32> to vector<1x16xf32>
      tpu.vector_store %arg10[%swap3A_297, %swap3A_298], %swap3A_301 {strides = array<i32>} : memref<32x768xf32, #tpu.memory_space<vmem>>, vector<1x16xf32>,
      %get3A_302 = arith.index_cast %add3A_62 : i32 to index
      %get3A_303 = arith.constant 240 : index
      %get3A_304 = tpu.vector_load %arg10[%get3A_302, %get3A_303] {strides = array<i32>} : memref<32x768xf32, #tpu.memory_space<vmem>>, vector<1x16xf32>,
      %get3A_305 = vector.shape_cast %get3A_304 : vector<1x16xf32> to vector<16xf32>
      %mul3A_306 = arith.mulf %gather3A_50, %get3A_305 : vector<16xf32>
      %get3A_307 = arith.index_cast %add3A_62 : i32 to index
      %get3A_308 = arith.constant 240 : index
      %get3A_309 = tpu.vector_load %arg11[%get3A_307, %get3A_308] {strides = array<i32>} : memref<32x768xf32, #tpu.memory_space<vmem>>, vector<1x16xf32>,
      %get3A_310 = vector.shape_cast %get3A_309 : vector<1x16xf32> to vector<16xf32>
      %mul3A_311 = arith.mulf %gather3A_60, %get3A_310 : vector<16xf32>
      %add3A_312 = arith.addf %mul3A_306, %mul3A_311 : vector<16xf32>
      %swap3A_313 = arith.index_cast %add3A_62 : i32 to index
      %swap3A_314 = arith.constant 240 : index
      %swap3A_315 = tpu.vector_load %arg10[%swap3A_313, %swap3A_314] {strides = array<i32>} : memref<32x768xf32, #tpu.memory_space<vmem>>, vector<1x16xf32>,
      %swap3A_316 = vector.shape_cast %swap3A_315 : vector<1x16xf32> to vector<16xf32>
      %swap3A_317 = vector.shape_cast %add3A_312 : vector<16xf32> to vector<1x16xf32>
      tpu.vector_store %arg10[%swap3A_313, %swap3A_314], %swap3A_317 {strides = array<i32>} : memref<32x768xf32, #tpu.memory_space<vmem>>, vector<1x16xf32>,
      %get3A_318 = arith.index_cast %add3A_62 : i32 to index
      %get3A_319 = arith.constant 256 : index
      %get3A_320 = tpu.vector_load %arg10[%get3A_318, %get3A_319] {strides = array<i32>} : memref<32x768xf32, #tpu.memory_space<vmem>>, vector<1x16xf32>,
      %get3A_321 = vector.shape_cast %get3A_320 : vector<1x16xf32> to vector<16xf32>
      %mul3A_322 = arith.mulf %gather3A_50, %get3A_321 : vector<16xf32>
      %get3A_323 = arith.index_cast %add3A_62 : i32 to index
      %get3A_324 = arith.constant 256 : index
      %get3A_325 = tpu.vector_load %arg11[%get3A_323, %get3A_324] {strides = array<i32>} : memref<32x768xf32, #tpu.memory_space<vmem>>, vector<1x16xf32>,
      %get3A_326 = vector.shape_cast %get3A_325 : vector<1x16xf32> to vector<16xf32>
      %mul3A_327 = arith.mulf %gather3A_60, %get3A_326 : vector<16xf32>
      %add3A_328 = arith.addf %mul3A_322, %mul3A_327 : vector<16xf32>
      %swap3A_329 = arith.index_cast %add3A_62 : i32 to index
      %swap3A_330 = arith.constant 256 : index
      %swap3A_331 = tpu.vector_load %arg10[%swap3A_329, %swap3A_330] {strides = array<i32>} : memref<32x768xf32, #tpu.memory_space<vmem>>, vector<1x16xf32>,
      %swap3A_332 = vector.shape_cast %swap3A_331 : vector<1x16xf32> to vector<16xf32>
      %swap3A_333 = vector.shape_cast %add3A_328 : vector<16xf32> to vector<1x16xf32>
      tpu.vector_store %arg10[%swap3A_329, %swap3A_330], %swap3A_333 {strides = array<i32>} : memref<32x768xf32, #tpu.memory_space<vmem>>, vector<1x16xf32>,
      %get3A_334 = arith.index_cast %add3A_62 : i32 to index
      %get3A_335 = arith.constant 272 : index
      %get3A_336 = tpu.vector_load %arg10[%get3A_334, %get3A_335] {strides = array<i32>} : memref<32x768xf32, #tpu.memory_space<vmem>>, vector<1x16xf32>,
      %get3A_337 = vector.shape_cast %get3A_336 : vector<1x16xf32> to vector<16xf32>
      %mul3A_338 = arith.mulf %gather3A_50, %get3A_337 : vector<16xf32>
      %get3A_339 = arith.index_cast %add3A_62 : i32 to index
      %get3A_340 = arith.constant 272 : index
      %get3A_341 = tpu.vector_load %arg11[%get3A_339, %get3A_340] {strides = array<i32>} : memref<32x768xf32, #tpu.memory_space<vmem>>, vector<1x16xf32>,
      %get3A_342 = vector.shape_cast %get3A_341 : vector<1x16xf32> to vector<16xf32>
      %mul3A_343 = arith.mulf %gather3A_60, %get3A_342 : vector<16xf32>
      %add3A_344 = arith.addf %mul3A_338, %mul3A_343 : vector<16xf32>
      %swap3A_345 = arith.index_cast %add3A_62 : i32 to index
      %swap3A_346 = arith.constant 272 : index
      %swap3A_347 = tpu.vector_load %arg10[%swap3A_345, %swap3A_346] {strides = array<i32>} : memref<32x768xf32, #tpu.memory_space<vmem>>, vector<1x16xf32>,
      %swap3A_348 = vector.shape_cast %swap3A_347 : vector<1x16xf32> to vector<16xf32>
      %swap3A_349 = vector.shape_cast %add3A_344 : vector<16xf32> to vector<1x16xf32>
      tpu.vector_store %arg10[%swap3A_345, %swap3A_346], %swap3A_349 {strides = array<i32>} : memref<32x768xf32, #tpu.memory_space<vmem>>, vector<1x16xf32>,
      %get3A_350 = arith.index_cast %add3A_62 : i32 to index
      %get3A_351 = arith.constant 288 : index
      %get3A_352 = tpu.vector_load %arg10[%get3A_350, %get3A_351] {strides = array<i32>} : memref<32x768xf32, #tpu.memory_space<vmem>>, vector<1x16xf32>,
      %get3A_353 = vector.shape_cast %get3A_352 : vector<1x16xf32> to vector<16xf32>
      %mul3A_354 = arith.mulf %gather3A_50, %get3A_353 : vector<16xf32>
      %get3A_355 = arith.index_cast %add3A_62 : i32 to index
      %get3A_356 = arith.constant 288 : index
      %get3A_357 = tpu.vector_load %arg11[%get3A_355, %get3A_356] {strides = array<i32>} : memref<32x768xf32, #tpu.memory_space<vmem>>, vector<1x16xf32>,
      %get3A_358 = vector.shape_cast %get3A_357 : vector<1x16xf32> to vector<16xf32>
      %mul3A_359 = arith.mulf %gather3A_60, %get3A_358 : vector<16xf32>
      %add3A_360 = arith.addf %mul3A_354, %mul3A_359 : vector<16xf32>
      %swap3A_361 = arith.index_cast %add3A_62 : i32 to index
      %swap3A_362 = arith.constant 288 : index
      %swap3A_363 = tpu.vector_load %arg10[%swap3A_361, %swap3A_362] {strides = array<i32>} : memref<32x768xf32, #tpu.memory_space<vmem>>, vector<1x16xf32>,
      %swap3A_364 = vector.shape_cast %swap3A_363 : vector<1x16xf32> to vector<16xf32>
      %swap3A_365 = vector.shape_cast %add3A_360 : vector<16xf32> to vector<1x16xf32>
      tpu.vector_store %arg10[%swap3A_361, %swap3A_362], %swap3A_365 {strides = array<i32>} : memref<32x768xf32, #tpu.memory_space<vmem>>, vector<1x16xf32>,
      %get3A_366 = arith.index_cast %add3A_62 : i32 to index
      %get3A_367 = arith.constant 304 : index
      %get3A_368 = tpu.vector_load %arg10[%get3A_366, %get3A_367] {strides = array<i32>} : memref<32x768xf32, #tpu.memory_space<vmem>>, vector<1x16xf32>,
      %get3A_369 = vector.shape_cast %get3A_368 : vector<1x16xf32> to vector<16xf32>
      %mul3A_370 = arith.mulf %gather3A_50, %get3A_369 : vector<16xf32>
      %get3A_371 = arith.index_cast %add3A_62 : i32 to index
      %get3A_372 = arith.constant 304 : index
      %get3A_373 = tpu.vector_load %arg11[%get3A_371, %get3A_372] {strides = array<i32>} : memref<32x768xf32, #tpu.memory_space<vmem>>, vector<1x16xf32>,
      %get3A_374 = vector.shape_cast %get3A_373 : vector<1x16xf32> to vector<16xf32>
      %mul3A_375 = arith.mulf %gather3A_60, %get3A_374 : vector<16xf32>
      %add3A_376 = arith.addf %mul3A_370, %mul3A_375 : vector<16xf32>
      %swap3A_377 = arith.index_cast %add3A_62 : i32 to index
      %swap3A_378 = arith.constant 304 : index
      %swap3A_379 = tpu.vector_load %arg10[%swap3A_377, %swap3A_378] {strides = array<i32>} : memref<32x768xf32, #tpu.memory_space<vmem>>, vector<1x16xf32>,
      %swap3A_380 = vector.shape_cast %swap3A_379 : vector<1x16xf32> to vector<16xf32>
      %swap3A_381 = vector.shape_cast %add3A_376 : vector<16xf32> to vector<1x16xf32>
      tpu.vector_store %arg10[%swap3A_377, %swap3A_378], %swap3A_381 {strides = array<i32>} : memref<32x768xf32, #tpu.memory_space<vmem>>, vector<1x16xf32>,
      %get3A_382 = arith.index_cast %add3A_62 : i32 to index
      %get3A_383 = arith.constant 320 : index
      %get3A_384 = tpu.vector_load %arg10[%get3A_382, %get3A_383] {strides = array<i32>} : memref<32x768xf32, #tpu.memory_space<vmem>>, vector<1x16xf32>,
      %get3A_385 = vector.shape_cast %get3A_384 : vector<1x16xf32> to vector<16xf32>
      %mul3A_386 = arith.mulf %gather3A_50, %get3A_385 : vector<16xf32>
      %get3A_387 = arith.index_cast %add3A_62 : i32 to index
      %get3A_388 = arith.constant 320 : index
      %get3A_389 = tpu.vector_load %arg11[%get3A_387, %get3A_388] {strides = array<i32>} : memref<32x768xf32, #tpu.memory_space<vmem>>, vector<1x16xf32>,
      %get3A_390 = vector.shape_cast %get3A_389 : vector<1x16xf32> to vector<16xf32>
      %mul3A_391 = arith.mulf %gather3A_60, %get3A_390 : vector<16xf32>
      %add3A_392 = arith.addf %mul3A_386, %mul3A_391 : vector<16xf32>
      %swap3A_393 = arith.index_cast %add3A_62 : i32 to index
      %swap3A_394 = arith.constant 320 : index
      %swap3A_395 = tpu.vector_load %arg10[%swap3A_393, %swap3A_394] {strides = array<i32>} : memref<32x768xf32, #tpu.memory_space<vmem>>, vector<1x16xf32>,
      %swap3A_396 = vector.shape_cast %swap3A_395 : vector<1x16xf32> to vector<16xf32>
      %swap3A_397 = vector.shape_cast %add3A_392 : vector<16xf32> to vector<1x16xf32>
      tpu.vector_store %arg10[%swap3A_393, %swap3A_394], %swap3A_397 {strides = array<i32>} : memref<32x768xf32, #tpu.memory_space<vmem>>, vector<1x16xf32>,
      %get3A_398 = arith.index_cast %add3A_62 : i32 to index
      %get3A_399 = arith.constant 336 : index
      %get3A_400 = tpu.vector_load %arg10[%get3A_398, %get3A_399] {strides = array<i32>} : memref<32x768xf32, #tpu.memory_space<vmem>>, vector<1x16xf32>,
      %get3A_401 = vector.shape_cast %get3A_400 : vector<1x16xf32> to vector<16xf32>
      %mul3A_402 = arith.mulf %gather3A_50, %get3A_401 : vector<16xf32>
      %get3A_403 = arith.index_cast %add3A_62 : i32 to index
      %get3A_404 = arith.constant 336 : index
      %get3A_405 = tpu.vector_load %arg11[%get3A_403, %get3A_404] {strides = array<i32>} : memref<32x768xf32, #tpu.memory_space<vmem>>, vector<1x16xf32>,
      %get3A_406 = vector.shape_cast %get3A_405 : vector<1x16xf32> to vector<16xf32>
      %mul3A_407 = arith.mulf %gather3A_60, %get3A_406 : vector<16xf32>
      %add3A_408 = arith.addf %mul3A_402, %mul3A_407 : vector<16xf32>
      %swap3A_409 = arith.index_cast %add3A_62 : i32 to index
      %swap3A_410 = arith.constant 336 : index
      %swap3A_411 = tpu.vector_load %arg10[%swap3A_409, %swap3A_410] {strides = array<i32>} : memref<32x768xf32, #tpu.memory_space<vmem>>, vector<1x16xf32>,
      %swap3A_412 = vector.shape_cast %swap3A_411 : vector<1x16xf32> to vector<16xf32>
      %swap3A_413 = vector.shape_cast %add3A_408 : vector<16xf32> to vector<1x16xf32>
      tpu.vector_store %arg10[%swap3A_409, %swap3A_410], %swap3A_413 {strides = array<i32>} : memref<32x768xf32, #tpu.memory_space<vmem>>, vector<1x16xf32>,
      %get3A_414 = arith.index_cast %add3A_62 : i32 to index
      %get3A_415 = arith.constant 352 : index
      %get3A_416 = tpu.vector_load %arg10[%get3A_414, %get3A_415] {strides = array<i32>} : memref<32x768xf32, #tpu.memory_space<vmem>>, vector<1x16xf32>,
      %get3A_417 = vector.shape_cast %get3A_416 : vector<1x16xf32> to vector<16xf32>
      %mul3A_418 = arith.mulf %gather3A_50, %get3A_417 : vector<16xf32>
      %get3A_419 = arith.index_cast %add3A_62 : i32 to index
      %get3A_420 = arith.constant 352 : index
      %get3A_421 = tpu.vector_load %arg11[%get3A_419, %get3A_420] {strides = array<i32>} : memref<32x768xf32, #tpu.memory_space<vmem>>, vector<1x16xf32>,
      %get3A_422 = vector.shape_cast %get3A_421 : vector<1x16xf32> to vector<16xf32>
      %mul3A_423 = arith.mulf %gather3A_60, %get3A_422 : vector<16xf32>
      %add3A_424 = arith.addf %mul3A_418, %mul3A_423 : vector<16xf32>
      %swap3A_425 = arith.index_cast %add3A_62 : i32 to index
      %swap3A_426 = arith.constant 352 : index
      %swap3A_427 = tpu.vector_load %arg10[%swap3A_425, %swap3A_426] {strides = array<i32>} : memref<32x768xf32, #tpu.memory_space<vmem>>, vector<1x16xf32>,
      %swap3A_428 = vector.shape_cast %swap3A_427 : vector<1x16xf32> to vector<16xf32>
      %swap3A_429 = vector.shape_cast %add3A_424 : vector<16xf32> to vector<1x16xf32>
      tpu.vector_store %arg10[%swap3A_425, %swap3A_426], %swap3A_429 {strides = array<i32>} : memref<32x768xf32, #tpu.memory_space<vmem>>, vector<1x16xf32>,
      %get3A_430 = arith.index_cast %add3A_62 : i32 to index
      %get3A_431 = arith.constant 368 : index
      %get3A_432 = tpu.vector_load %arg10[%get3A_430, %get3A_431] {strides = array<i32>} : memref<32x768xf32, #tpu.memory_space<vmem>>, vector<1x16xf32>,
      %get3A_433 = vector.shape_cast %get3A_432 : vector<1x16xf32> to vector<16xf32>
      %mul3A_434 = arith.mulf %gather3A_50, %get3A_433 : vector<16xf32>
      %get3A_435 = arith.index_cast %add3A_62 : i32 to index
      %get3A_436 = arith.constant 368 : index
      %get3A_437 = tpu.vector_load %arg11[%get3A_435, %get3A_436] {strides = array<i32>} : memref<32x768xf32, #tpu.memory_space<vmem>>, vector<1x16xf32>,
      %get3A_438 = vector.shape_cast %get3A_437 : vector<1x16xf32> to vector<16xf32>
      %mul3A_439 = arith.mulf %gather3A_60, %get3A_438 : vector<16xf32>
      %add3A_440 = arith.addf %mul3A_434, %mul3A_439 : vector<16xf32>
      %swap3A_441 = arith.index_cast %add3A_62 : i32 to index
      %swap3A_442 = arith.constant 368 : index
      %swap3A_443 = tpu.vector_load %arg10[%swap3A_441, %swap3A_442] {strides = array<i32>} : memref<32x768xf32, #tpu.memory_space<vmem>>, vector<1x16xf32>,
      %swap3A_444 = vector.shape_cast %swap3A_443 : vector<1x16xf32> to vector<16xf32>
      %swap3A_445 = vector.shape_cast %add3A_440 : vector<16xf32> to vector<1x16xf32>
      tpu.vector_store %arg10[%swap3A_441, %swap3A_442], %swap3A_445 {strides = array<i32>} : memref<32x768xf32, #tpu.memory_space<vmem>>, vector<1x16xf32>,
      %get3A_446 = arith.index_cast %add3A_62 : i32 to index
      %get3A_447 = arith.constant 384 : index
      %get3A_448 = tpu.vector_load %arg10[%get3A_446, %get3A_447] {strides = array<i32>} : memref<32x768xf32, #tpu.memory_space<vmem>>, vector<1x16xf32>,
      %get3A_449 = vector.shape_cast %get3A_448 : vector<1x16xf32> to vector<16xf32>
      %mul3A_450 = arith.mulf %gather3A_50, %get3A_449 : vector<16xf32>
      %get3A_451 = arith.index_cast %add3A_62 : i32 to index
      %get3A_452 = arith.constant 384 : index
      %get3A_453 = tpu.vector_load %arg11[%get3A_451, %get3A_452] {strides = array<i32>} : memref<32x768xf32, #tpu.memory_space<vmem>>, vector<1x16xf32>,
      %get3A_454 = vector.shape_cast %get3A_453 : vector<1x16xf32> to vector<16xf32>
      %mul3A_455 = arith.mulf %gather3A_60, %get3A_454 : vector<16xf32>
      %add3A_456 = arith.addf %mul3A_450, %mul3A_455 : vector<16xf32>
      %swap3A_457 = arith.index_cast %add3A_62 : i32 to index
      %swap3A_458 = arith.constant 384 : index
      %swap3A_459 = tpu.vector_load %arg10[%swap3A_457, %swap3A_458] {strides = array<i32>} : memref<32x768xf32, #tpu.memory_space<vmem>>, vector<1x16xf32>,
      %swap3A_460 = vector.shape_cast %swap3A_459 : vector<1x16xf32> to vector<16xf32>
      %swap3A_461 = vector.shape_cast %add3A_456 : vector<16xf32> to vector<1x16xf32>
      tpu.vector_store %arg10[%swap3A_457, %swap3A_458], %swap3A_461 {strides = array<i32>} : memref<32x768xf32, #tpu.memory_space<vmem>>, vector<1x16xf32>,
      %get3A_462 = arith.index_cast %add3A_62 : i32 to index
      %get3A_463 = arith.constant 400 : index
      %get3A_464 = tpu.vector_load %arg10[%get3A_462, %get3A_463] {strides = array<i32>} : memref<32x768xf32, #tpu.memory_space<vmem>>, vector<1x16xf32>,
      %get3A_465 = vector.shape_cast %get3A_464 : vector<1x16xf32> to vector<16xf32>
      %mul3A_466 = arith.mulf %gather3A_50, %get3A_465 : vector<16xf32>
      %get3A_467 = arith.index_cast %add3A_62 : i32 to index
      %get3A_468 = arith.constant 400 : index
      %get3A_469 = tpu.vector_load %arg11[%get3A_467, %get3A_468] {strides = array<i32>} : memref<32x768xf32, #tpu.memory_space<vmem>>, vector<1x16xf32>,
      %get3A_470 = vector.shape_cast %get3A_469 : vector<1x16xf32> to vector<16xf32>
      %mul3A_471 = arith.mulf %gather3A_60, %get3A_470 : vector<16xf32>
      %add3A_472 = arith.addf %mul3A_466, %mul3A_471 : vector<16xf32>
      %swap3A_473 = arith.index_cast %add3A_62 : i32 to index
      %swap3A_474 = arith.constant 400 : index
      %swap3A_475 = tpu.vector_load %arg10[%swap3A_473, %swap3A_474] {strides = array<i32>} : memref<32x768xf32, #tpu.memory_space<vmem>>, vector<1x16xf32>,
      %swap3A_476 = vector.shape_cast %swap3A_475 : vector<1x16xf32> to vector<16xf32>
      %swap3A_477 = vector.shape_cast %add3A_472 : vector<16xf32> to vector<1x16xf32>
      tpu.vector_store %arg10[%swap3A_473, %swap3A_474], %swap3A_477 {strides = array<i32>} : memref<32x768xf32, #tpu.memory_space<vmem>>, vector<1x16xf32>,
      %get3A_478 = arith.index_cast %add3A_62 : i32 to index
      %get3A_479 = arith.constant 416 : index
      %get3A_480 = tpu.vector_load %arg10[%get3A_478, %get3A_479] {strides = array<i32>} : memref<32x768xf32, #tpu.memory_space<vmem>>, vector<1x16xf32>,
      %get3A_481 = vector.shape_cast %get3A_480 : vector<1x16xf32> to vector<16xf32>
      %mul3A_482 = arith.mulf %gather3A_50, %get3A_481 : vector<16xf32>
      %get3A_483 = arith.index_cast %add3A_62 : i32 to index
      %get3A_484 = arith.constant 416 : index
      %get3A_485 = tpu.vector_load %arg11[%get3A_483, %get3A_484] {strides = array<i32>} : memref<32x768xf32, #tpu.memory_space<vmem>>, vector<1x16xf32>,
      %get3A_486 = vector.shape_cast %get3A_485 : vector<1x16xf32> to vector<16xf32>
      %mul3A_487 = arith.mulf %gather3A_60, %get3A_486 : vector<16xf32>
      %add3A_488 = arith.addf %mul3A_482, %mul3A_487 : vector<16xf32>
      %swap3A_489 = arith.index_cast %add3A_62 : i32 to index
      %swap3A_490 = arith.constant 416 : index
      %swap3A_491 = tpu.vector_load %arg10[%swap3A_489, %swap3A_490] {strides = array<i32>} : memref<32x768xf32, #tpu.memory_space<vmem>>, vector<1x16xf32>,
      %swap3A_492 = vector.shape_cast %swap3A_491 : vector<1x16xf32> to vector<16xf32>
      %swap3A_493 = vector.shape_cast %add3A_488 : vector<16xf32> to vector<1x16xf32>
      tpu.vector_store %arg10[%swap3A_489, %swap3A_490], %swap3A_493 {strides = array<i32>} : memref<32x768xf32, #tpu.memory_space<vmem>>, vector<1x16xf32>,
      %get3A_494 = arith.index_cast %add3A_62 : i32 to index
      %get3A_495 = arith.constant 432 : index
      %get3A_496 = tpu.vector_load %arg10[%get3A_494, %get3A_495] {strides = array<i32>} : memref<32x768xf32, #tpu.memory_space<vmem>>, vector<1x16xf32>,
      %get3A_497 = vector.shape_cast %get3A_496 : vector<1x16xf32> to vector<16xf32>
      %mul3A_498 = arith.mulf %gather3A_50, %get3A_497 : vector<16xf32>
      %get3A_499 = arith.index_cast %add3A_62 : i32 to index
      %get3A_500 = arith.constant 432 : index
      %get3A_501 = tpu.vector_load %arg11[%get3A_499, %get3A_500] {strides = array<i32>} : memref<32x768xf32, #tpu.memory_space<vmem>>, vector<1x16xf32>,
      %get3A_502 = vector.shape_cast %get3A_501 : vector<1x16xf32> to vector<16xf32>
      %mul3A_503 = arith.mulf %gather3A_60, %get3A_502 : vector<16xf32>
      %add3A_504 = arith.addf %mul3A_498, %mul3A_503 : vector<16xf32>
      %swap3A_505 = arith.index_cast %add3A_62 : i32 to index
      %swap3A_506 = arith.constant 432 : index
      %swap3A_507 = tpu.vector_load %arg10[%swap3A_505, %swap3A_506] {strides = array<i32>} : memref<32x768xf32, #tpu.memory_space<vmem>>, vector<1x16xf32>,
      %swap3A_508 = vector.shape_cast %swap3A_507 : vector<1x16xf32> to vector<16xf32>
      %swap3A_509 = vector.shape_cast %add3A_504 : vector<16xf32> to vector<1x16xf32>
      tpu.vector_store %arg10[%swap3A_505, %swap3A_506], %swap3A_509 {strides = array<i32>} : memref<32x768xf32, #tpu.memory_space<vmem>>, vector<1x16xf32>,
      %get3A_510 = arith.index_cast %add3A_62 : i32 to index
      %get3A_511 = arith.constant 448 : index
      %get3A_512 = tpu.vector_load %arg10[%get3A_510, %get3A_511] {strides = array<i32>} : memref<32x768xf32, #tpu.memory_space<vmem>>, vector<1x16xf32>,
      %get3A_513 = vector.shape_cast %get3A_512 : vector<1x16xf32> to vector<16xf32>
      %mul3A_514 = arith.mulf %gather3A_50, %get3A_513 : vector<16xf32>
      %get3A_515 = arith.index_cast %add3A_62 : i32 to index
      %get3A_516 = arith.constant 448 : index
      %get3A_517 = tpu.vector_load %arg11[%get3A_515, %get3A_516] {strides = array<i32>} : memref<32x768xf32, #tpu.memory_space<vmem>>, vector<1x16xf32>,
      %get3A_518 = vector.shape_cast %get3A_517 : vector<1x16xf32> to vector<16xf32>
      %mul3A_519 = arith.mulf %gather3A_60, %get3A_518 : vector<16xf32>
      %add3A_520 = arith.addf %mul3A_514, %mul3A_519 : vector<16xf32>
      %swap3A_521 = arith.index_cast %add3A_62 : i32 to index
      %swap3A_522 = arith.constant 448 : index
      %swap3A_523 = tpu.vector_load %arg10[%swap3A_521, %swap3A_522] {strides = array<i32>} : memref<32x768xf32, #tpu.memory_space<vmem>>, vector<1x16xf32>,
      %swap3A_524 = vector.shape_cast %swap3A_523 : vector<1x16xf32> to vector<16xf32>
      %swap3A_525 = vector.shape_cast %add3A_520 : vector<16xf32> to vector<1x16xf32>
      tpu.vector_store %arg10[%swap3A_521, %swap3A_522], %swap3A_525 {strides = array<i32>} : memref<32x768xf32, #tpu.memory_space<vmem>>, vector<1x16xf32>,
      %get3A_526 = arith.index_cast %add3A_62 : i32 to index
      %get3A_527 = arith.constant 464 : index
      %get3A_528 = tpu.vector_load %arg10[%get3A_526, %get3A_527] {strides = array<i32>} : memref<32x768xf32, #tpu.memory_space<vmem>>, vector<1x16xf32>,
      %get3A_529 = vector.shape_cast %get3A_528 : vector<1x16xf32> to vector<16xf32>
      %mul3A_530 = arith.mulf %gather3A_50, %get3A_529 : vector<16xf32>
      %get3A_531 = arith.index_cast %add3A_62 : i32 to index
      %get3A_532 = arith.constant 464 : index
      %get3A_533 = tpu.vector_load %arg11[%get3A_531, %get3A_532] {strides = array<i32>} : memref<32x768xf32, #tpu.memory_space<vmem>>, vector<1x16xf32>,
      %get3A_534 = vector.shape_cast %get3A_533 : vector<1x16xf32> to vector<16xf32>
      %mul3A_535 = arith.mulf %gather3A_60, %get3A_534 : vector<16xf32>
      %add3A_536 = arith.addf %mul3A_530, %mul3A_535 : vector<16xf32>
      %swap3A_537 = arith.index_cast %add3A_62 : i32 to index
      %swap3A_538 = arith.constant 464 : index
      %swap3A_539 = tpu.vector_load %arg10[%swap3A_537, %swap3A_538] {strides = array<i32>} : memref<32x768xf32, #tpu.memory_space<vmem>>, vector<1x16xf32>,
      %swap3A_540 = vector.shape_cast %swap3A_539 : vector<1x16xf32> to vector<16xf32>
      %swap3A_541 = vector.shape_cast %add3A_536 : vector<16xf32> to vector<1x16xf32>
      tpu.vector_store %arg10[%swap3A_537, %swap3A_538], %swap3A_541 {strides = array<i32>} : memref<32x768xf32, #tpu.memory_space<vmem>>, vector<1x16xf32>,
      %get3A_542 = arith.index_cast %add3A_62 : i32 to index
      %get3A_543 = arith.constant 480 : index
      %get3A_544 = tpu.vector_load %arg10[%get3A_542, %get3A_543] {strides = array<i32>} : memref<32x768xf32, #tpu.memory_space<vmem>>, vector<1x16xf32>,
      %get3A_545 = vector.shape_cast %get3A_544 : vector<1x16xf32> to vector<16xf32>
      %mul3A_546 = arith.mulf %gather3A_50, %get3A_545 : vector<16xf32>
      %get3A_547 = arith.index_cast %add3A_62 : i32 to index
      %get3A_548 = arith.constant 480 : index
      %get3A_549 = tpu.vector_load %arg11[%get3A_547, %get3A_548] {strides = array<i32>} : memref<32x768xf32, #tpu.memory_space<vmem>>, vector<1x16xf32>,
      %get3A_550 = vector.shape_cast %get3A_549 : vector<1x16xf32> to vector<16xf32>
      %mul3A_551 = arith.mulf %gather3A_60, %get3A_550 : vector<16xf32>
      %add3A_552 = arith.addf %mul3A_546, %mul3A_551 : vector<16xf32>
      %swap3A_553 = arith.index_cast %add3A_62 : i32 to index
      %swap3A_554 = arith.constant 480 : index
      %swap3A_555 = tpu.vector_load %arg10[%swap3A_553, %swap3A_554] {strides = array<i32>} : memref<32x768xf32, #tpu.memory_space<vmem>>, vector<1x16xf32>,
      %swap3A_556 = vector.shape_cast %swap3A_555 : vector<1x16xf32> to vector<16xf32>
      %swap3A_557 = vector.shape_cast %add3A_552 : vector<16xf32> to vector<1x16xf32>
      tpu.vector_store %arg10[%swap3A_553, %swap3A_554], %swap3A_557 {strides = array<i32>} : memref<32x768xf32, #tpu.memory_space<vmem>>, vector<1x16xf32>,
      %get3A_558 = arith.index_cast %add3A_62 : i32 to index
      %get3A_559 = arith.constant 496 : index
      %get3A_560 = tpu.vector_load %arg10[%get3A_558, %get3A_559] {strides = array<i32>} : memref<32x768xf32, #tpu.memory_space<vmem>>, vector<1x16xf32>,
      %get3A_561 = vector.shape_cast %get3A_560 : vector<1x16xf32> to vector<16xf32>
      %mul3A_562 = arith.mulf %gather3A_50, %get3A_561 : vector<16xf32>
      %get3A_563 = arith.index_cast %add3A_62 : i32 to index
      %get3A_564 = arith.constant 496 : index
      %get3A_565 = tpu.vector_load %arg11[%get3A_563, %get3A_564] {strides = array<i32>} : memref<32x768xf32, #tpu.memory_space<vmem>>, vector<1x16xf32>,
      %get3A_566 = vector.shape_cast %get3A_565 : vector<1x16xf32> to vector<16xf32>
      %mul3A_567 = arith.mulf %gather3A_60, %get3A_566 : vector<16xf32>
      %add3A_568 = arith.addf %mul3A_562, %mul3A_567 : vector<16xf32>
      %swap3A_569 = arith.index_cast %add3A_62 : i32 to index
      %swap3A_570 = arith.constant 496 : index
      %swap3A_571 = tpu.vector_load %arg10[%swap3A_569, %swap3A_570] {strides = array<i32>} : memref<32x768xf32, #tpu.memory_space<vmem>>, vector<1x16xf32>,
      %swap3A_572 = vector.shape_cast %swap3A_571 : vector<1x16xf32> to vector<16xf32>
      %swap3A_573 = vector.shape_cast %add3A_568 : vector<16xf32> to vector<1x16xf32>
      tpu.vector_store %arg10[%swap3A_569, %swap3A_570], %swap3A_573 {strides = array<i32>} : memref<32x768xf32, #tpu.memory_space<vmem>>, vector<1x16xf32>,
      %get3A_574 = arith.index_cast %add3A_62 : i32 to index
      %get3A_575 = arith.constant 512 : index
      %get3A_576 = tpu.vector_load %arg10[%get3A_574, %get3A_575] {strides = array<i32>} : memref<32x768xf32, #tpu.memory_space<vmem>>, vector<1x16xf32>,
      %get3A_577 = vector.shape_cast %get3A_576 : vector<1x16xf32> to vector<16xf32>
      %mul3A_578 = arith.mulf %gather3A_50, %get3A_577 : vector<16xf32>
      %get3A_579 = arith.index_cast %add3A_62 : i32 to index
      %get3A_580 = arith.constant 512 : index
      %get3A_581 = tpu.vector_load %arg11[%get3A_579, %get3A_580] {strides = array<i32>} : memref<32x768xf32, #tpu.memory_space<vmem>>, vector<1x16xf32>,
      %get3A_582 = vector.shape_cast %get3A_581 : vector<1x16xf32> to vector<16xf32>
      %mul3A_583 = arith.mulf %gather3A_60, %get3A_582 : vector<16xf32>
      %add3A_584 = arith.addf %mul3A_578, %mul3A_583 : vector<16xf32>
      %swap3A_585 = arith.index_cast %add3A_62 : i32 to index
      %swap3A_586 = arith.constant 512 : index
      %swap3A_587 = tpu.vector_load %arg10[%swap3A_585, %swap3A_586] {strides = array<i32>} : memref<32x768xf32, #tpu.memory_space<vmem>>, vector<1x16xf32>,
      %swap3A_588 = vector.shape_cast %swap3A_587 : vector<1x16xf32> to vector<16xf32>
      %swap3A_589 = vector.shape_cast %add3A_584 : vector<16xf32> to vector<1x16xf32>
      tpu.vector_store %arg10[%swap3A_585, %swap3A_586], %swap3A_589 {strides = array<i32>} : memref<32x768xf32, #tpu.memory_space<vmem>>, vector<1x16xf32>,
      %get3A_590 = arith.index_cast %add3A_62 : i32 to index
      %get3A_591 = arith.constant 528 : index
      %get3A_592 = tpu.vector_load %arg10[%get3A_590, %get3A_591] {strides = array<i32>} : memref<32x768xf32, #tpu.memory_space<vmem>>, vector<1x16xf32>,
      %get3A_593 = vector.shape_cast %get3A_592 : vector<1x16xf32> to vector<16xf32>
      %mul3A_594 = arith.mulf %gather3A_50, %get3A_593 : vector<16xf32>
      %get3A_595 = arith.index_cast %add3A_62 : i32 to index
      %get3A_596 = arith.constant 528 : index
      %get3A_597 = tpu.vector_load %arg11[%get3A_595, %get3A_596] {strides = array<i32>} : memref<32x768xf32, #tpu.memory_space<vmem>>, vector<1x16xf32>,
      %get3A_598 = vector.shape_cast %get3A_597 : vector<1x16xf32> to vector<16xf32>
      %mul3A_599 = arith.mulf %gather3A_60, %get3A_598 : vector<16xf32>
      %add3A_600 = arith.addf %mul3A_594, %mul3A_599 : vector<16xf32>
      %swap3A_601 = arith.index_cast %add3A_62 : i32 to index
      %swap3A_602 = arith.constant 528 : index
      %swap3A_603 = tpu.vector_load %arg10[%swap3A_601, %swap3A_602] {strides = array<i32>} : memref<32x768xf32, #tpu.memory_space<vmem>>, vector<1x16xf32>,
      %swap3A_604 = vector.shape_cast %swap3A_603 : vector<1x16xf32> to vector<16xf32>
      %swap3A_605 = vector.shape_cast %add3A_600 : vector<16xf32> to vector<1x16xf32>
      tpu.vector_store %arg10[%swap3A_601, %swap3A_602], %swap3A_605 {strides = array<i32>} : memref<32x768xf32, #tpu.memory_space<vmem>>, vector<1x16xf32>,
      %get3A_606 = arith.index_cast %add3A_62 : i32 to index
      %get3A_607 = arith.constant 544 : index
      %get3A_608 = tpu.vector_load %arg10[%get3A_606, %get3A_607] {strides = array<i32>} : memref<32x768xf32, #tpu.memory_space<vmem>>, vector<1x16xf32>,
      %get3A_609 = vector.shape_cast %get3A_608 : vector<1x16xf32> to vector<16xf32>
      %mul3A_610 = arith.mulf %gather3A_50, %get3A_609 : vector<16xf32>
      %get3A_611 = arith.index_cast %add3A_62 : i32 to index
      %get3A_612 = arith.constant 544 : index
      %get3A_613 = tpu.vector_load %arg11[%get3A_611, %get3A_612] {strides = array<i32>} : memref<32x768xf32, #tpu.memory_space<vmem>>, vector<1x16xf32>,
      %get3A_614 = vector.shape_cast %get3A_613 : vector<1x16xf32> to vector<16xf32>
      %mul3A_615 = arith.mulf %gather3A_60, %get3A_614 : vector<16xf32>
      %add3A_616 = arith.addf %mul3A_610, %mul3A_615 : vector<16xf32>
      %swap3A_617 = arith.index_cast %add3A_62 : i32 to index
      %swap3A_618 = arith.constant 544 : index
      %swap3A_619 = tpu.vector_load %arg10[%swap3A_617, %swap3A_618] {strides = array<i32>} : memref<32x768xf32, #tpu.memory_space<vmem>>, vector<1x16xf32>,
      %swap3A_620 = vector.shape_cast %swap3A_619 : vector<1x16xf32> to vector<16xf32>
      %swap3A_621 = vector.shape_cast %add3A_616 : vector<16xf32> to vector<1x16xf32>
      tpu.vector_store %arg10[%swap3A_617, %swap3A_618], %swap3A_621 {strides = array<i32>} : memref<32x768xf32, #tpu.memory_space<vmem>>, vector<1x16xf32>,
      %get3A_622 = arith.index_cast %add3A_62 : i32 to index
      %get3A_623 = arith.constant 560 : index
      %get3A_624 = tpu.vector_load %arg10[%get3A_622, %get3A_623] {strides = array<i32>} : memref<32x768xf32, #tpu.memory_space<vmem>>, vector<1x16xf32>,
      %get3A_625 = vector.shape_cast %get3A_624 : vector<1x16xf32> to vector<16xf32>
      %mul3A_626 = arith.mulf %gather3A_50, %get3A_625 : vector<16xf32>
      %get3A_627 = arith.index_cast %add3A_62 : i32 to index
      %get3A_628 = arith.constant 560 : index
      %get3A_629 = tpu.vector_load %arg11[%get3A_627, %get3A_628] {strides = array<i32>} : memref<32x768xf32, #tpu.memory_space<vmem>>, vector<1x16xf32>,
      %get3A_630 = vector.shape_cast %get3A_629 : vector<1x16xf32> to vector<16xf32>
      %mul3A_631 = arith.mulf %gather3A_60, %get3A_630 : vector<16xf32>
      %add3A_632 = arith.addf %mul3A_626, %mul3A_631 : vector<16xf32>
      %swap3A_633 = arith.index_cast %add3A_62 : i32 to index
      %swap3A_634 = arith.constant 560 : index
      %swap3A_635 = tpu.vector_load %arg10[%swap3A_633, %swap3A_634] {strides = array<i32>} : memref<32x768xf32, #tpu.memory_space<vmem>>, vector<1x16xf32>,
      %swap3A_636 = vector.shape_cast %swap3A_635 : vector<1x16xf32> to vector<16xf32>
      %swap3A_637 = vector.shape_cast %add3A_632 : vector<16xf32> to vector<1x16xf32>
      tpu.vector_store %arg10[%swap3A_633, %swap3A_634], %swap3A_637 {strides = array<i32>} : memref<32x768xf32, #tpu.memory_space<vmem>>, vector<1x16xf32>,
      %get3A_638 = arith.index_cast %add3A_62 : i32 to index
      %get3A_639 = arith.constant 576 : index
      %get3A_640 = tpu.vector_load %arg10[%get3A_638, %get3A_639] {strides = array<i32>} : memref<32x768xf32, #tpu.memory_space<vmem>>, vector<1x16xf32>,
      %get3A_641 = vector.shape_cast %get3A_640 : vector<1x16xf32> to vector<16xf32>
      %mul3A_642 = arith.mulf %gather3A_50, %get3A_641 : vector<16xf32>
      %get3A_643 = arith.index_cast %add3A_62 : i32 to index
      %get3A_644 = arith.constant 576 : index
      %get3A_645 = tpu.vector_load %arg11[%get3A_643, %get3A_644] {strides = array<i32>} : memref<32x768xf32, #tpu.memory_space<vmem>>, vector<1x16xf32>,
      %get3A_646 = vector.shape_cast %get3A_645 : vector<1x16xf32> to vector<16xf32>
      %mul3A_647 = arith.mulf %gather3A_60, %get3A_646 : vector<16xf32>
      %add3A_648 = arith.addf %mul3A_642, %mul3A_647 : vector<16xf32>
      %swap3A_649 = arith.index_cast %add3A_62 : i32 to index
      %swap3A_650 = arith.constant 576 : index
      %swap3A_651 = tpu.vector_load %arg10[%swap3A_649, %swap3A_650] {strides = array<i32>} : memref<32x768xf32, #tpu.memory_space<vmem>>, vector<1x16xf32>,
      %swap3A_652 = vector.shape_cast %swap3A_651 : vector<1x16xf32> to vector<16xf32>
      %swap3A_653 = vector.shape_cast %add3A_648 : vector<16xf32> to vector<1x16xf32>
      tpu.vector_store %arg10[%swap3A_649, %swap3A_650], %swap3A_653 {strides = array<i32>} : memref<32x768xf32, #tpu.memory_space<vmem>>, vector<1x16xf32>,
      %get3A_654 = arith.index_cast %add3A_62 : i32 to index
      %get3A_655 = arith.constant 592 : index
      %get3A_656 = tpu.vector_load %arg10[%get3A_654, %get3A_655] {strides = array<i32>} : memref<32x768xf32, #tpu.memory_space<vmem>>, vector<1x16xf32>,
      %get3A_657 = vector.shape_cast %get3A_656 : vector<1x16xf32> to vector<16xf32>
      %mul3A_658 = arith.mulf %gather3A_50, %get3A_657 : vector<16xf32>
      %get3A_659 = arith.index_cast %add3A_62 : i32 to index
      %get3A_660 = arith.constant 592 : index
      %get3A_661 = tpu.vector_load %arg11[%get3A_659, %get3A_660] {strides = array<i32>} : memref<32x768xf32, #tpu.memory_space<vmem>>, vector<1x16xf32>,
      %get3A_662 = vector.shape_cast %get3A_661 : vector<1x16xf32> to vector<16xf32>
      %mul3A_663 = arith.mulf %gather3A_60, %get3A_662 : vector<16xf32>
      %add3A_664 = arith.addf %mul3A_658, %mul3A_663 : vector<16xf32>
      %swap3A_665 = arith.index_cast %add3A_62 : i32 to index
      %swap3A_666 = arith.constant 592 : index
      %swap3A_667 = tpu.vector_load %arg10[%swap3A_665, %swap3A_666] {strides = array<i32>} : memref<32x768xf32, #tpu.memory_space<vmem>>, vector<1x16xf32>,
      %swap3A_668 = vector.shape_cast %swap3A_667 : vector<1x16xf32> to vector<16xf32>
      %swap3A_669 = vector.shape_cast %add3A_664 : vector<16xf32> to vector<1x16xf32>
      tpu.vector_store %arg10[%swap3A_665, %swap3A_666], %swap3A_669 {strides = array<i32>} : memref<32x768xf32, #tpu.memory_space<vmem>>, vector<1x16xf32>,
      %get3A_670 = arith.index_cast %add3A_62 : i32 to index
      %get3A_671 = arith.constant 608 : index
      %get3A_672 = tpu.vector_load %arg10[%get3A_670, %get3A_671] {strides = array<i32>} : memref<32x768xf32, #tpu.memory_space<vmem>>, vector<1x16xf32>,
      %get3A_673 = vector.shape_cast %get3A_672 : vector<1x16xf32> to vector<16xf32>
      %mul3A_674 = arith.mulf %gather3A_50, %get3A_673 : vector<16xf32>
      %get3A_675 = arith.index_cast %add3A_62 : i32 to index
      %get3A_676 = arith.constant 608 : index
      %get3A_677 = tpu.vector_load %arg11[%get3A_675, %get3A_676] {strides = array<i32>} : memref<32x768xf32, #tpu.memory_space<vmem>>, vector<1x16xf32>,
      %get3A_678 = vector.shape_cast %get3A_677 : vector<1x16xf32> to vector<16xf32>
      %mul3A_679 = arith.mulf %gather3A_60, %get3A_678 : vector<16xf32>
      %add3A_680 = arith.addf %mul3A_674, %mul3A_679 : vector<16xf32>
      %swap3A_681 = arith.index_cast %add3A_62 : i32 to index
      %swap3A_682 = arith.constant 608 : index
      %swap3A_683 = tpu.vector_load %arg10[%swap3A_681, %swap3A_682] {strides = array<i32>} : memref<32x768xf32, #tpu.memory_space<vmem>>, vector<1x16xf32>,
      %swap3A_684 = vector.shape_cast %swap3A_683 : vector<1x16xf32> to vector<16xf32>
      %swap3A_685 = vector.shape_cast %add3A_680 : vector<16xf32> to vector<1x16xf32>
      tpu.vector_store %arg10[%swap3A_681, %swap3A_682], %swap3A_685 {strides = array<i32>} : memref<32x768xf32, #tpu.memory_space<vmem>>, vector<1x16xf32>,
      %get3A_686 = arith.index_cast %add3A_62 : i32 to index
      %get3A_687 = arith.constant 624 : index
      %get3A_688 = tpu.vector_load %arg10[%get3A_686, %get3A_687] {strides = array<i32>} : memref<32x768xf32, #tpu.memory_space<vmem>>, vector<1x16xf32>,
      %get3A_689 = vector.shape_cast %get3A_688 : vector<1x16xf32> to vector<16xf32>
      %mul3A_690 = arith.mulf %gather3A_50, %get3A_689 : vector<16xf32>
      %get3A_691 = arith.index_cast %add3A_62 : i32 to index
      %get3A_692 = arith.constant 624 : index
      %get3A_693 = tpu.vector_load %arg11[%get3A_691, %get3A_692] {strides = array<i32>} : memref<32x768xf32, #tpu.memory_space<vmem>>, vector<1x16xf32>,
      %get3A_694 = vector.shape_cast %get3A_693 : vector<1x16xf32> to vector<16xf32>
      %mul3A_695 = arith.mulf %gather3A_60, %get3A_694 : vector<16xf32>
      %add3A_696 = arith.addf %mul3A_690, %mul3A_695 : vector<16xf32>
      %swap3A_697 = arith.index_cast %add3A_62 : i32 to index
      %swap3A_698 = arith.constant 624 : index
      %swap3A_699 = tpu.vector_load %arg10[%swap3A_697, %swap3A_698] {strides = array<i32>} : memref<32x768xf32, #tpu.memory_space<vmem>>, vector<1x16xf32>,
      %swap3A_700 = vector.shape_cast %swap3A_699 : vector<1x16xf32> to vector<16xf32>
      %swap3A_701 = vector.shape_cast %add3A_696 : vector<16xf32> to vector<1x16xf32>
      tpu.vector_store %arg10[%swap3A_697, %swap3A_698], %swap3A_701 {strides = array<i32>} : memref<32x768xf32, #tpu.memory_space<vmem>>, vector<1x16xf32>,
      %get3A_702 = arith.index_cast %add3A_62 : i32 to index
      %get3A_703 = arith.constant 640 : index
      %get3A_704 = tpu.vector_load %arg10[%get3A_702, %get3A_703] {strides = array<i32>} : memref<32x768xf32, #tpu.memory_space<vmem>>, vector<1x16xf32>,
      %get3A_705 = vector.shape_cast %get3A_704 : vector<1x16xf32> to vector<16xf32>
      %mul3A_706 = arith.mulf %gather3A_50, %get3A_705 : vector<16xf32>
      %get3A_707 = arith.index_cast %add3A_62 : i32 to index
      %get3A_708 = arith.constant 640 : index
      %get3A_709 = tpu.vector_load %arg11[%get3A_707, %get3A_708] {strides = array<i32>} : memref<32x768xf32, #tpu.memory_space<vmem>>, vector<1x16xf32>,
      %get3A_710 = vector.shape_cast %get3A_709 : vector<1x16xf32> to vector<16xf32>
      %mul3A_711 = arith.mulf %gather3A_60, %get3A_710 : vector<16xf32>
      %add3A_712 = arith.addf %mul3A_706, %mul3A_711 : vector<16xf32>
      %swap3A_713 = arith.index_cast %add3A_62 : i32 to index
      %swap3A_714 = arith.constant 640 : index
      %swap3A_715 = tpu.vector_load %arg10[%swap3A_713, %swap3A_714] {strides = array<i32>} : memref<32x768xf32, #tpu.memory_space<vmem>>, vector<1x16xf32>,
      %swap3A_716 = vector.shape_cast %swap3A_715 : vector<1x16xf32> to vector<16xf32>
      %swap3A_717 = vector.shape_cast %add3A_712 : vector<16xf32> to vector<1x16xf32>
      tpu.vector_store %arg10[%swap3A_713, %swap3A_714], %swap3A_717 {strides = array<i32>} : memref<32x768xf32, #tpu.memory_space<vmem>>, vector<1x16xf32>,
      %get3A_718 = arith.index_cast %add3A_62 : i32 to index
      %get3A_719 = arith.constant 656 : index
      %get3A_720 = tpu.vector_load %arg10[%get3A_718, %get3A_719] {strides = array<i32>} : memref<32x768xf32, #tpu.memory_space<vmem>>, vector<1x16xf32>,
      %get3A_721 = vector.shape_cast %get3A_720 : vector<1x16xf32> to vector<16xf32>
      %mul3A_722 = arith.mulf %gather3A_50, %get3A_721 : vector<16xf32>
      %get3A_723 = arith.index_cast %add3A_62 : i32 to index
      %get3A_724 = arith.constant 656 : index
      %get3A_725 = tpu.vector_load %arg11[%get3A_723, %get3A_724] {strides = array<i32>} : memref<32x768xf32, #tpu.memory_space<vmem>>, vector<1x16xf32>,
      %get3A_726 = vector.shape_cast %get3A_725 : vector<1x16xf32> to vector<16xf32>
      %mul3A_727 = arith.mulf %gather3A_60, %get3A_726 : vector<16xf32>
      %add3A_728 = arith.addf %mul3A_722, %mul3A_727 : vector<16xf32>
      %swap3A_729 = arith.index_cast %add3A_62 : i32 to index
      %swap3A_730 = arith.constant 656 : index
      %swap3A_731 = tpu.vector_load %arg10[%swap3A_729, %swap3A_730] {strides = array<i32>} : memref<32x768xf32, #tpu.memory_space<vmem>>, vector<1x16xf32>,
      %swap3A_732 = vector.shape_cast %swap3A_731 : vector<1x16xf32> to vector<16xf32>
      %swap3A_733 = vector.shape_cast %add3A_728 : vector<16xf32> to vector<1x16xf32>
      tpu.vector_store %arg10[%swap3A_729, %swap3A_730], %swap3A_733 {strides = array<i32>} : memref<32x768xf32, #tpu.memory_space<vmem>>, vector<1x16xf32>,
      %get3A_734 = arith.index_cast %add3A_62 : i32 to index
      %get3A_735 = arith.constant 672 : index
      %get3A_736 = tpu.vector_load %arg10[%get3A_734, %get3A_735] {strides = array<i32>} : memref<32x768xf32, #tpu.memory_space<vmem>>, vector<1x16xf32>,
      %get3A_737 = vector.shape_cast %get3A_736 : vector<1x16xf32> to vector<16xf32>
      %mul3A_738 = arith.mulf %gather3A_50, %get3A_737 : vector<16xf32>
      %get3A_739 = arith.index_cast %add3A_62 : i32 to index
      %get3A_740 = arith.constant 672 : index
      %get3A_741 = tpu.vector_load %arg11[%get3A_739, %get3A_740] {strides = array<i32>} : memref<32x768xf32, #tpu.memory_space<vmem>>, vector<1x16xf32>,
      %get3A_742 = vector.shape_cast %get3A_741 : vector<1x16xf32> to vector<16xf32>
      %mul3A_743 = arith.mulf %gather3A_60, %get3A_742 : vector<16xf32>
      %add3A_744 = arith.addf %mul3A_738, %mul3A_743 : vector<16xf32>
      %swap3A_745 = arith.index_cast %add3A_62 : i32 to index
      %swap3A_746 = arith.constant 672 : index
      %swap3A_747 = tpu.vector_load %arg10[%swap3A_745, %swap3A_746] {strides = array<i32>} : memref<32x768xf32, #tpu.memory_space<vmem>>, vector<1x16xf32>,
      %swap3A_748 = vector.shape_cast %swap3A_747 : vector<1x16xf32> to vector<16xf32>
      %swap3A_749 = vector.shape_cast %add3A_744 : vector<16xf32> to vector<1x16xf32>
      tpu.vector_store %arg10[%swap3A_745, %swap3A_746], %swap3A_749 {strides = array<i32>} : memref<32x768xf32, #tpu.memory_space<vmem>>, vector<1x16xf32>,
      %get3A_750 = arith.index_cast %add3A_62 : i32 to index
      %get3A_751 = arith.constant 688 : index
      %get3A_752 = tpu.vector_load %arg10[%get3A_750, %get3A_751] {strides = array<i32>} : memref<32x768xf32, #tpu.memory_space<vmem>>, vector<1x16xf32>,
      %get3A_753 = vector.shape_cast %get3A_752 : vector<1x16xf32> to vector<16xf32>
      %mul3A_754 = arith.mulf %gather3A_50, %get3A_753 : vector<16xf32>
      %get3A_755 = arith.index_cast %add3A_62 : i32 to index
      %get3A_756 = arith.constant 688 : index
      %get3A_757 = tpu.vector_load %arg11[%get3A_755, %get3A_756] {strides = array<i32>} : memref<32x768xf32, #tpu.memory_space<vmem>>, vector<1x16xf32>,
      %get3A_758 = vector.shape_cast %get3A_757 : vector<1x16xf32> to vector<16xf32>
      %mul3A_759 = arith.mulf %gather3A_60, %get3A_758 : vector<16xf32>
      %add3A_760 = arith.addf %mul3A_754, %mul3A_759 : vector<16xf32>
      %swap3A_761 = arith.index_cast %add3A_62 : i32 to index
      %swap3A_762 = arith.constant 688 : index
      %swap3A_763 = tpu.vector_load %arg10[%swap3A_761, %swap3A_762] {strides = array<i32>} : memref<32x768xf32, #tpu.memory_space<vmem>>, vector<1x16xf32>,
      %swap3A_764 = vector.shape_cast %swap3A_763 : vector<1x16xf32> to vector<16xf32>
      %swap3A_765 = vector.shape_cast %add3A_760 : vector<16xf32> to vector<1x16xf32>
      tpu.vector_store %arg10[%swap3A_761, %swap3A_762], %swap3A_765 {strides = array<i32>} : memref<32x768xf32, #tpu.memory_space<vmem>>, vector<1x16xf32>,
      %get3A_766 = arith.index_cast %add3A_62 : i32 to index
      %get3A_767 = arith.constant 704 : index
      %get3A_768 = tpu.vector_load %arg10[%get3A_766, %get3A_767] {strides = array<i32>} : memref<32x768xf32, #tpu.memory_space<vmem>>, vector<1x16xf32>,
      %get3A_769 = vector.shape_cast %get3A_768 : vector<1x16xf32> to vector<16xf32>
      %mul3A_770 = arith.mulf %gather3A_50, %get3A_769 : vector<16xf32>
      %get3A_771 = arith.index_cast %add3A_62 : i32 to index
      %get3A_772 = arith.constant 704 : index
      %get3A_773 = tpu.vector_load %arg11[%get3A_771, %get3A_772] {strides = array<i32>} : memref<32x768xf32, #tpu.memory_space<vmem>>, vector<1x16xf32>,
      %get3A_774 = vector.shape_cast %get3A_773 : vector<1x16xf32> to vector<16xf32>
      %mul3A_775 = arith.mulf %gather3A_60, %get3A_774 : vector<16xf32>
      %add3A_776 = arith.addf %mul3A_770, %mul3A_775 : vector<16xf32>
      %swap3A_777 = arith.index_cast %add3A_62 : i32 to index
      %swap3A_778 = arith.constant 704 : index
      %swap3A_779 = tpu.vector_load %arg10[%swap3A_777, %swap3A_778] {strides = array<i32>} : memref<32x768xf32, #tpu.memory_space<vmem>>, vector<1x16xf32>,
      %swap3A_780 = vector.shape_cast %swap3A_779 : vector<1x16xf32> to vector<16xf32>
      %swap3A_781 = vector.shape_cast %add3A_776 : vector<16xf32> to vector<1x16xf32>
      tpu.vector_store %arg10[%swap3A_777, %swap3A_778], %swap3A_781 {strides = array<i32>} : memref<32x768xf32, #tpu.memory_space<vmem>>, vector<1x16xf32>,
      %get3A_782 = arith.index_cast %add3A_62 : i32 to index
      %get3A_783 = arith.constant 720 : index
      %get3A_784 = tpu.vector_load %arg10[%get3A_782, %get3A_783] {strides = array<i32>} : memref<32x768xf32, #tpu.memory_space<vmem>>, vector<1x16xf32>,
      %get3A_785 = vector.shape_cast %get3A_784 : vector<1x16xf32> to vector<16xf32>
      %mul3A_786 = arith.mulf %gather3A_50, %get3A_785 : vector<16xf32>
      %get3A_787 = arith.index_cast %add3A_62 : i32 to index
      %get3A_788 = arith.constant 720 : index
      %get3A_789 = tpu.vector_load %arg11[%get3A_787, %get3A_788] {strides = array<i32>} : memref<32x768xf32, #tpu.memory_space<vmem>>, vector<1x16xf32>,
      %get3A_790 = vector.shape_cast %get3A_789 : vector<1x16xf32> to vector<16xf32>
      %mul3A_791 = arith.mulf %gather3A_60, %get3A_790 : vector<16xf32>
      %add3A_792 = arith.addf %mul3A_786, %mul3A_791 : vector<16xf32>
      %swap3A_793 = arith.index_cast %add3A_62 : i32 to index
      %swap3A_794 = arith.constant 720 : index
      %swap3A_795 = tpu.vector_load %arg10[%swap3A_793, %swap3A_794] {strides = array<i32>} : memref<32x768xf32, #tpu.memory_space<vmem>>, vector<1x16xf32>,
      %swap3A_796 = vector.shape_cast %swap3A_795 : vector<1x16xf32> to vector<16xf32>
      %swap3A_797 = vector.shape_cast %add3A_792 : vector<16xf32> to vector<1x16xf32>
      tpu.vector_store %arg10[%swap3A_793, %swap3A_794], %swap3A_797 {strides = array<i32>} : memref<32x768xf32, #tpu.memory_space<vmem>>, vector<1x16xf32>,
      %get3A_798 = arith.index_cast %add3A_62 : i32 to index
      %get3A_799 = arith.constant 736 : index
      %get3A_800 = tpu.vector_load %arg10[%get3A_798, %get3A_799] {strides = array<i32>} : memref<32x768xf32, #tpu.memory_space<vmem>>, vector<1x16xf32>,
      %get3A_801 = vector.shape_cast %get3A_800 : vector<1x16xf32> to vector<16xf32>
      %mul3A_802 = arith.mulf %gather3A_50, %get3A_801 : vector<16xf32>
      %get3A_803 = arith.index_cast %add3A_62 : i32 to index
      %get3A_804 = arith.constant 736 : index
      %get3A_805 = tpu.vector_load %arg11[%get3A_803, %get3A_804] {strides = array<i32>} : memref<32x768xf32, #tpu.memory_space<vmem>>, vector<1x16xf32>,
      %get3A_806 = vector.shape_cast %get3A_805 : vector<1x16xf32> to vector<16xf32>
      %mul3A_807 = arith.mulf %gather3A_60, %get3A_806 : vector<16xf32>
      %add3A_808 = arith.addf %mul3A_802, %mul3A_807 : vector<16xf32>
      %swap3A_809 = arith.index_cast %add3A_62 : i32 to index
      %swap3A_810 = arith.constant 736 : index
      %swap3A_811 = tpu.vector_load %arg10[%swap3A_809, %swap3A_810] {strides = array<i32>} : memref<32x768xf32, #tpu.memory_space<vmem>>, vector<1x16xf32>,
      %swap3A_812 = vector.shape_cast %swap3A_811 : vector<1x16xf32> to vector<16xf32>
      %swap3A_813 = vector.shape_cast %add3A_808 : vector<16xf32> to vector<1x16xf32>
      tpu.vector_store %arg10[%swap3A_809, %swap3A_810], %swap3A_813 {strides = array<i32>} : memref<32x768xf32, #tpu.memory_space<vmem>>, vector<1x16xf32>,
      %get3A_814 = arith.index_cast %add3A_62 : i32 to index
      %get3A_815 = arith.constant 752 : index
      %get3A_816 = tpu.vector_load %arg10[%get3A_814, %get3A_815] {strides = array<i32>} : memref<32x768xf32, #tpu.memory_space<vmem>>, vector<1x16xf32>,
      %get3A_817 = vector.shape_cast %get3A_816 : vector<1x16xf32> to vector<16xf32>
      %mul3A_818 = arith.mulf %gather3A_50, %get3A_817 : vector<16xf32>
      %get3A_819 = arith.index_cast %add3A_62 : i32 to index
      %get3A_820 = arith.constant 752 : index
      %get3A_821 = tpu.vector_load %arg11[%get3A_819, %get3A_820] {strides = array<i32>} : memref<32x768xf32, #tpu.memory_space<vmem>>, vector<1x16xf32>,
      %get3A_822 = vector.shape_cast %get3A_821 : vector<1x16xf32> to vector<16xf32>
      %mul3A_823 = arith.mulf %gather3A_60, %get3A_822 : vector<16xf32>
      %add3A_824 = arith.addf %mul3A_818, %mul3A_823 : vector<16xf32>
      %swap3A_825 = arith.index_cast %add3A_62 : i32 to index
      %swap3A_826 = arith.constant 752 : index
      %swap3A_827 = tpu.vector_load %arg10[%swap3A_825, %swap3A_826] {strides = array<i32>} : memref<32x768xf32, #tpu.memory_space<vmem>>, vector<1x16xf32>,
      %swap3A_828 = vector.shape_cast %swap3A_827 : vector<1x16xf32> to vector<16xf32>
      %swap3A_829 = vector.shape_cast %add3A_824 : vector<16xf32> to vector<1x16xf32>
      tpu.vector_store %arg10[%swap3A_825, %swap3A_826], %swap3A_829 {strides = array<i32>} : memref<32x768xf32, #tpu.memory_space<vmem>>, vector<1x16xf32>,
    }
    %scan3A_26 = arith.constant 16 : i32
    %get3A_27 = arith.constant 16 : index
    %get3A_28 = tpu.vector_load %arg8[%get3A_27] {strides = array<i32>} : memref<32xf32, #tpu.memory_space<vmem>>, vector<16xf32>,
    %get3A_29 = vector.shape_cast %get3A_28 : vector<16xf32> to vector<16xf32>
    %get3A_30 = arith.constant 16 : index
    %get3A_31 = tpu.vector_load %arg9[%get3A_30] {strides = array<i32>} : memref<32xf32, #tpu.memory_space<vmem>>, vector<16xf32>,
    %get3A_32 = vector.shape_cast %get3A_31 : vector<16xf32> to vector<16xf32>
    %scan3A_33 = arith.constant 0 : i32
    %scan3A_34 = arith.constant 0 : i32
    %scan3A_35 = arith.constant 16 : i32
    %scan3A_36 = arith.addi %scan3A_34, %scan3A_35 : i32
    %scan3A_37 = arith.constant 1 : i32
    scf.for %scan3A_39 = %scan3A_34 to %scan3A_36 step %scan3A_37  : i32 {
      %mul3A_40 = arith.constant 0 : i32
      %mul3A_41 = vector.broadcast %mul3A_40 : i32 to vector<16xi32>
      %mul3A_42 = arith.muli %iota3A, %mul3A_41 : vector<16xi32>
      %add3A_43 = vector.broadcast %scan3A_39 : i32 to vector<16xi32>
      %add3A_44 = arith.addi %mul3A_42, %add3A_43 : vector<16xi32>
      %lt3A = arith.constant 0 : i32
      %lt3A_45 = vector.broadcast %lt3A : i32 to vector<16xi32>
      %lt3A_46 = arith.cmpi slt, %add3A_44, %lt3A_45 : vector<16xi32>
      %add3A_47 = arith.constant 16 : i32
      %add3A_48 = vector.broadcast %add3A_47 : i32 to vector<16xi32>
      %add3A_49 = arith.addi %add3A_44, %add3A_48 : vector<16xi32>
      %select_n3A = arith.select %lt3A_46, %add3A_49, %add3A_44 : vector<16xi1>, vector<16xi32>
      %broadcast_in_dim3A = vector.shape_cast %select_n3A : vector<16xi32> to vector<16x1xi32>
      %gather3A = vector.shape_cast %broadcast_in_dim3A : vector<16x1xi32> to vector<16xi32>
      %gather3A_50 = tpu.dynamic_gather %get3A_29[%gather3A] in [0] : vector<16xf32>, vector<16xi32> -> vector<16xf32>
      %lt3A_51 = arith.constant 0 : i32
      %lt3A_52 = vector.broadcast %lt3A_51 : i32 to vector<16xi32>
      %lt3A_53 = arith.cmpi slt, %add3A_44, %lt3A_52 : vector<16xi32>
      %add3A_54 = arith.constant 16 : i32
      %add3A_55 = vector.broadcast %add3A_54 : i32 to vector<16xi32>
      %add3A_56 = arith.addi %add3A_44, %add3A_55 : vector<16xi32>
      %select_n3A_57 = arith.select %lt3A_53, %add3A_56, %add3A_44 : vector<16xi1>, vector<16xi32>
      %broadcast_in_dim3A_58 = vector.shape_cast %select_n3A_57 : vector<16xi32> to vector<16x1xi32>
      %gather3A_59 = vector.shape_cast %broadcast_in_dim3A_58 : vector<16x1xi32> to vector<16xi32>
      %gather3A_60 = tpu.dynamic_gather %get3A_32[%gather3A_59] in [0] : vector<16xf32>, vector<16xi32> -> vector<16xf32>
      %add3A_61 = arith.constant 16 : i32
      %add3A_62 = arith.addi %add3A_61, %scan3A_39 : i32
      %get3A_63 = arith.index_cast %add3A_62 : i32 to index
      %get3A_64 = arith.constant 0 : index
      %get3A_65 = tpu.vector_load %arg10[%get3A_63, %get3A_64] {strides = array<i32>} : memref<32x768xf32, #tpu.memory_space<vmem>>, vector<1x16xf32>,
      %get3A_66 = vector.shape_cast %get3A_65 : vector<1x16xf32> to vector<16xf32>
      %mul3A_67 = arith.mulf %gather3A_50, %get3A_66 : vector<16xf32>
      %get3A_68 = arith.index_cast %add3A_62 : i32 to index
      %get3A_69 = arith.constant 0 : index
      %get3A_70 = tpu.vector_load %arg11[%get3A_68, %get3A_69] {strides = array<i32>} : memref<32x768xf32, #tpu.memory_space<vmem>>, vector<1x16xf32>,
      %get3A_71 = vector.shape_cast %get3A_70 : vector<1x16xf32> to vector<16xf32>
      %mul3A_72 = arith.mulf %gather3A_60, %get3A_71 : vector<16xf32>
      %add3A_73 = arith.addf %mul3A_67, %mul3A_72 : vector<16xf32>
      %swap3A = arith.index_cast %add3A_62 : i32 to index
      %swap3A_74 = arith.constant 0 : index
      %swap3A_75 = tpu.vector_load %arg10[%swap3A, %swap3A_74] {strides = array<i32>} : memref<32x768xf32, #tpu.memory_space<vmem>>, vector<1x16xf32>,
      %swap3A_76 = vector.shape_cast %swap3A_75 : vector<1x16xf32> to vector<16xf32>
      %swap3A_77 = vector.shape_cast %add3A_73 : vector<16xf32> to vector<1x16xf32>
      tpu.vector_store %arg10[%swap3A, %swap3A_74], %swap3A_77 {strides = array<i32>} : memref<32x768xf32, #tpu.memory_space<vmem>>, vector<1x16xf32>,
      %get3A_78 = arith.index_cast %add3A_62 : i32 to index
      %get3A_79 = arith.constant 16 : index
      %get3A_80 = tpu.vector_load %arg10[%get3A_78, %get3A_79] {strides = array<i32>} : memref<32x768xf32, #tpu.memory_space<vmem>>, vector<1x16xf32>,
      %get3A_81 = vector.shape_cast %get3A_80 : vector<1x16xf32> to vector<16xf32>
      %mul3A_82 = arith.mulf %gather3A_50, %get3A_81 : vector<16xf32>
      %get3A_83 = arith.index_cast %add3A_62 : i32 to index
      %get3A_84 = arith.constant 16 : index
      %get3A_85 = tpu.vector_load %arg11[%get3A_83, %get3A_84] {strides = array<i32>} : memref<32x768xf32, #tpu.memory_space<vmem>>, vector<1x16xf32>,
      %get3A_86 = vector.shape_cast %get3A_85 : vector<1x16xf32> to vector<16xf32>
      %mul3A_87 = arith.mulf %gather3A_60, %get3A_86 : vector<16xf32>
      %add3A_88 = arith.addf %mul3A_82, %mul3A_87 : vector<16xf32>
      %swap3A_89 = arith.index_cast %add3A_62 : i32 to index
      %swap3A_90 = arith.constant 16 : index
      %swap3A_91 = tpu.vector_load %arg10[%swap3A_89, %swap3A_90] {strides = array<i32>} : memref<32x768xf32, #tpu.memory_space<vmem>>, vector<1x16xf32>,
      %swap3A_92 = vector.shape_cast %swap3A_91 : vector<1x16xf32> to vector<16xf32>
      %swap3A_93 = vector.shape_cast %add3A_88 : vector<16xf32> to vector<1x16xf32>
      tpu.vector_store %arg10[%swap3A_89, %swap3A_90], %swap3A_93 {strides = array<i32>} : memref<32x768xf32, #tpu.memory_space<vmem>>, vector<1x16xf32>,
      %get3A_94 = arith.index_cast %add3A_62 : i32 to index
      %get3A_95 = arith.constant 32 : index
      %get3A_96 = tpu.vector_load %arg10[%get3A_94, %get3A_95] {strides = array<i32>} : memref<32x768xf32, #tpu.memory_space<vmem>>, vector<1x16xf32>,
      %get3A_97 = vector.shape_cast %get3A_96 : vector<1x16xf32> to vector<16xf32>
      %mul3A_98 = arith.mulf %gather3A_50, %get3A_97 : vector<16xf32>
      %get3A_99 = arith.index_cast %add3A_62 : i32 to index
      %get3A_100 = arith.constant 32 : index
      %get3A_101 = tpu.vector_load %arg11[%get3A_99, %get3A_100] {strides = array<i32>} : memref<32x768xf32, #tpu.memory_space<vmem>>, vector<1x16xf32>,
      %get3A_102 = vector.shape_cast %get3A_101 : vector<1x16xf32> to vector<16xf32>
      %mul3A_103 = arith.mulf %gather3A_60, %get3A_102 : vector<16xf32>
      %add3A_104 = arith.addf %mul3A_98, %mul3A_103 : vector<16xf32>
      %swap3A_105 = arith.index_cast %add3A_62 : i32 to index
      %swap3A_106 = arith.constant 32 : index
      %swap3A_107 = tpu.vector_load %arg10[%swap3A_105, %swap3A_106] {strides = array<i32>} : memref<32x768xf32, #tpu.memory_space<vmem>>, vector<1x16xf32>,
      %swap3A_108 = vector.shape_cast %swap3A_107 : vector<1x16xf32> to vector<16xf32>
      %swap3A_109 = vector.shape_cast %add3A_104 : vector<16xf32> to vector<1x16xf32>
      tpu.vector_store %arg10[%swap3A_105, %swap3A_106], %swap3A_109 {strides = array<i32>} : memref<32x768xf32, #tpu.memory_space<vmem>>, vector<1x16xf32>,
      %get3A_110 = arith.index_cast %add3A_62 : i32 to index
      %get3A_111 = arith.constant 48 : index
      %get3A_112 = tpu.vector_load %arg10[%get3A_110, %get3A_111] {strides = array<i32>} : memref<32x768xf32, #tpu.memory_space<vmem>>, vector<1x16xf32>,
      %get3A_113 = vector.shape_cast %get3A_112 : vector<1x16xf32> to vector<16xf32>
      %mul3A_114 = arith.mulf %gather3A_50, %get3A_113 : vector<16xf32>
      %get3A_115 = arith.index_cast %add3A_62 : i32 to index
      %get3A_116 = arith.constant 48 : index
      %get3A_117 = tpu.vector_load %arg11[%get3A_115, %get3A_116] {strides = array<i32>} : memref<32x768xf32, #tpu.memory_space<vmem>>, vector<1x16xf32>,
      %get3A_118 = vector.shape_cast %get3A_117 : vector<1x16xf32> to vector<16xf32>
      %mul3A_119 = arith.mulf %gather3A_60, %get3A_118 : vector<16xf32>
      %add3A_120 = arith.addf %mul3A_114, %mul3A_119 : vector<16xf32>
      %swap3A_121 = arith.index_cast %add3A_62 : i32 to index
      %swap3A_122 = arith.constant 48 : index
      %swap3A_123 = tpu.vector_load %arg10[%swap3A_121, %swap3A_122] {strides = array<i32>} : memref<32x768xf32, #tpu.memory_space<vmem>>, vector<1x16xf32>,
      %swap3A_124 = vector.shape_cast %swap3A_123 : vector<1x16xf32> to vector<16xf32>
      %swap3A_125 = vector.shape_cast %add3A_120 : vector<16xf32> to vector<1x16xf32>
      tpu.vector_store %arg10[%swap3A_121, %swap3A_122], %swap3A_125 {strides = array<i32>} : memref<32x768xf32, #tpu.memory_space<vmem>>, vector<1x16xf32>,
      %get3A_126 = arith.index_cast %add3A_62 : i32 to index
      %get3A_127 = arith.constant 64 : index
      %get3A_128 = tpu.vector_load %arg10[%get3A_126, %get3A_127] {strides = array<i32>} : memref<32x768xf32, #tpu.memory_space<vmem>>, vector<1x16xf32>,
      %get3A_129 = vector.shape_cast %get3A_128 : vector<1x16xf32> to vector<16xf32>
      %mul3A_130 = arith.mulf %gather3A_50, %get3A_129 : vector<16xf32>
      %get3A_131 = arith.index_cast %add3A_62 : i32 to index
      %get3A_132 = arith.constant 64 : index
      %get3A_133 = tpu.vector_load %arg11[%get3A_131, %get3A_132] {strides = array<i32>} : memref<32x768xf32, #tpu.memory_space<vmem>>, vector<1x16xf32>,
      %get3A_134 = vector.shape_cast %get3A_133 : vector<1x16xf32> to vector<16xf32>
      %mul3A_135 = arith.mulf %gather3A_60, %get3A_134 : vector<16xf32>
      %add3A_136 = arith.addf %mul3A_130, %mul3A_135 : vector<16xf32>
      %swap3A_137 = arith.index_cast %add3A_62 : i32 to index
      %swap3A_138 = arith.constant 64 : index
      %swap3A_139 = tpu.vector_load %arg10[%swap3A_137, %swap3A_138] {strides = array<i32>} : memref<32x768xf32, #tpu.memory_space<vmem>>, vector<1x16xf32>,
      %swap3A_140 = vector.shape_cast %swap3A_139 : vector<1x16xf32> to vector<16xf32>
      %swap3A_141 = vector.shape_cast %add3A_136 : vector<16xf32> to vector<1x16xf32>
      tpu.vector_store %arg10[%swap3A_137, %swap3A_138], %swap3A_141 {strides = array<i32>} : memref<32x768xf32, #tpu.memory_space<vmem>>, vector<1x16xf32>,
      %get3A_142 = arith.index_cast %add3A_62 : i32 to index
      %get3A_143 = arith.constant 80 : index
      %get3A_144 = tpu.vector_load %arg10[%get3A_142, %get3A_143] {strides = array<i32>} : memref<32x768xf32, #tpu.memory_space<vmem>>, vector<1x16xf32>,
      %get3A_145 = vector.shape_cast %get3A_144 : vector<1x16xf32> to vector<16xf32>
      %mul3A_146 = arith.mulf %gather3A_50, %get3A_145 : vector<16xf32>
      %get3A_147 = arith.index_cast %add3A_62 : i32 to index
      %get3A_148 = arith.constant 80 : index
      %get3A_149 = tpu.vector_load %arg11[%get3A_147, %get3A_148] {strides = array<i32>} : memref<32x768xf32, #tpu.memory_space<vmem>>, vector<1x16xf32>,
      %get3A_150 = vector.shape_cast %get3A_149 : vector<1x16xf32> to vector<16xf32>
      %mul3A_151 = arith.mulf %gather3A_60, %get3A_150 : vector<16xf32>
      %add3A_152 = arith.addf %mul3A_146, %mul3A_151 : vector<16xf32>
      %swap3A_153 = arith.index_cast %add3A_62 : i32 to index
      %swap3A_154 = arith.constant 80 : index
      %swap3A_155 = tpu.vector_load %arg10[%swap3A_153, %swap3A_154] {strides = array<i32>} : memref<32x768xf32, #tpu.memory_space<vmem>>, vector<1x16xf32>,
      %swap3A_156 = vector.shape_cast %swap3A_155 : vector<1x16xf32> to vector<16xf32>
      %swap3A_157 = vector.shape_cast %add3A_152 : vector<16xf32> to vector<1x16xf32>
      tpu.vector_store %arg10[%swap3A_153, %swap3A_154], %swap3A_157 {strides = array<i32>} : memref<32x768xf32, #tpu.memory_space<vmem>>, vector<1x16xf32>,
      %get3A_158 = arith.index_cast %add3A_62 : i32 to index
      %get3A_159 = arith.constant 96 : index
      %get3A_160 = tpu.vector_load %arg10[%get3A_158, %get3A_159] {strides = array<i32>} : memref<32x768xf32, #tpu.memory_space<vmem>>, vector<1x16xf32>,
      %get3A_161 = vector.shape_cast %get3A_160 : vector<1x16xf32> to vector<16xf32>
      %mul3A_162 = arith.mulf %gather3A_50, %get3A_161 : vector<16xf32>
      %get3A_163 = arith.index_cast %add3A_62 : i32 to index
      %get3A_164 = arith.constant 96 : index
      %get3A_165 = tpu.vector_load %arg11[%get3A_163, %get3A_164] {strides = array<i32>} : memref<32x768xf32, #tpu.memory_space<vmem>>, vector<1x16xf32>,
      %get3A_166 = vector.shape_cast %get3A_165 : vector<1x16xf32> to vector<16xf32>
      %mul3A_167 = arith.mulf %gather3A_60, %get3A_166 : vector<16xf32>
      %add3A_168 = arith.addf %mul3A_162, %mul3A_167 : vector<16xf32>
      %swap3A_169 = arith.index_cast %add3A_62 : i32 to index
      %swap3A_170 = arith.constant 96 : index
      %swap3A_171 = tpu.vector_load %arg10[%swap3A_169, %swap3A_170] {strides = array<i32>} : memref<32x768xf32, #tpu.memory_space<vmem>>, vector<1x16xf32>,
      %swap3A_172 = vector.shape_cast %swap3A_171 : vector<1x16xf32> to vector<16xf32>
      %swap3A_173 = vector.shape_cast %add3A_168 : vector<16xf32> to vector<1x16xf32>
      tpu.vector_store %arg10[%swap3A_169, %swap3A_170], %swap3A_173 {strides = array<i32>} : memref<32x768xf32, #tpu.memory_space<vmem>>, vector<1x16xf32>,
      %get3A_174 = arith.index_cast %add3A_62 : i32 to index
      %get3A_175 = arith.constant 112 : index
      %get3A_176 = tpu.vector_load %arg10[%get3A_174, %get3A_175] {strides = array<i32>} : memref<32x768xf32, #tpu.memory_space<vmem>>, vector<1x16xf32>,
      %get3A_177 = vector.shape_cast %get3A_176 : vector<1x16xf32> to vector<16xf32>
      %mul3A_178 = arith.mulf %gather3A_50, %get3A_177 : vector<16xf32>
      %get3A_179 = arith.index_cast %add3A_62 : i32 to index
      %get3A_180 = arith.constant 112 : index
      %get3A_181 = tpu.vector_load %arg11[%get3A_179, %get3A_180] {strides = array<i32>} : memref<32x768xf32, #tpu.memory_space<vmem>>, vector<1x16xf32>,
      %get3A_182 = vector.shape_cast %get3A_181 : vector<1x16xf32> to vector<16xf32>
      %mul3A_183 = arith.mulf %gather3A_60, %get3A_182 : vector<16xf32>
      %add3A_184 = arith.addf %mul3A_178, %mul3A_183 : vector<16xf32>
      %swap3A_185 = arith.index_cast %add3A_62 : i32 to index
      %swap3A_186 = arith.constant 112 : index
      %swap3A_187 = tpu.vector_load %arg10[%swap3A_185, %swap3A_186] {strides = array<i32>} : memref<32x768xf32, #tpu.memory_space<vmem>>, vector<1x16xf32>,
      %swap3A_188 = vector.shape_cast %swap3A_187 : vector<1x16xf32> to vector<16xf32>
      %swap3A_189 = vector.shape_cast %add3A_184 : vector<16xf32> to vector<1x16xf32>
      tpu.vector_store %arg10[%swap3A_185, %swap3A_186], %swap3A_189 {strides = array<i32>} : memref<32x768xf32, #tpu.memory_space<vmem>>, vector<1x16xf32>,
      %get3A_190 = arith.index_cast %add3A_62 : i32 to index
      %get3A_191 = arith.constant 128 : index
      %get3A_192 = tpu.vector_load %arg10[%get3A_190, %get3A_191] {strides = array<i32>} : memref<32x768xf32, #tpu.memory_space<vmem>>, vector<1x16xf32>,
      %get3A_193 = vector.shape_cast %get3A_192 : vector<1x16xf32> to vector<16xf32>
      %mul3A_194 = arith.mulf %gather3A_50, %get3A_193 : vector<16xf32>
      %get3A_195 = arith.index_cast %add3A_62 : i32 to index
      %get3A_196 = arith.constant 128 : index
      %get3A_197 = tpu.vector_load %arg11[%get3A_195, %get3A_196] {strides = array<i32>} : memref<32x768xf32, #tpu.memory_space<vmem>>, vector<1x16xf32>,
      %get3A_198 = vector.shape_cast %get3A_197 : vector<1x16xf32> to vector<16xf32>
      %mul3A_199 = arith.mulf %gather3A_60, %get3A_198 : vector<16xf32>
      %add3A_200 = arith.addf %mul3A_194, %mul3A_199 : vector<16xf32>
      %swap3A_201 = arith.index_cast %add3A_62 : i32 to index
      %swap3A_202 = arith.constant 128 : index
      %swap3A_203 = tpu.vector_load %arg10[%swap3A_201, %swap3A_202] {strides = array<i32>} : memref<32x768xf32, #tpu.memory_space<vmem>>, vector<1x16xf32>,
      %swap3A_204 = vector.shape_cast %swap3A_203 : vector<1x16xf32> to vector<16xf32>
      %swap3A_205 = vector.shape_cast %add3A_200 : vector<16xf32> to vector<1x16xf32>
      tpu.vector_store %arg10[%swap3A_201, %swap3A_202], %swap3A_205 {strides = array<i32>} : memref<32x768xf32, #tpu.memory_space<vmem>>, vector<1x16xf32>,
      %get3A_206 = arith.index_cast %add3A_62 : i32 to index
      %get3A_207 = arith.constant 144 : index
      %get3A_208 = tpu.vector_load %arg10[%get3A_206, %get3A_207] {strides = array<i32>} : memref<32x768xf32, #tpu.memory_space<vmem>>, vector<1x16xf32>,
      %get3A_209 = vector.shape_cast %get3A_208 : vector<1x16xf32> to vector<16xf32>
      %mul3A_210 = arith.mulf %gather3A_50, %get3A_209 : vector<16xf32>
      %get3A_211 = arith.index_cast %add3A_62 : i32 to index
      %get3A_212 = arith.constant 144 : index
      %get3A_213 = tpu.vector_load %arg11[%get3A_211, %get3A_212] {strides = array<i32>} : memref<32x768xf32, #tpu.memory_space<vmem>>, vector<1x16xf32>,
      %get3A_214 = vector.shape_cast %get3A_213 : vector<1x16xf32> to vector<16xf32>
      %mul3A_215 = arith.mulf %gather3A_60, %get3A_214 : vector<16xf32>
      %add3A_216 = arith.addf %mul3A_210, %mul3A_215 : vector<16xf32>
      %swap3A_217 = arith.index_cast %add3A_62 : i32 to index
      %swap3A_218 = arith.constant 144 : index
      %swap3A_219 = tpu.vector_load %arg10[%swap3A_217, %swap3A_218] {strides = array<i32>} : memref<32x768xf32, #tpu.memory_space<vmem>>, vector<1x16xf32>,
      %swap3A_220 = vector.shape_cast %swap3A_219 : vector<1x16xf32> to vector<16xf32>
      %swap3A_221 = vector.shape_cast %add3A_216 : vector<16xf32> to vector<1x16xf32>
      tpu.vector_store %arg10[%swap3A_217, %swap3A_218], %swap3A_221 {strides = array<i32>} : memref<32x768xf32, #tpu.memory_space<vmem>>, vector<1x16xf32>,
      %get3A_222 = arith.index_cast %add3A_62 : i32 to index
      %get3A_223 = arith.constant 160 : index
      %get3A_224 = tpu.vector_load %arg10[%get3A_222, %get3A_223] {strides = array<i32>} : memref<32x768xf32, #tpu.memory_space<vmem>>, vector<1x16xf32>,
      %get3A_225 = vector.shape_cast %get3A_224 : vector<1x16xf32> to vector<16xf32>
      %mul3A_226 = arith.mulf %gather3A_50, %get3A_225 : vector<16xf32>
      %get3A_227 = arith.index_cast %add3A_62 : i32 to index
      %get3A_228 = arith.constant 160 : index
      %get3A_229 = tpu.vector_load %arg11[%get3A_227, %get3A_228] {strides = array<i32>} : memref<32x768xf32, #tpu.memory_space<vmem>>, vector<1x16xf32>,
      %get3A_230 = vector.shape_cast %get3A_229 : vector<1x16xf32> to vector<16xf32>
      %mul3A_231 = arith.mulf %gather3A_60, %get3A_230 : vector<16xf32>
      %add3A_232 = arith.addf %mul3A_226, %mul3A_231 : vector<16xf32>
      %swap3A_233 = arith.index_cast %add3A_62 : i32 to index
      %swap3A_234 = arith.constant 160 : index
      %swap3A_235 = tpu.vector_load %arg10[%swap3A_233, %swap3A_234] {strides = array<i32>} : memref<32x768xf32, #tpu.memory_space<vmem>>, vector<1x16xf32>,
      %swap3A_236 = vector.shape_cast %swap3A_235 : vector<1x16xf32> to vector<16xf32>
      %swap3A_237 = vector.shape_cast %add3A_232 : vector<16xf32> to vector<1x16xf32>
      tpu.vector_store %arg10[%swap3A_233, %swap3A_234], %swap3A_237 {strides = array<i32>} : memref<32x768xf32, #tpu.memory_space<vmem>>, vector<1x16xf32>,
      %get3A_238 = arith.index_cast %add3A_62 : i32 to index
      %get3A_239 = arith.constant 176 : index
      %get3A_240 = tpu.vector_load %arg10[%get3A_238, %get3A_239] {strides = array<i32>} : memref<32x768xf32, #tpu.memory_space<vmem>>, vector<1x16xf32>,
      %get3A_241 = vector.shape_cast %get3A_240 : vector<1x16xf32> to vector<16xf32>
      %mul3A_242 = arith.mulf %gather3A_50, %get3A_241 : vector<16xf32>
      %get3A_243 = arith.index_cast %add3A_62 : i32 to index
      %get3A_244 = arith.constant 176 : index
      %get3A_245 = tpu.vector_load %arg11[%get3A_243, %get3A_244] {strides = array<i32>} : memref<32x768xf32, #tpu.memory_space<vmem>>, vector<1x16xf32>,
      %get3A_246 = vector.shape_cast %get3A_245 : vector<1x16xf32> to vector<16xf32>
      %mul3A_247 = arith.mulf %gather3A_60, %get3A_246 : vector<16xf32>
      %add3A_248 = arith.addf %mul3A_242, %mul3A_247 : vector<16xf32>
      %swap3A_249 = arith.index_cast %add3A_62 : i32 to index
      %swap3A_250 = arith.constant 176 : index
      %swap3A_251 = tpu.vector_load %arg10[%swap3A_249, %swap3A_250] {strides = array<i32>} : memref<32x768xf32, #tpu.memory_space<vmem>>, vector<1x16xf32>,
      %swap3A_252 = vector.shape_cast %swap3A_251 : vector<1x16xf32> to vector<16xf32>
      %swap3A_253 = vector.shape_cast %add3A_248 : vector<16xf32> to vector<1x16xf32>
      tpu.vector_store %arg10[%swap3A_249, %swap3A_250], %swap3A_253 {strides = array<i32>} : memref<32x768xf32, #tpu.memory_space<vmem>>, vector<1x16xf32>,
      %get3A_254 = arith.index_cast %add3A_62 : i32 to index
      %get3A_255 = arith.constant 192 : index
      %get3A_256 = tpu.vector_load %arg10[%get3A_254, %get3A_255] {strides = array<i32>} : memref<32x768xf32, #tpu.memory_space<vmem>>, vector<1x16xf32>,
      %get3A_257 = vector.shape_cast %get3A_256 : vector<1x16xf32> to vector<16xf32>
      %mul3A_258 = arith.mulf %gather3A_50, %get3A_257 : vector<16xf32>
      %get3A_259 = arith.index_cast %add3A_62 : i32 to index
      %get3A_260 = arith.constant 192 : index
      %get3A_261 = tpu.vector_load %arg11[%get3A_259, %get3A_260] {strides = array<i32>} : memref<32x768xf32, #tpu.memory_space<vmem>>, vector<1x16xf32>,
      %get3A_262 = vector.shape_cast %get3A_261 : vector<1x16xf32> to vector<16xf32>
      %mul3A_263 = arith.mulf %gather3A_60, %get3A_262 : vector<16xf32>
      %add3A_264 = arith.addf %mul3A_258, %mul3A_263 : vector<16xf32>
      %swap3A_265 = arith.index_cast %add3A_62 : i32 to index
      %swap3A_266 = arith.constant 192 : index
      %swap3A_267 = tpu.vector_load %arg10[%swap3A_265, %swap3A_266] {strides = array<i32>} : memref<32x768xf32, #tpu.memory_space<vmem>>, vector<1x16xf32>,
      %swap3A_268 = vector.shape_cast %swap3A_267 : vector<1x16xf32> to vector<16xf32>
      %swap3A_269 = vector.shape_cast %add3A_264 : vector<16xf32> to vector<1x16xf32>
      tpu.vector_store %arg10[%swap3A_265, %swap3A_266], %swap3A_269 {strides = array<i32>} : memref<32x768xf32, #tpu.memory_space<vmem>>, vector<1x16xf32>,
      %get3A_270 = arith.index_cast %add3A_62 : i32 to index
      %get3A_271 = arith.constant 208 : index
      %get3A_272 = tpu.vector_load %arg10[%get3A_270, %get3A_271] {strides = array<i32>} : memref<32x768xf32, #tpu.memory_space<vmem>>, vector<1x16xf32>,
      %get3A_273 = vector.shape_cast %get3A_272 : vector<1x16xf32> to vector<16xf32>
      %mul3A_274 = arith.mulf %gather3A_50, %get3A_273 : vector<16xf32>
      %get3A_275 = arith.index_cast %add3A_62 : i32 to index
      %get3A_276 = arith.constant 208 : index
      %get3A_277 = tpu.vector_load %arg11[%get3A_275, %get3A_276] {strides = array<i32>} : memref<32x768xf32, #tpu.memory_space<vmem>>, vector<1x16xf32>,
      %get3A_278 = vector.shape_cast %get3A_277 : vector<1x16xf32> to vector<16xf32>
      %mul3A_279 = arith.mulf %gather3A_60, %get3A_278 : vector<16xf32>
      %add3A_280 = arith.addf %mul3A_274, %mul3A_279 : vector<16xf32>
      %swap3A_281 = arith.index_cast %add3A_62 : i32 to index
      %swap3A_282 = arith.constant 208 : index
      %swap3A_283 = tpu.vector_load %arg10[%swap3A_281, %swap3A_282] {strides = array<i32>} : memref<32x768xf32, #tpu.memory_space<vmem>>, vector<1x16xf32>,
      %swap3A_284 = vector.shape_cast %swap3A_283 : vector<1x16xf32> to vector<16xf32>
      %swap3A_285 = vector.shape_cast %add3A_280 : vector<16xf32> to vector<1x16xf32>
      tpu.vector_store %arg10[%swap3A_281, %swap3A_282], %swap3A_285 {strides = array<i32>} : memref<32x768xf32, #tpu.memory_space<vmem>>, vector<1x16xf32>,
      %get3A_286 = arith.index_cast %add3A_62 : i32 to index
      %get3A_287 = arith.constant 224 : index
      %get3A_288 = tpu.vector_load %arg10[%get3A_286, %get3A_287] {strides = array<i32>} : memref<32x768xf32, #tpu.memory_space<vmem>>, vector<1x16xf32>,
      %get3A_289 = vector.shape_cast %get3A_288 : vector<1x16xf32> to vector<16xf32>
      %mul3A_290 = arith.mulf %gather3A_50, %get3A_289 : vector<16xf32>
      %get3A_291 = arith.index_cast %add3A_62 : i32 to index
      %get3A_292 = arith.constant 224 : index
      %get3A_293 = tpu.vector_load %arg11[%get3A_291, %get3A_292] {strides = array<i32>} : memref<32x768xf32, #tpu.memory_space<vmem>>, vector<1x16xf32>,
      %get3A_294 = vector.shape_cast %get3A_293 : vector<1x16xf32> to vector<16xf32>
      %mul3A_295 = arith.mulf %gather3A_60, %get3A_294 : vector<16xf32>
      %add3A_296 = arith.addf %mul3A_290, %mul3A_295 : vector<16xf32>
      %swap3A_297 = arith.index_cast %add3A_62 : i32 to index
      %swap3A_298 = arith.constant 224 : index
      %swap3A_299 = tpu.vector_load %arg10[%swap3A_297, %swap3A_298] {strides = array<i32>} : memref<32x768xf32, #tpu.memory_space<vmem>>, vector<1x16xf32>,
      %swap3A_300 = vector.shape_cast %swap3A_299 : vector<1x16xf32> to vector<16xf32>
      %swap3A_301 = vector.shape_cast %add3A_296 : vector<16xf32> to vector<1x16xf32>
      tpu.vector_store %arg10[%swap3A_297, %swap3A_298], %swap3A_301 {strides = array<i32>} : memref<32x768xf32, #tpu.memory_space<vmem>>, vector<1x16xf32>,
      %get3A_302 = arith.index_cast %add3A_62 : i32 to index
      %get3A_303 = arith.constant 240 : index
      %get3A_304 = tpu.vector_load %arg10[%get3A_302, %get3A_303] {strides = array<i32>} : memref<32x768xf32, #tpu.memory_space<vmem>>, vector<1x16xf32>,
      %get3A_305 = vector.shape_cast %get3A_304 : vector<1x16xf32> to vector<16xf32>
      %mul3A_306 = arith.mulf %gather3A_50, %get3A_305 : vector<16xf32>
      %get3A_307 = arith.index_cast %add3A_62 : i32 to index
      %get3A_308 = arith.constant 240 : index
      %get3A_309 = tpu.vector_load %arg11[%get3A_307, %get3A_308] {strides = array<i32>} : memref<32x768xf32, #tpu.memory_space<vmem>>, vector<1x16xf32>,
      %get3A_310 = vector.shape_cast %get3A_309 : vector<1x16xf32> to vector<16xf32>
      %mul3A_311 = arith.mulf %gather3A_60, %get3A_310 : vector<16xf32>
      %add3A_312 = arith.addf %mul3A_306, %mul3A_311 : vector<16xf32>
      %swap3A_313 = arith.index_cast %add3A_62 : i32 to index
      %swap3A_314 = arith.constant 240 : index
      %swap3A_315 = tpu.vector_load %arg10[%swap3A_313, %swap3A_314] {strides = array<i32>} : memref<32x768xf32, #tpu.memory_space<vmem>>, vector<1x16xf32>,
      %swap3A_316 = vector.shape_cast %swap3A_315 : vector<1x16xf32> to vector<16xf32>
      %swap3A_317 = vector.shape_cast %add3A_312 : vector<16xf32> to vector<1x16xf32>
      tpu.vector_store %arg10[%swap3A_313, %swap3A_314], %swap3A_317 {strides = array<i32>} : memref<32x768xf32, #tpu.memory_space<vmem>>, vector<1x16xf32>,
      %get3A_318 = arith.index_cast %add3A_62 : i32 to index
      %get3A_319 = arith.constant 256 : index
      %get3A_320 = tpu.vector_load %arg10[%get3A_318, %get3A_319] {strides = array<i32>} : memref<32x768xf32, #tpu.memory_space<vmem>>, vector<1x16xf32>,
      %get3A_321 = vector.shape_cast %get3A_320 : vector<1x16xf32> to vector<16xf32>
      %mul3A_322 = arith.mulf %gather3A_50, %get3A_321 : vector<16xf32>
      %get3A_323 = arith.index_cast %add3A_62 : i32 to index
      %get3A_324 = arith.constant 256 : index
      %get3A_325 = tpu.vector_load %arg11[%get3A_323, %get3A_324] {strides = array<i32>} : memref<32x768xf32, #tpu.memory_space<vmem>>, vector<1x16xf32>,
      %get3A_326 = vector.shape_cast %get3A_325 : vector<1x16xf32> to vector<16xf32>
      %mul3A_327 = arith.mulf %gather3A_60, %get3A_326 : vector<16xf32>
      %add3A_328 = arith.addf %mul3A_322, %mul3A_327 : vector<16xf32>
      %swap3A_329 = arith.index_cast %add3A_62 : i32 to index
      %swap3A_330 = arith.constant 256 : index
      %swap3A_331 = tpu.vector_load %arg10[%swap3A_329, %swap3A_330] {strides = array<i32>} : memref<32x768xf32, #tpu.memory_space<vmem>>, vector<1x16xf32>,
      %swap3A_332 = vector.shape_cast %swap3A_331 : vector<1x16xf32> to vector<16xf32>
      %swap3A_333 = vector.shape_cast %add3A_328 : vector<16xf32> to vector<1x16xf32>
      tpu.vector_store %arg10[%swap3A_329, %swap3A_330], %swap3A_333 {strides = array<i32>} : memref<32x768xf32, #tpu.memory_space<vmem>>, vector<1x16xf32>,
      %get3A_334 = arith.index_cast %add3A_62 : i32 to index
      %get3A_335 = arith.constant 272 : index
      %get3A_336 = tpu.vector_load %arg10[%get3A_334, %get3A_335] {strides = array<i32>} : memref<32x768xf32, #tpu.memory_space<vmem>>, vector<1x16xf32>,
      %get3A_337 = vector.shape_cast %get3A_336 : vector<1x16xf32> to vector<16xf32>
      %mul3A_338 = arith.mulf %gather3A_50, %get3A_337 : vector<16xf32>
      %get3A_339 = arith.index_cast %add3A_62 : i32 to index
      %get3A_340 = arith.constant 272 : index
      %get3A_341 = tpu.vector_load %arg11[%get3A_339, %get3A_340] {strides = array<i32>} : memref<32x768xf32, #tpu.memory_space<vmem>>, vector<1x16xf32>,
      %get3A_342 = vector.shape_cast %get3A_341 : vector<1x16xf32> to vector<16xf32>
      %mul3A_343 = arith.mulf %gather3A_60, %get3A_342 : vector<16xf32>
      %add3A_344 = arith.addf %mul3A_338, %mul3A_343 : vector<16xf32>
      %swap3A_345 = arith.index_cast %add3A_62 : i32 to index
      %swap3A_346 = arith.constant 272 : index
      %swap3A_347 = tpu.vector_load %arg10[%swap3A_345, %swap3A_346] {strides = array<i32>} : memref<32x768xf32, #tpu.memory_space<vmem>>, vector<1x16xf32>,
      %swap3A_348 = vector.shape_cast %swap3A_347 : vector<1x16xf32> to vector<16xf32>
      %swap3A_349 = vector.shape_cast %add3A_344 : vector<16xf32> to vector<1x16xf32>
      tpu.vector_store %arg10[%swap3A_345, %swap3A_346], %swap3A_349 {strides = array<i32>} : memref<32x768xf32, #tpu.memory_space<vmem>>, vector<1x16xf32>,
      %get3A_350 = arith.index_cast %add3A_62 : i32 to index
      %get3A_351 = arith.constant 288 : index
      %get3A_352 = tpu.vector_load %arg10[%get3A_350, %get3A_351] {strides = array<i32>} : memref<32x768xf32, #tpu.memory_space<vmem>>, vector<1x16xf32>,
      %get3A_353 = vector.shape_cast %get3A_352 : vector<1x16xf32> to vector<16xf32>
      %mul3A_354 = arith.mulf %gather3A_50, %get3A_353 : vector<16xf32>
      %get3A_355 = arith.index_cast %add3A_62 : i32 to index
      %get3A_356 = arith.constant 288 : index
      %get3A_357 = tpu.vector_load %arg11[%get3A_355, %get3A_356] {strides = array<i32>} : memref<32x768xf32, #tpu.memory_space<vmem>>, vector<1x16xf32>,
      %get3A_358 = vector.shape_cast %get3A_357 : vector<1x16xf32> to vector<16xf32>
      %mul3A_359 = arith.mulf %gather3A_60, %get3A_358 : vector<16xf32>
      %add3A_360 = arith.addf %mul3A_354, %mul3A_359 : vector<16xf32>
      %swap3A_361 = arith.index_cast %add3A_62 : i32 to index
      %swap3A_362 = arith.constant 288 : index
      %swap3A_363 = tpu.vector_load %arg10[%swap3A_361, %swap3A_362] {strides = array<i32>} : memref<32x768xf32, #tpu.memory_space<vmem>>, vector<1x16xf32>,
      %swap3A_364 = vector.shape_cast %swap3A_363 : vector<1x16xf32> to vector<16xf32>
      %swap3A_365 = vector.shape_cast %add3A_360 : vector<16xf32> to vector<1x16xf32>
      tpu.vector_store %arg10[%swap3A_361, %swap3A_362], %swap3A_365 {strides = array<i32>} : memref<32x768xf32, #tpu.memory_space<vmem>>, vector<1x16xf32>,
      %get3A_366 = arith.index_cast %add3A_62 : i32 to index
      %get3A_367 = arith.constant 304 : index
      %get3A_368 = tpu.vector_load %arg10[%get3A_366, %get3A_367] {strides = array<i32>} : memref<32x768xf32, #tpu.memory_space<vmem>>, vector<1x16xf32>,
      %get3A_369 = vector.shape_cast %get3A_368 : vector<1x16xf32> to vector<16xf32>
      %mul3A_370 = arith.mulf %gather3A_50, %get3A_369 : vector<16xf32>
      %get3A_371 = arith.index_cast %add3A_62 : i32 to index
      %get3A_372 = arith.constant 304 : index
      %get3A_373 = tpu.vector_load %arg11[%get3A_371, %get3A_372] {strides = array<i32>} : memref<32x768xf32, #tpu.memory_space<vmem>>, vector<1x16xf32>,
      %get3A_374 = vector.shape_cast %get3A_373 : vector<1x16xf32> to vector<16xf32>
      %mul3A_375 = arith.mulf %gather3A_60, %get3A_374 : vector<16xf32>
      %add3A_376 = arith.addf %mul3A_370, %mul3A_375 : vector<16xf32>
      %swap3A_377 = arith.index_cast %add3A_62 : i32 to index
      %swap3A_378 = arith.constant 304 : index
      %swap3A_379 = tpu.vector_load %arg10[%swap3A_377, %swap3A_378] {strides = array<i32>} : memref<32x768xf32, #tpu.memory_space<vmem>>, vector<1x16xf32>,
      %swap3A_380 = vector.shape_cast %swap3A_379 : vector<1x16xf32> to vector<16xf32>
      %swap3A_381 = vector.shape_cast %add3A_376 : vector<16xf32> to vector<1x16xf32>
      tpu.vector_store %arg10[%swap3A_377, %swap3A_378], %swap3A_381 {strides = array<i32>} : memref<32x768xf32, #tpu.memory_space<vmem>>, vector<1x16xf32>,
      %get3A_382 = arith.index_cast %add3A_62 : i32 to index
      %get3A_383 = arith.constant 320 : index
      %get3A_384 = tpu.vector_load %arg10[%get3A_382, %get3A_383] {strides = array<i32>} : memref<32x768xf32, #tpu.memory_space<vmem>>, vector<1x16xf32>,
      %get3A_385 = vector.shape_cast %get3A_384 : vector<1x16xf32> to vector<16xf32>
      %mul3A_386 = arith.mulf %gather3A_50, %get3A_385 : vector<16xf32>
      %get3A_387 = arith.index_cast %add3A_62 : i32 to index
      %get3A_388 = arith.constant 320 : index
      %get3A_389 = tpu.vector_load %arg11[%get3A_387, %get3A_388] {strides = array<i32>} : memref<32x768xf32, #tpu.memory_space<vmem>>, vector<1x16xf32>,
      %get3A_390 = vector.shape_cast %get3A_389 : vector<1x16xf32> to vector<16xf32>
      %mul3A_391 = arith.mulf %gather3A_60, %get3A_390 : vector<16xf32>
      %add3A_392 = arith.addf %mul3A_386, %mul3A_391 : vector<16xf32>
      %swap3A_393 = arith.index_cast %add3A_62 : i32 to index
      %swap3A_394 = arith.constant 320 : index
      %swap3A_395 = tpu.vector_load %arg10[%swap3A_393, %swap3A_394] {strides = array<i32>} : memref<32x768xf32, #tpu.memory_space<vmem>>, vector<1x16xf32>,
      %swap3A_396 = vector.shape_cast %swap3A_395 : vector<1x16xf32> to vector<16xf32>
      %swap3A_397 = vector.shape_cast %add3A_392 : vector<16xf32> to vector<1x16xf32>
      tpu.vector_store %arg10[%swap3A_393, %swap3A_394], %swap3A_397 {strides = array<i32>} : memref<32x768xf32, #tpu.memory_space<vmem>>, vector<1x16xf32>,
      %get3A_398 = arith.index_cast %add3A_62 : i32 to index
      %get3A_399 = arith.constant 336 : index
      %get3A_400 = tpu.vector_load %arg10[%get3A_398, %get3A_399] {strides = array<i32>} : memref<32x768xf32, #tpu.memory_space<vmem>>, vector<1x16xf32>,
      %get3A_401 = vector.shape_cast %get3A_400 : vector<1x16xf32> to vector<16xf32>
      %mul3A_402 = arith.mulf %gather3A_50, %get3A_401 : vector<16xf32>
      %get3A_403 = arith.index_cast %add3A_62 : i32 to index
      %get3A_404 = arith.constant 336 : index
      %get3A_405 = tpu.vector_load %arg11[%get3A_403, %get3A_404] {strides = array<i32>} : memref<32x768xf32, #tpu.memory_space<vmem>>, vector<1x16xf32>,
      %get3A_406 = vector.shape_cast %get3A_405 : vector<1x16xf32> to vector<16xf32>
      %mul3A_407 = arith.mulf %gather3A_60, %get3A_406 : vector<16xf32>
      %add3A_408 = arith.addf %mul3A_402, %mul3A_407 : vector<16xf32>
      %swap3A_409 = arith.index_cast %add3A_62 : i32 to index
      %swap3A_410 = arith.constant 336 : index
      %swap3A_411 = tpu.vector_load %arg10[%swap3A_409, %swap3A_410] {strides = array<i32>} : memref<32x768xf32, #tpu.memory_space<vmem>>, vector<1x16xf32>,
      %swap3A_412 = vector.shape_cast %swap3A_411 : vector<1x16xf32> to vector<16xf32>
      %swap3A_413 = vector.shape_cast %add3A_408 : vector<16xf32> to vector<1x16xf32>
      tpu.vector_store %arg10[%swap3A_409, %swap3A_410], %swap3A_413 {strides = array<i32>} : memref<32x768xf32, #tpu.memory_space<vmem>>, vector<1x16xf32>,
      %get3A_414 = arith.index_cast %add3A_62 : i32 to index
      %get3A_415 = arith.constant 352 : index
      %get3A_416 = tpu.vector_load %arg10[%get3A_414, %get3A_415] {strides = array<i32>} : memref<32x768xf32, #tpu.memory_space<vmem>>, vector<1x16xf32>,
      %get3A_417 = vector.shape_cast %get3A_416 : vector<1x16xf32> to vector<16xf32>
      %mul3A_418 = arith.mulf %gather3A_50, %get3A_417 : vector<16xf32>
      %get3A_419 = arith.index_cast %add3A_62 : i32 to index
      %get3A_420 = arith.constant 352 : index
      %get3A_421 = tpu.vector_load %arg11[%get3A_419, %get3A_420] {strides = array<i32>} : memref<32x768xf32, #tpu.memory_space<vmem>>, vector<1x16xf32>,
      %get3A_422 = vector.shape_cast %get3A_421 : vector<1x16xf32> to vector<16xf32>
      %mul3A_423 = arith.mulf %gather3A_60, %get3A_422 : vector<16xf32>
      %add3A_424 = arith.addf %mul3A_418, %mul3A_423 : vector<16xf32>
      %swap3A_425 = arith.index_cast %add3A_62 : i32 to index
      %swap3A_426 = arith.constant 352 : index
      %swap3A_427 = tpu.vector_load %arg10[%swap3A_425, %swap3A_426] {strides = array<i32>} : memref<32x768xf32, #tpu.memory_space<vmem>>, vector<1x16xf32>,
      %swap3A_428 = vector.shape_cast %swap3A_427 : vector<1x16xf32> to vector<16xf32>
      %swap3A_429 = vector.shape_cast %add3A_424 : vector<16xf32> to vector<1x16xf32>
      tpu.vector_store %arg10[%swap3A_425, %swap3A_426], %swap3A_429 {strides = array<i32>} : memref<32x768xf32, #tpu.memory_space<vmem>>, vector<1x16xf32>,
      %get3A_430 = arith.index_cast %add3A_62 : i32 to index
      %get3A_431 = arith.constant 368 : index
      %get3A_432 = tpu.vector_load %arg10[%get3A_430, %get3A_431] {strides = array<i32>} : memref<32x768xf32, #tpu.memory_space<vmem>>, vector<1x16xf32>,
      %get3A_433 = vector.shape_cast %get3A_432 : vector<1x16xf32> to vector<16xf32>
      %mul3A_434 = arith.mulf %gather3A_50, %get3A_433 : vector<16xf32>
      %get3A_435 = arith.index_cast %add3A_62 : i32 to index
      %get3A_436 = arith.constant 368 : index
      %get3A_437 = tpu.vector_load %arg11[%get3A_435, %get3A_436] {strides = array<i32>} : memref<32x768xf32, #tpu.memory_space<vmem>>, vector<1x16xf32>,
      %get3A_438 = vector.shape_cast %get3A_437 : vector<1x16xf32> to vector<16xf32>
      %mul3A_439 = arith.mulf %gather3A_60, %get3A_438 : vector<16xf32>
      %add3A_440 = arith.addf %mul3A_434, %mul3A_439 : vector<16xf32>
      %swap3A_441 = arith.index_cast %add3A_62 : i32 to index
      %swap3A_442 = arith.constant 368 : index
      %swap3A_443 = tpu.vector_load %arg10[%swap3A_441, %swap3A_442] {strides = array<i32>} : memref<32x768xf32, #tpu.memory_space<vmem>>, vector<1x16xf32>,
      %swap3A_444 = vector.shape_cast %swap3A_443 : vector<1x16xf32> to vector<16xf32>
      %swap3A_445 = vector.shape_cast %add3A_440 : vector<16xf32> to vector<1x16xf32>
      tpu.vector_store %arg10[%swap3A_441, %swap3A_442], %swap3A_445 {strides = array<i32>} : memref<32x768xf32, #tpu.memory_space<vmem>>, vector<1x16xf32>,
      %get3A_446 = arith.index_cast %add3A_62 : i32 to index
      %get3A_447 = arith.constant 384 : index
      %get3A_448 = tpu.vector_load %arg10[%get3A_446, %get3A_447] {strides = array<i32>} : memref<32x768xf32, #tpu.memory_space<vmem>>, vector<1x16xf32>,
      %get3A_449 = vector.shape_cast %get3A_448 : vector<1x16xf32> to vector<16xf32>
      %mul3A_450 = arith.mulf %gather3A_50, %get3A_449 : vector<16xf32>
      %get3A_451 = arith.index_cast %add3A_62 : i32 to index
      %get3A_452 = arith.constant 384 : index
      %get3A_453 = tpu.vector_load %arg11[%get3A_451, %get3A_452] {strides = array<i32>} : memref<32x768xf32, #tpu.memory_space<vmem>>, vector<1x16xf32>,
      %get3A_454 = vector.shape_cast %get3A_453 : vector<1x16xf32> to vector<16xf32>
      %mul3A_455 = arith.mulf %gather3A_60, %get3A_454 : vector<16xf32>
      %add3A_456 = arith.addf %mul3A_450, %mul3A_455 : vector<16xf32>
      %swap3A_457 = arith.index_cast %add3A_62 : i32 to index
      %swap3A_458 = arith.constant 384 : index
      %swap3A_459 = tpu.vector_load %arg10[%swap3A_457, %swap3A_458] {strides = array<i32>} : memref<32x768xf32, #tpu.memory_space<vmem>>, vector<1x16xf32>,
      %swap3A_460 = vector.shape_cast %swap3A_459 : vector<1x16xf32> to vector<16xf32>
      %swap3A_461 = vector.shape_cast %add3A_456 : vector<16xf32> to vector<1x16xf32>
      tpu.vector_store %arg10[%swap3A_457, %swap3A_458], %swap3A_461 {strides = array<i32>} : memref<32x768xf32, #tpu.memory_space<vmem>>, vector<1x16xf32>,
      %get3A_462 = arith.index_cast %add3A_62 : i32 to index
      %get3A_463 = arith.constant 400 : index
      %get3A_464 = tpu.vector_load %arg10[%get3A_462, %get3A_463] {strides = array<i32>} : memref<32x768xf32, #tpu.memory_space<vmem>>, vector<1x16xf32>,
      %get3A_465 = vector.shape_cast %get3A_464 : vector<1x16xf32> to vector<16xf32>
      %mul3A_466 = arith.mulf %gather3A_50, %get3A_465 : vector<16xf32>
      %get3A_467 = arith.index_cast %add3A_62 : i32 to index
      %get3A_468 = arith.constant 400 : index
      %get3A_469 = tpu.vector_load %arg11[%get3A_467, %get3A_468] {strides = array<i32>} : memref<32x768xf32, #tpu.memory_space<vmem>>, vector<1x16xf32>,
      %get3A_470 = vector.shape_cast %get3A_469 : vector<1x16xf32> to vector<16xf32>
      %mul3A_471 = arith.mulf %gather3A_60, %get3A_470 : vector<16xf32>
      %add3A_472 = arith.addf %mul3A_466, %mul3A_471 : vector<16xf32>
      %swap3A_473 = arith.index_cast %add3A_62 : i32 to index
      %swap3A_474 = arith.constant 400 : index
      %swap3A_475 = tpu.vector_load %arg10[%swap3A_473, %swap3A_474] {strides = array<i32>} : memref<32x768xf32, #tpu.memory_space<vmem>>, vector<1x16xf32>,
      %swap3A_476 = vector.shape_cast %swap3A_475 : vector<1x16xf32> to vector<16xf32>
      %swap3A_477 = vector.shape_cast %add3A_472 : vector<16xf32> to vector<1x16xf32>
      tpu.vector_store %arg10[%swap3A_473, %swap3A_474], %swap3A_477 {strides = array<i32>} : memref<32x768xf32, #tpu.memory_space<vmem>>, vector<1x16xf32>,
      %get3A_478 = arith.index_cast %add3A_62 : i32 to index
      %get3A_479 = arith.constant 416 : index
      %get3A_480 = tpu.vector_load %arg10[%get3A_478, %get3A_479] {strides = array<i32>} : memref<32x768xf32, #tpu.memory_space<vmem>>, vector<1x16xf32>,
      %get3A_481 = vector.shape_cast %get3A_480 : vector<1x16xf32> to vector<16xf32>
      %mul3A_482 = arith.mulf %gather3A_50, %get3A_481 : vector<16xf32>
      %get3A_483 = arith.index_cast %add3A_62 : i32 to index
      %get3A_484 = arith.constant 416 : index
      %get3A_485 = tpu.vector_load %arg11[%get3A_483, %get3A_484] {strides = array<i32>} : memref<32x768xf32, #tpu.memory_space<vmem>>, vector<1x16xf32>,
      %get3A_486 = vector.shape_cast %get3A_485 : vector<1x16xf32> to vector<16xf32>
      %mul3A_487 = arith.mulf %gather3A_60, %get3A_486 : vector<16xf32>
      %add3A_488 = arith.addf %mul3A_482, %mul3A_487 : vector<16xf32>
      %swap3A_489 = arith.index_cast %add3A_62 : i32 to index
      %swap3A_490 = arith.constant 416 : index
      %swap3A_491 = tpu.vector_load %arg10[%swap3A_489, %swap3A_490] {strides = array<i32>} : memref<32x768xf32, #tpu.memory_space<vmem>>, vector<1x16xf32>,
      %swap3A_492 = vector.shape_cast %swap3A_491 : vector<1x16xf32> to vector<16xf32>
      %swap3A_493 = vector.shape_cast %add3A_488 : vector<16xf32> to vector<1x16xf32>
      tpu.vector_store %arg10[%swap3A_489, %swap3A_490], %swap3A_493 {strides = array<i32>} : memref<32x768xf32, #tpu.memory_space<vmem>>, vector<1x16xf32>,
      %get3A_494 = arith.index_cast %add3A_62 : i32 to index
      %get3A_495 = arith.constant 432 : index
      %get3A_496 = tpu.vector_load %arg10[%get3A_494, %get3A_495] {strides = array<i32>} : memref<32x768xf32, #tpu.memory_space<vmem>>, vector<1x16xf32>,
      %get3A_497 = vector.shape_cast %get3A_496 : vector<1x16xf32> to vector<16xf32>
      %mul3A_498 = arith.mulf %gather3A_50, %get3A_497 : vector<16xf32>
      %get3A_499 = arith.index_cast %add3A_62 : i32 to index
      %get3A_500 = arith.constant 432 : index
      %get3A_501 = tpu.vector_load %arg11[%get3A_499, %get3A_500] {strides = array<i32>} : memref<32x768xf32, #tpu.memory_space<vmem>>, vector<1x16xf32>,
      %get3A_502 = vector.shape_cast %get3A_501 : vector<1x16xf32> to vector<16xf32>
      %mul3A_503 = arith.mulf %gather3A_60, %get3A_502 : vector<16xf32>
      %add3A_504 = arith.addf %mul3A_498, %mul3A_503 : vector<16xf32>
      %swap3A_505 = arith.index_cast %add3A_62 : i32 to index
      %swap3A_506 = arith.constant 432 : index
      %swap3A_507 = tpu.vector_load %arg10[%swap3A_505, %swap3A_506] {strides = array<i32>} : memref<32x768xf32, #tpu.memory_space<vmem>>, vector<1x16xf32>,
      %swap3A_508 = vector.shape_cast %swap3A_507 : vector<1x16xf32> to vector<16xf32>
      %swap3A_509 = vector.shape_cast %add3A_504 : vector<16xf32> to vector<1x16xf32>
      tpu.vector_store %arg10[%swap3A_505, %swap3A_506], %swap3A_509 {strides = array<i32>} : memref<32x768xf32, #tpu.memory_space<vmem>>, vector<1x16xf32>,
      %get3A_510 = arith.index_cast %add3A_62 : i32 to index
      %get3A_511 = arith.constant 448 : index
      %get3A_512 = tpu.vector_load %arg10[%get3A_510, %get3A_511] {strides = array<i32>} : memref<32x768xf32, #tpu.memory_space<vmem>>, vector<1x16xf32>,
      %get3A_513 = vector.shape_cast %get3A_512 : vector<1x16xf32> to vector<16xf32>
      %mul3A_514 = arith.mulf %gather3A_50, %get3A_513 : vector<16xf32>
      %get3A_515 = arith.index_cast %add3A_62 : i32 to index
      %get3A_516 = arith.constant 448 : index
      %get3A_517 = tpu.vector_load %arg11[%get3A_515, %get3A_516] {strides = array<i32>} : memref<32x768xf32, #tpu.memory_space<vmem>>, vector<1x16xf32>,
      %get3A_518 = vector.shape_cast %get3A_517 : vector<1x16xf32> to vector<16xf32>
      %mul3A_519 = arith.mulf %gather3A_60, %get3A_518 : vector<16xf32>
      %add3A_520 = arith.addf %mul3A_514, %mul3A_519 : vector<16xf32>
      %swap3A_521 = arith.index_cast %add3A_62 : i32 to index
      %swap3A_522 = arith.constant 448 : index
      %swap3A_523 = tpu.vector_load %arg10[%swap3A_521, %swap3A_522] {strides = array<i32>} : memref<32x768xf32, #tpu.memory_space<vmem>>, vector<1x16xf32>,
      %swap3A_524 = vector.shape_cast %swap3A_523 : vector<1x16xf32> to vector<16xf32>
      %swap3A_525 = vector.shape_cast %add3A_520 : vector<16xf32> to vector<1x16xf32>
      tpu.vector_store %arg10[%swap3A_521, %swap3A_522], %swap3A_525 {strides = array<i32>} : memref<32x768xf32, #tpu.memory_space<vmem>>, vector<1x16xf32>,
      %get3A_526 = arith.index_cast %add3A_62 : i32 to index
      %get3A_527 = arith.constant 464 : index
      %get3A_528 = tpu.vector_load %arg10[%get3A_526, %get3A_527] {strides = array<i32>} : memref<32x768xf32, #tpu.memory_space<vmem>>, vector<1x16xf32>,
      %get3A_529 = vector.shape_cast %get3A_528 : vector<1x16xf32> to vector<16xf32>
      %mul3A_530 = arith.mulf %gather3A_50, %get3A_529 : vector<16xf32>
      %get3A_531 = arith.index_cast %add3A_62 : i32 to index
      %get3A_532 = arith.constant 464 : index
      %get3A_533 = tpu.vector_load %arg11[%get3A_531, %get3A_532] {strides = array<i32>} : memref<32x768xf32, #tpu.memory_space<vmem>>, vector<1x16xf32>,
      %get3A_534 = vector.shape_cast %get3A_533 : vector<1x16xf32> to vector<16xf32>
      %mul3A_535 = arith.mulf %gather3A_60, %get3A_534 : vector<16xf32>
      %add3A_536 = arith.addf %mul3A_530, %mul3A_535 : vector<16xf32>
      %swap3A_537 = arith.index_cast %add3A_62 : i32 to index
      %swap3A_538 = arith.constant 464 : index
      %swap3A_539 = tpu.vector_load %arg10[%swap3A_537, %swap3A_538] {strides = array<i32>} : memref<32x768xf32, #tpu.memory_space<vmem>>, vector<1x16xf32>,
      %swap3A_540 = vector.shape_cast %swap3A_539 : vector<1x16xf32> to vector<16xf32>
      %swap3A_541 = vector.shape_cast %add3A_536 : vector<16xf32> to vector<1x16xf32>
      tpu.vector_store %arg10[%swap3A_537, %swap3A_538], %swap3A_541 {strides = array<i32>} : memref<32x768xf32, #tpu.memory_space<vmem>>, vector<1x16xf32>,
      %get3A_542 = arith.index_cast %add3A_62 : i32 to index
      %get3A_543 = arith.constant 480 : index
      %get3A_544 = tpu.vector_load %arg10[%get3A_542, %get3A_543] {strides = array<i32>} : memref<32x768xf32, #tpu.memory_space<vmem>>, vector<1x16xf32>,
      %get3A_545 = vector.shape_cast %get3A_544 : vector<1x16xf32> to vector<16xf32>
      %mul3A_546 = arith.mulf %gather3A_50, %get3A_545 : vector<16xf32>
      %get3A_547 = arith.index_cast %add3A_62 : i32 to index
      %get3A_548 = arith.constant 480 : index
      %get3A_549 = tpu.vector_load %arg11[%get3A_547, %get3A_548] {strides = array<i32>} : memref<32x768xf32, #tpu.memory_space<vmem>>, vector<1x16xf32>,
      %get3A_550 = vector.shape_cast %get3A_549 : vector<1x16xf32> to vector<16xf32>
      %mul3A_551 = arith.mulf %gather3A_60, %get3A_550 : vector<16xf32>
      %add3A_552 = arith.addf %mul3A_546, %mul3A_551 : vector<16xf32>
      %swap3A_553 = arith.index_cast %add3A_62 : i32 to index
      %swap3A_554 = arith.constant 480 : index
      %swap3A_555 = tpu.vector_load %arg10[%swap3A_553, %swap3A_554] {strides = array<i32>} : memref<32x768xf32, #tpu.memory_space<vmem>>, vector<1x16xf32>,
      %swap3A_556 = vector.shape_cast %swap3A_555 : vector<1x16xf32> to vector<16xf32>
      %swap3A_557 = vector.shape_cast %add3A_552 : vector<16xf32> to vector<1x16xf32>
      tpu.vector_store %arg10[%swap3A_553, %swap3A_554], %swap3A_557 {strides = array<i32>} : memref<32x768xf32, #tpu.memory_space<vmem>>, vector<1x16xf32>,
      %get3A_558 = arith.index_cast %add3A_62 : i32 to index
      %get3A_559 = arith.constant 496 : index
      %get3A_560 = tpu.vector_load %arg10[%get3A_558, %get3A_559] {strides = array<i32>} : memref<32x768xf32, #tpu.memory_space<vmem>>, vector<1x16xf32>,
      %get3A_561 = vector.shape_cast %get3A_560 : vector<1x16xf32> to vector<16xf32>
      %mul3A_562 = arith.mulf %gather3A_50, %get3A_561 : vector<16xf32>
      %get3A_563 = arith.index_cast %add3A_62 : i32 to index
      %get3A_564 = arith.constant 496 : index
      %get3A_565 = tpu.vector_load %arg11[%get3A_563, %get3A_564] {strides = array<i32>} : memref<32x768xf32, #tpu.memory_space<vmem>>, vector<1x16xf32>,
      %get3A_566 = vector.shape_cast %get3A_565 : vector<1x16xf32> to vector<16xf32>
      %mul3A_567 = arith.mulf %gather3A_60, %get3A_566 : vector<16xf32>
      %add3A_568 = arith.addf %mul3A_562, %mul3A_567 : vector<16xf32>
      %swap3A_569 = arith.index_cast %add3A_62 : i32 to index
      %swap3A_570 = arith.constant 496 : index
      %swap3A_571 = tpu.vector_load %arg10[%swap3A_569, %swap3A_570] {strides = array<i32>} : memref<32x768xf32, #tpu.memory_space<vmem>>, vector<1x16xf32>,
      %swap3A_572 = vector.shape_cast %swap3A_571 : vector<1x16xf32> to vector<16xf32>
      %swap3A_573 = vector.shape_cast %add3A_568 : vector<16xf32> to vector<1x16xf32>
      tpu.vector_store %arg10[%swap3A_569, %swap3A_570], %swap3A_573 {strides = array<i32>} : memref<32x768xf32, #tpu.memory_space<vmem>>, vector<1x16xf32>,
      %get3A_574 = arith.index_cast %add3A_62 : i32 to index
      %get3A_575 = arith.constant 512 : index
      %get3A_576 = tpu.vector_load %arg10[%get3A_574, %get3A_575] {strides = array<i32>} : memref<32x768xf32, #tpu.memory_space<vmem>>, vector<1x16xf32>,
      %get3A_577 = vector.shape_cast %get3A_576 : vector<1x16xf32> to vector<16xf32>
      %mul3A_578 = arith.mulf %gather3A_50, %get3A_577 : vector<16xf32>
      %get3A_579 = arith.index_cast %add3A_62 : i32 to index
      %get3A_580 = arith.constant 512 : index
      %get3A_581 = tpu.vector_load %arg11[%get3A_579, %get3A_580] {strides = array<i32>} : memref<32x768xf32, #tpu.memory_space<vmem>>, vector<1x16xf32>,
      %get3A_582 = vector.shape_cast %get3A_581 : vector<1x16xf32> to vector<16xf32>
      %mul3A_583 = arith.mulf %gather3A_60, %get3A_582 : vector<16xf32>
      %add3A_584 = arith.addf %mul3A_578, %mul3A_583 : vector<16xf32>
      %swap3A_585 = arith.index_cast %add3A_62 : i32 to index
      %swap3A_586 = arith.constant 512 : index
      %swap3A_587 = tpu.vector_load %arg10[%swap3A_585, %swap3A_586] {strides = array<i32>} : memref<32x768xf32, #tpu.memory_space<vmem>>, vector<1x16xf32>,
      %swap3A_588 = vector.shape_cast %swap3A_587 : vector<1x16xf32> to vector<16xf32>
      %swap3A_589 = vector.shape_cast %add3A_584 : vector<16xf32> to vector<1x16xf32>
      tpu.vector_store %arg10[%swap3A_585, %swap3A_586], %swap3A_589 {strides = array<i32>} : memref<32x768xf32, #tpu.memory_space<vmem>>, vector<1x16xf32>,
      %get3A_590 = arith.index_cast %add3A_62 : i32 to index
      %get3A_591 = arith.constant 528 : index
      %get3A_592 = tpu.vector_load %arg10[%get3A_590, %get3A_591] {strides = array<i32>} : memref<32x768xf32, #tpu.memory_space<vmem>>, vector<1x16xf32>,
      %get3A_593 = vector.shape_cast %get3A_592 : vector<1x16xf32> to vector<16xf32>
      %mul3A_594 = arith.mulf %gather3A_50, %get3A_593 : vector<16xf32>
      %get3A_595 = arith.index_cast %add3A_62 : i32 to index
      %get3A_596 = arith.constant 528 : index
      %get3A_597 = tpu.vector_load %arg11[%get3A_595, %get3A_596] {strides = array<i32>} : memref<32x768xf32, #tpu.memory_space<vmem>>, vector<1x16xf32>,
      %get3A_598 = vector.shape_cast %get3A_597 : vector<1x16xf32> to vector<16xf32>
      %mul3A_599 = arith.mulf %gather3A_60, %get3A_598 : vector<16xf32>
      %add3A_600 = arith.addf %mul3A_594, %mul3A_599 : vector<16xf32>
      %swap3A_601 = arith.index_cast %add3A_62 : i32 to index
      %swap3A_602 = arith.constant 528 : index
      %swap3A_603 = tpu.vector_load %arg10[%swap3A_601, %swap3A_602] {strides = array<i32>} : memref<32x768xf32, #tpu.memory_space<vmem>>, vector<1x16xf32>,
      %swap3A_604 = vector.shape_cast %swap3A_603 : vector<1x16xf32> to vector<16xf32>
      %swap3A_605 = vector.shape_cast %add3A_600 : vector<16xf32> to vector<1x16xf32>
      tpu.vector_store %arg10[%swap3A_601, %swap3A_602], %swap3A_605 {strides = array<i32>} : memref<32x768xf32, #tpu.memory_space<vmem>>, vector<1x16xf32>,
      %get3A_606 = arith.index_cast %add3A_62 : i32 to index
      %get3A_607 = arith.constant 544 : index
      %get3A_608 = tpu.vector_load %arg10[%get3A_606, %get3A_607] {strides = array<i32>} : memref<32x768xf32, #tpu.memory_space<vmem>>, vector<1x16xf32>,
      %get3A_609 = vector.shape_cast %get3A_608 : vector<1x16xf32> to vector<16xf32>
      %mul3A_610 = arith.mulf %gather3A_50, %get3A_609 : vector<16xf32>
      %get3A_611 = arith.index_cast %add3A_62 : i32 to index
      %get3A_612 = arith.constant 544 : index
      %get3A_613 = tpu.vector_load %arg11[%get3A_611, %get3A_612] {strides = array<i32>} : memref<32x768xf32, #tpu.memory_space<vmem>>, vector<1x16xf32>,
      %get3A_614 = vector.shape_cast %get3A_613 : vector<1x16xf32> to vector<16xf32>
      %mul3A_615 = arith.mulf %gather3A_60, %get3A_614 : vector<16xf32>
      %add3A_616 = arith.addf %mul3A_610, %mul3A_615 : vector<16xf32>
      %swap3A_617 = arith.index_cast %add3A_62 : i32 to index
      %swap3A_618 = arith.constant 544 : index
      %swap3A_619 = tpu.vector_load %arg10[%swap3A_617, %swap3A_618] {strides = array<i32>} : memref<32x768xf32, #tpu.memory_space<vmem>>, vector<1x16xf32>,
      %swap3A_620 = vector.shape_cast %swap3A_619 : vector<1x16xf32> to vector<16xf32>
      %swap3A_621 = vector.shape_cast %add3A_616 : vector<16xf32> to vector<1x16xf32>
      tpu.vector_store %arg10[%swap3A_617, %swap3A_618], %swap3A_621 {strides = array<i32>} : memref<32x768xf32, #tpu.memory_space<vmem>>, vector<1x16xf32>,
      %get3A_622 = arith.index_cast %add3A_62 : i32 to index
      %get3A_623 = arith.constant 560 : index
      %get3A_624 = tpu.vector_load %arg10[%get3A_622, %get3A_623] {strides = array<i32>} : memref<32x768xf32, #tpu.memory_space<vmem>>, vector<1x16xf32>,
      %get3A_625 = vector.shape_cast %get3A_624 : vector<1x16xf32> to vector<16xf32>
      %mul3A_626 = arith.mulf %gather3A_50, %get3A_625 : vector<16xf32>
      %get3A_627 = arith.index_cast %add3A_62 : i32 to index
      %get3A_628 = arith.constant 560 : index
      %get3A_629 = tpu.vector_load %arg11[%get3A_627, %get3A_628] {strides = array<i32>} : memref<32x768xf32, #tpu.memory_space<vmem>>, vector<1x16xf32>,
      %get3A_630 = vector.shape_cast %get3A_629 : vector<1x16xf32> to vector<16xf32>
      %mul3A_631 = arith.mulf %gather3A_60, %get3A_630 : vector<16xf32>
      %add3A_632 = arith.addf %mul3A_626, %mul3A_631 : vector<16xf32>
      %swap3A_633 = arith.index_cast %add3A_62 : i32 to index
      %swap3A_634 = arith.constant 560 : index
      %swap3A_635 = tpu.vector_load %arg10[%swap3A_633, %swap3A_634] {strides = array<i32>} : memref<32x768xf32, #tpu.memory_space<vmem>>, vector<1x16xf32>,
      %swap3A_636 = vector.shape_cast %swap3A_635 : vector<1x16xf32> to vector<16xf32>
      %swap3A_637 = vector.shape_cast %add3A_632 : vector<16xf32> to vector<1x16xf32>
      tpu.vector_store %arg10[%swap3A_633, %swap3A_634], %swap3A_637 {strides = array<i32>} : memref<32x768xf32, #tpu.memory_space<vmem>>, vector<1x16xf32>,
      %get3A_638 = arith.index_cast %add3A_62 : i32 to index
      %get3A_639 = arith.constant 576 : index
      %get3A_640 = tpu.vector_load %arg10[%get3A_638, %get3A_639] {strides = array<i32>} : memref<32x768xf32, #tpu.memory_space<vmem>>, vector<1x16xf32>,
      %get3A_641 = vector.shape_cast %get3A_640 : vector<1x16xf32> to vector<16xf32>
      %mul3A_642 = arith.mulf %gather3A_50, %get3A_641 : vector<16xf32>
      %get3A_643 = arith.index_cast %add3A_62 : i32 to index
      %get3A_644 = arith.constant 576 : index
      %get3A_645 = tpu.vector_load %arg11[%get3A_643, %get3A_644] {strides = array<i32>} : memref<32x768xf32, #tpu.memory_space<vmem>>, vector<1x16xf32>,
      %get3A_646 = vector.shape_cast %get3A_645 : vector<1x16xf32> to vector<16xf32>
      %mul3A_647 = arith.mulf %gather3A_60, %get3A_646 : vector<16xf32>
      %add3A_648 = arith.addf %mul3A_642, %mul3A_647 : vector<16xf32>
      %swap3A_649 = arith.index_cast %add3A_62 : i32 to index
      %swap3A_650 = arith.constant 576 : index
      %swap3A_651 = tpu.vector_load %arg10[%swap3A_649, %swap3A_650] {strides = array<i32>} : memref<32x768xf32, #tpu.memory_space<vmem>>, vector<1x16xf32>,
      %swap3A_652 = vector.shape_cast %swap3A_651 : vector<1x16xf32> to vector<16xf32>
      %swap3A_653 = vector.shape_cast %add3A_648 : vector<16xf32> to vector<1x16xf32>
      tpu.vector_store %arg10[%swap3A_649, %swap3A_650], %swap3A_653 {strides = array<i32>} : memref<32x768xf32, #tpu.memory_space<vmem>>, vector<1x16xf32>,
      %get3A_654 = arith.index_cast %add3A_62 : i32 to index
      %get3A_655 = arith.constant 592 : index
      %get3A_656 = tpu.vector_load %arg10[%get3A_654, %get3A_655] {strides = array<i32>} : memref<32x768xf32, #tpu.memory_space<vmem>>, vector<1x16xf32>,
      %get3A_657 = vector.shape_cast %get3A_656 : vector<1x16xf32> to vector<16xf32>
      %mul3A_658 = arith.mulf %gather3A_50, %get3A_657 : vector<16xf32>
      %get3A_659 = arith.index_cast %add3A_62 : i32 to index
      %get3A_660 = arith.constant 592 : index
      %get3A_661 = tpu.vector_load %arg11[%get3A_659, %get3A_660] {strides = array<i32>} : memref<32x768xf32, #tpu.memory_space<vmem>>, vector<1x16xf32>,
      %get3A_662 = vector.shape_cast %get3A_661 : vector<1x16xf32> to vector<16xf32>
      %mul3A_663 = arith.mulf %gather3A_60, %get3A_662 : vector<16xf32>
      %add3A_664 = arith.addf %mul3A_658, %mul3A_663 : vector<16xf32>
      %swap3A_665 = arith.index_cast %add3A_62 : i32 to index
      %swap3A_666 = arith.constant 592 : index
      %swap3A_667 = tpu.vector_load %arg10[%swap3A_665, %swap3A_666] {strides = array<i32>} : memref<32x768xf32, #tpu.memory_space<vmem>>, vector<1x16xf32>,
      %swap3A_668 = vector.shape_cast %swap3A_667 : vector<1x16xf32> to vector<16xf32>
      %swap3A_669 = vector.shape_cast %add3A_664 : vector<16xf32> to vector<1x16xf32>
      tpu.vector_store %arg10[%swap3A_665, %swap3A_666], %swap3A_669 {strides = array<i32>} : memref<32x768xf32, #tpu.memory_space<vmem>>, vector<1x16xf32>,
      %get3A_670 = arith.index_cast %add3A_62 : i32 to index
      %get3A_671 = arith.constant 608 : index
      %get3A_672 = tpu.vector_load %arg10[%get3A_670, %get3A_671] {strides = array<i32>} : memref<32x768xf32, #tpu.memory_space<vmem>>, vector<1x16xf32>,
      %get3A_673 = vector.shape_cast %get3A_672 : vector<1x16xf32> to vector<16xf32>
      %mul3A_674 = arith.mulf %gather3A_50, %get3A_673 : vector<16xf32>
      %get3A_675 = arith.index_cast %add3A_62 : i32 to index
      %get3A_676 = arith.constant 608 : index
      %get3A_677 = tpu.vector_load %arg11[%get3A_675, %get3A_676] {strides = array<i32>} : memref<32x768xf32, #tpu.memory_space<vmem>>, vector<1x16xf32>,
      %get3A_678 = vector.shape_cast %get3A_677 : vector<1x16xf32> to vector<16xf32>
      %mul3A_679 = arith.mulf %gather3A_60, %get3A_678 : vector<16xf32>
      %add3A_680 = arith.addf %mul3A_674, %mul3A_679 : vector<16xf32>
      %swap3A_681 = arith.index_cast %add3A_62 : i32 to index
      %swap3A_682 = arith.constant 608 : index
      %swap3A_683 = tpu.vector_load %arg10[%swap3A_681, %swap3A_682] {strides = array<i32>} : memref<32x768xf32, #tpu.memory_space<vmem>>, vector<1x16xf32>,
      %swap3A_684 = vector.shape_cast %swap3A_683 : vector<1x16xf32> to vector<16xf32>
      %swap3A_685 = vector.shape_cast %add3A_680 : vector<16xf32> to vector<1x16xf32>
      tpu.vector_store %arg10[%swap3A_681, %swap3A_682], %swap3A_685 {strides = array<i32>} : memref<32x768xf32, #tpu.memory_space<vmem>>, vector<1x16xf32>,
      %get3A_686 = arith.index_cast %add3A_62 : i32 to index
      %get3A_687 = arith.constant 624 : index
      %get3A_688 = tpu.vector_load %arg10[%get3A_686, %get3A_687] {strides = array<i32>} : memref<32x768xf32, #tpu.memory_space<vmem>>, vector<1x16xf32>,
      %get3A_689 = vector.shape_cast %get3A_688 : vector<1x16xf32> to vector<16xf32>
      %mul3A_690 = arith.mulf %gather3A_50, %get3A_689 : vector<16xf32>
      %get3A_691 = arith.index_cast %add3A_62 : i32 to index
      %get3A_692 = arith.constant 624 : index
      %get3A_693 = tpu.vector_load %arg11[%get3A_691, %get3A_692] {strides = array<i32>} : memref<32x768xf32, #tpu.memory_space<vmem>>, vector<1x16xf32>,
      %get3A_694 = vector.shape_cast %get3A_693 : vector<1x16xf32> to vector<16xf32>
      %mul3A_695 = arith.mulf %gather3A_60, %get3A_694 : vector<16xf32>
      %add3A_696 = arith.addf %mul3A_690, %mul3A_695 : vector<16xf32>
      %swap3A_697 = arith.index_cast %add3A_62 : i32 to index
      %swap3A_698 = arith.constant 624 : index
      %swap3A_699 = tpu.vector_load %arg10[%swap3A_697, %swap3A_698] {strides = array<i32>} : memref<32x768xf32, #tpu.memory_space<vmem>>, vector<1x16xf32>,
      %swap3A_700 = vector.shape_cast %swap3A_699 : vector<1x16xf32> to vector<16xf32>
      %swap3A_701 = vector.shape_cast %add3A_696 : vector<16xf32> to vector<1x16xf32>
      tpu.vector_store %arg10[%swap3A_697, %swap3A_698], %swap3A_701 {strides = array<i32>} : memref<32x768xf32, #tpu.memory_space<vmem>>, vector<1x16xf32>,
      %get3A_702 = arith.index_cast %add3A_62 : i32 to index
      %get3A_703 = arith.constant 640 : index
      %get3A_704 = tpu.vector_load %arg10[%get3A_702, %get3A_703] {strides = array<i32>} : memref<32x768xf32, #tpu.memory_space<vmem>>, vector<1x16xf32>,
      %get3A_705 = vector.shape_cast %get3A_704 : vector<1x16xf32> to vector<16xf32>
      %mul3A_706 = arith.mulf %gather3A_50, %get3A_705 : vector<16xf32>
      %get3A_707 = arith.index_cast %add3A_62 : i32 to index
      %get3A_708 = arith.constant 640 : index
      %get3A_709 = tpu.vector_load %arg11[%get3A_707, %get3A_708] {strides = array<i32>} : memref<32x768xf32, #tpu.memory_space<vmem>>, vector<1x16xf32>,
      %get3A_710 = vector.shape_cast %get3A_709 : vector<1x16xf32> to vector<16xf32>
      %mul3A_711 = arith.mulf %gather3A_60, %get3A_710 : vector<16xf32>
      %add3A_712 = arith.addf %mul3A_706, %mul3A_711 : vector<16xf32>
      %swap3A_713 = arith.index_cast %add3A_62 : i32 to index
      %swap3A_714 = arith.constant 640 : index
      %swap3A_715 = tpu.vector_load %arg10[%swap3A_713, %swap3A_714] {strides = array<i32>} : memref<32x768xf32, #tpu.memory_space<vmem>>, vector<1x16xf32>,
      %swap3A_716 = vector.shape_cast %swap3A_715 : vector<1x16xf32> to vector<16xf32>
      %swap3A_717 = vector.shape_cast %add3A_712 : vector<16xf32> to vector<1x16xf32>
      tpu.vector_store %arg10[%swap3A_713, %swap3A_714], %swap3A_717 {strides = array<i32>} : memref<32x768xf32, #tpu.memory_space<vmem>>, vector<1x16xf32>,
      %get3A_718 = arith.index_cast %add3A_62 : i32 to index
      %get3A_719 = arith.constant 656 : index
      %get3A_720 = tpu.vector_load %arg10[%get3A_718, %get3A_719] {strides = array<i32>} : memref<32x768xf32, #tpu.memory_space<vmem>>, vector<1x16xf32>,
      %get3A_721 = vector.shape_cast %get3A_720 : vector<1x16xf32> to vector<16xf32>
      %mul3A_722 = arith.mulf %gather3A_50, %get3A_721 : vector<16xf32>
      %get3A_723 = arith.index_cast %add3A_62 : i32 to index
      %get3A_724 = arith.constant 656 : index
      %get3A_725 = tpu.vector_load %arg11[%get3A_723, %get3A_724] {strides = array<i32>} : memref<32x768xf32, #tpu.memory_space<vmem>>, vector<1x16xf32>,
      %get3A_726 = vector.shape_cast %get3A_725 : vector<1x16xf32> to vector<16xf32>
      %mul3A_727 = arith.mulf %gather3A_60, %get3A_726 : vector<16xf32>
      %add3A_728 = arith.addf %mul3A_722, %mul3A_727 : vector<16xf32>
      %swap3A_729 = arith.index_cast %add3A_62 : i32 to index
      %swap3A_730 = arith.constant 656 : index
      %swap3A_731 = tpu.vector_load %arg10[%swap3A_729, %swap3A_730] {strides = array<i32>} : memref<32x768xf32, #tpu.memory_space<vmem>>, vector<1x16xf32>,
      %swap3A_732 = vector.shape_cast %swap3A_731 : vector<1x16xf32> to vector<16xf32>
      %swap3A_733 = vector.shape_cast %add3A_728 : vector<16xf32> to vector<1x16xf32>
      tpu.vector_store %arg10[%swap3A_729, %swap3A_730], %swap3A_733 {strides = array<i32>} : memref<32x768xf32, #tpu.memory_space<vmem>>, vector<1x16xf32>,
      %get3A_734 = arith.index_cast %add3A_62 : i32 to index
      %get3A_735 = arith.constant 672 : index
      %get3A_736 = tpu.vector_load %arg10[%get3A_734, %get3A_735] {strides = array<i32>} : memref<32x768xf32, #tpu.memory_space<vmem>>, vector<1x16xf32>,
      %get3A_737 = vector.shape_cast %get3A_736 : vector<1x16xf32> to vector<16xf32>
      %mul3A_738 = arith.mulf %gather3A_50, %get3A_737 : vector<16xf32>
      %get3A_739 = arith.index_cast %add3A_62 : i32 to index
      %get3A_740 = arith.constant 672 : index
      %get3A_741 = tpu.vector_load %arg11[%get3A_739, %get3A_740] {strides = array<i32>} : memref<32x768xf32, #tpu.memory_space<vmem>>, vector<1x16xf32>,
      %get3A_742 = vector.shape_cast %get3A_741 : vector<1x16xf32> to vector<16xf32>
      %mul3A_743 = arith.mulf %gather3A_60, %get3A_742 : vector<16xf32>
      %add3A_744 = arith.addf %mul3A_738, %mul3A_743 : vector<16xf32>
      %swap3A_745 = arith.index_cast %add3A_62 : i32 to index
      %swap3A_746 = arith.constant 672 : index
      %swap3A_747 = tpu.vector_load %arg10[%swap3A_745, %swap3A_746] {strides = array<i32>} : memref<32x768xf32, #tpu.memory_space<vmem>>, vector<1x16xf32>,
      %swap3A_748 = vector.shape_cast %swap3A_747 : vector<1x16xf32> to vector<16xf32>
      %swap3A_749 = vector.shape_cast %add3A_744 : vector<16xf32> to vector<1x16xf32>
      tpu.vector_store %arg10[%swap3A_745, %swap3A_746], %swap3A_749 {strides = array<i32>} : memref<32x768xf32, #tpu.memory_space<vmem>>, vector<1x16xf32>,
      %get3A_750 = arith.index_cast %add3A_62 : i32 to index
      %get3A_751 = arith.constant 688 : index
      %get3A_752 = tpu.vector_load %arg10[%get3A_750, %get3A_751] {strides = array<i32>} : memref<32x768xf32, #tpu.memory_space<vmem>>, vector<1x16xf32>,
      %get3A_753 = vector.shape_cast %get3A_752 : vector<1x16xf32> to vector<16xf32>
      %mul3A_754 = arith.mulf %gather3A_50, %get3A_753 : vector<16xf32>
      %get3A_755 = arith.index_cast %add3A_62 : i32 to index
      %get3A_756 = arith.constant 688 : index
      %get3A_757 = tpu.vector_load %arg11[%get3A_755, %get3A_756] {strides = array<i32>} : memref<32x768xf32, #tpu.memory_space<vmem>>, vector<1x16xf32>,
      %get3A_758 = vector.shape_cast %get3A_757 : vector<1x16xf32> to vector<16xf32>
      %mul3A_759 = arith.mulf %gather3A_60, %get3A_758 : vector<16xf32>
      %add3A_760 = arith.addf %mul3A_754, %mul3A_759 : vector<16xf32>
      %swap3A_761 = arith.index_cast %add3A_62 : i32 to index
      %swap3A_762 = arith.constant 688 : index
      %swap3A_763 = tpu.vector_load %arg10[%swap3A_761, %swap3A_762] {strides = array<i32>} : memref<32x768xf32, #tpu.memory_space<vmem>>, vector<1x16xf32>,
      %swap3A_764 = vector.shape_cast %swap3A_763 : vector<1x16xf32> to vector<16xf32>
      %swap3A_765 = vector.shape_cast %add3A_760 : vector<16xf32> to vector<1x16xf32>
      tpu.vector_store %arg10[%swap3A_761, %swap3A_762], %swap3A_765 {strides = array<i32>} : memref<32x768xf32, #tpu.memory_space<vmem>>, vector<1x16xf32>,
      %get3A_766 = arith.index_cast %add3A_62 : i32 to index
      %get3A_767 = arith.constant 704 : index
      %get3A_768 = tpu.vector_load %arg10[%get3A_766, %get3A_767] {strides = array<i32>} : memref<32x768xf32, #tpu.memory_space<vmem>>, vector<1x16xf32>,
      %get3A_769 = vector.shape_cast %get3A_768 : vector<1x16xf32> to vector<16xf32>
      %mul3A_770 = arith.mulf %gather3A_50, %get3A_769 : vector<16xf32>
      %get3A_771 = arith.index_cast %add3A_62 : i32 to index
      %get3A_772 = arith.constant 704 : index
      %get3A_773 = tpu.vector_load %arg11[%get3A_771, %get3A_772] {strides = array<i32>} : memref<32x768xf32, #tpu.memory_space<vmem>>, vector<1x16xf32>,
      %get3A_774 = vector.shape_cast %get3A_773 : vector<1x16xf32> to vector<16xf32>
      %mul3A_775 = arith.mulf %gather3A_60, %get3A_774 : vector<16xf32>
      %add3A_776 = arith.addf %mul3A_770, %mul3A_775 : vector<16xf32>
      %swap3A_777 = arith.index_cast %add3A_62 : i32 to index
      %swap3A_778 = arith.constant 704 : index
      %swap3A_779 = tpu.vector_load %arg10[%swap3A_777, %swap3A_778] {strides = array<i32>} : memref<32x768xf32, #tpu.memory_space<vmem>>, vector<1x16xf32>,
      %swap3A_780 = vector.shape_cast %swap3A_779 : vector<1x16xf32> to vector<16xf32>
      %swap3A_781 = vector.shape_cast %add3A_776 : vector<16xf32> to vector<1x16xf32>
      tpu.vector_store %arg10[%swap3A_777, %swap3A_778], %swap3A_781 {strides = array<i32>} : memref<32x768xf32, #tpu.memory_space<vmem>>, vector<1x16xf32>,
      %get3A_782 = arith.index_cast %add3A_62 : i32 to index
      %get3A_783 = arith.constant 720 : index
      %get3A_784 = tpu.vector_load %arg10[%get3A_782, %get3A_783] {strides = array<i32>} : memref<32x768xf32, #tpu.memory_space<vmem>>, vector<1x16xf32>,
      %get3A_785 = vector.shape_cast %get3A_784 : vector<1x16xf32> to vector<16xf32>
      %mul3A_786 = arith.mulf %gather3A_50, %get3A_785 : vector<16xf32>
      %get3A_787 = arith.index_cast %add3A_62 : i32 to index
      %get3A_788 = arith.constant 720 : index
      %get3A_789 = tpu.vector_load %arg11[%get3A_787, %get3A_788] {strides = array<i32>} : memref<32x768xf32, #tpu.memory_space<vmem>>, vector<1x16xf32>,
      %get3A_790 = vector.shape_cast %get3A_789 : vector<1x16xf32> to vector<16xf32>
      %mul3A_791 = arith.mulf %gather3A_60, %get3A_790 : vector<16xf32>
      %add3A_792 = arith.addf %mul3A_786, %mul3A_791 : vector<16xf32>
      %swap3A_793 = arith.index_cast %add3A_62 : i32 to index
      %swap3A_794 = arith.constant 720 : index
      %swap3A_795 = tpu.vector_load %arg10[%swap3A_793, %swap3A_794] {strides = array<i32>} : memref<32x768xf32, #tpu.memory_space<vmem>>, vector<1x16xf32>,
      %swap3A_796 = vector.shape_cast %swap3A_795 : vector<1x16xf32> to vector<16xf32>
      %swap3A_797 = vector.shape_cast %add3A_792 : vector<16xf32> to vector<1x16xf32>
      tpu.vector_store %arg10[%swap3A_793, %swap3A_794], %swap3A_797 {strides = array<i32>} : memref<32x768xf32, #tpu.memory_space<vmem>>, vector<1x16xf32>,
      %get3A_798 = arith.index_cast %add3A_62 : i32 to index
      %get3A_799 = arith.constant 736 : index
      %get3A_800 = tpu.vector_load %arg10[%get3A_798, %get3A_799] {strides = array<i32>} : memref<32x768xf32, #tpu.memory_space<vmem>>, vector<1x16xf32>,
      %get3A_801 = vector.shape_cast %get3A_800 : vector<1x16xf32> to vector<16xf32>
      %mul3A_802 = arith.mulf %gather3A_50, %get3A_801 : vector<16xf32>
      %get3A_803 = arith.index_cast %add3A_62 : i32 to index
      %get3A_804 = arith.constant 736 : index
      %get3A_805 = tpu.vector_load %arg11[%get3A_803, %get3A_804] {strides = array<i32>} : memref<32x768xf32, #tpu.memory_space<vmem>>, vector<1x16xf32>,
      %get3A_806 = vector.shape_cast %get3A_805 : vector<1x16xf32> to vector<16xf32>
      %mul3A_807 = arith.mulf %gather3A_60, %get3A_806 : vector<16xf32>
      %add3A_808 = arith.addf %mul3A_802, %mul3A_807 : vector<16xf32>
      %swap3A_809 = arith.index_cast %add3A_62 : i32 to index
      %swap3A_810 = arith.constant 736 : index
      %swap3A_811 = tpu.vector_load %arg10[%swap3A_809, %swap3A_810] {strides = array<i32>} : memref<32x768xf32, #tpu.memory_space<vmem>>, vector<1x16xf32>,
      %swap3A_812 = vector.shape_cast %swap3A_811 : vector<1x16xf32> to vector<16xf32>
      %swap3A_813 = vector.shape_cast %add3A_808 : vector<16xf32> to vector<1x16xf32>
      tpu.vector_store %arg10[%swap3A_809, %swap3A_810], %swap3A_813 {strides = array<i32>} : memref<32x768xf32, #tpu.memory_space<vmem>>, vector<1x16xf32>,
      %get3A_814 = arith.index_cast %add3A_62 : i32 to index
      %get3A_815 = arith.constant 752 : index
      %get3A_816 = tpu.vector_load %arg10[%get3A_814, %get3A_815] {strides = array<i32>} : memref<32x768xf32, #tpu.memory_space<vmem>>, vector<1x16xf32>,
      %get3A_817 = vector.shape_cast %get3A_816 : vector<1x16xf32> to vector<16xf32>
      %mul3A_818 = arith.mulf %gather3A_50, %get3A_817 : vector<16xf32>
      %get3A_819 = arith.index_cast %add3A_62 : i32 to index
      %get3A_820 = arith.constant 752 : index
      %get3A_821 = tpu.vector_load %arg11[%get3A_819, %get3A_820] {strides = array<i32>} : memref<32x768xf32, #tpu.memory_space<vmem>>, vector<1x16xf32>,
      %get3A_822 = vector.shape_cast %get3A_821 : vector<1x16xf32> to vector<16xf32>
      %mul3A_823 = arith.mulf %gather3A_60, %get3A_822 : vector<16xf32>
      %add3A_824 = arith.addf %mul3A_818, %mul3A_823 : vector<16xf32>
      %swap3A_825 = arith.index_cast %add3A_62 : i32 to index
      %swap3A_826 = arith.constant 752 : index
      %swap3A_827 = tpu.vector_load %arg10[%swap3A_825, %swap3A_826] {strides = array<i32>} : memref<32x768xf32, #tpu.memory_space<vmem>>, vector<1x16xf32>,
      %swap3A_828 = vector.shape_cast %swap3A_827 : vector<1x16xf32> to vector<16xf32>
      %swap3A_829 = vector.shape_cast %add3A_824 : vector<16xf32> to vector<1x16xf32>
      tpu.vector_store %arg10[%swap3A_825, %swap3A_826], %swap3A_829 {strides = array<i32>} : memref<32x768xf32, #tpu.memory_space<vmem>>, vector<1x16xf32>,
    }
    %scan3A_38 = arith.constant 16 : i32
    "tpu.region"() ({
      %run_scoped3A = tpu.sem_alloc : memref<!tpu.dma_semaphore, #tpu.memory_space<semaphore_mem>>
      %dma_start3A_39 = arith.constant 0 : i32
      %dma_start3A_40 = tpu.memref_slice %arg5[%mul3A_2, %dma_start3A_39] : memref<1024x768xf32, #tpu.memory_space<hbm>> -> memref<32x768xf32, #tpu.memory_space<hbm>>
      %dma_start3A_41 = arith.constant 0 : i32
      %dma_start3A_42 = tpu.memref_slice %arg5[%mul3A_2, %dma_start3A_41] : memref<1024x768xf32, #tpu.memory_space<hbm>> -> memref<32x768xf32, #tpu.memory_space<hbm>>
      tpu.enqueue_dma source(%arg10 : memref<32x768xf32, #tpu.memory_space<vmem>>) target(%dma_start3A_42 : memref<32x768xf32, #tpu.memory_space<hbm>>) target_semaphore(%run_scoped3A : memref<!tpu.dma_semaphore, #tpu.memory_space<semaphore_mem>>)
      %dma_wait3A_43 = arith.constant 0 : i32
      %dma_wait3A_44 = tpu.memref_slice %arg5[%mul3A_2, %dma_wait3A_43] : memref<1024x768xf32, #tpu.memory_space<hbm>> -> memref<32x768xf32, #tpu.memory_space<hbm>>
      %dma_wait3A_45 = arith.constant 0 : i32
      %dma_wait3A_46 = tpu.memref_slice %arg5[%mul3A_2, %dma_wait3A_45] : memref<1024x768xf32, #tpu.memory_space<hbm>> -> memref<32x768xf32, #tpu.memory_space<hbm>>
      tpu.wait_dma2 semaphore(%run_scoped3A : memref<!tpu.dma_semaphore, #tpu.memory_space<semaphore_mem>>) src(%arg10 : memref<32x768xf32, #tpu.memory_space<vmem>>) dst(%dma_wait3A_46 : memref<32x768xf32, #tpu.memory_space<hbm>>)
      tpu.yield
    }) : () -> ()
    return
  }
}

#map = affine_map<(d0, d1) -> (0, 0)>
#map1 = affine_map<(d0, d1) -> (0)>
module attributes {stable_mosaic.version = 14 : i64} {
  func.func @_dispatch(%arg0: i32, %arg1: i32, %arg2: memref<1024x768xf32, #tpu.memory_space<hbm>>, %arg3: memref<2048xi32, #tpu.memory_space<hbm>>, %arg4: memref<3072x768xf32, #tpu.memory_space<hbm>>, %arg5: memref<32xi32, #tpu.memory_space<vmem>>, %arg6: memref<32xi32, #tpu.memory_space<vmem>>, %arg7: memref<32x768xf32, #tpu.memory_space<vmem>>, %arg8: memref<!tpu.dma_semaphore, #tpu.memory_space<semaphore_mem>>) attributes {dimension_semantics = [#tpu.dimension_semantics<core_parallel>, #tpu.dimension_semantics<subcore_parallel>], iteration_bounds = array<i64: 2, 16>, scalar_prefetch = 0 : i64, scratch_operands = 4 : i64, tpu.core_type = #tpu.core_type<sc_vector_subcore>, window_params = [{transform_indices = #map}, {transform_indices = #map1}, {transform_indices = #map}]} {
    %mul3A = arith.constant 2 : i32
    %mul3A_0 = arith.muli %arg1, %mul3A : i32
    %add3A = arith.addi %mul3A_0, %arg0 : i32
    %mul3A_1 = arith.constant 32 : i32
    %mul3A_2 = arith.muli %add3A, %mul3A_1 : i32
    "tpu.region"() ({
      %run_scoped3A = tpu.sem_alloc : memref<!tpu.dma_semaphore, #tpu.memory_space<semaphore_mem>>
      %dma_start3A_15 = arith.constant 0 : i32
      %dma_start3A_16 = tpu.memref_slice %arg2[%mul3A_2, %dma_start3A_15] : memref<1024x768xf32, #tpu.memory_space<hbm>> -> memref<32x768xf32, #tpu.memory_space<hbm>>
      %dma_start3A_17 = arith.constant 0 : i32
      %dma_start3A_18 = tpu.memref_slice %arg2[%mul3A_2, %dma_start3A_17] : memref<1024x768xf32, #tpu.memory_space<hbm>> -> memref<32x768xf32, #tpu.memory_space<hbm>>
      tpu.enqueue_dma source(%dma_start3A_18 : memref<32x768xf32, #tpu.memory_space<hbm>>) target(%arg7 : memref<32x768xf32, #tpu.memory_space<vmem>>) target_semaphore(%run_scoped3A : memref<!tpu.dma_semaphore, #tpu.memory_space<semaphore_mem>>)
      %dma_wait3A_19 = arith.constant 0 : i32
      %dma_wait3A_20 = tpu.memref_slice %arg2[%mul3A_2, %dma_wait3A_19] : memref<1024x768xf32, #tpu.memory_space<hbm>> -> memref<32x768xf32, #tpu.memory_space<hbm>>
      %dma_wait3A_21 = arith.constant 0 : i32
      %dma_wait3A_22 = tpu.memref_slice %arg2[%mul3A_2, %dma_wait3A_21] : memref<1024x768xf32, #tpu.memory_space<hbm>> -> memref<32x768xf32, #tpu.memory_space<hbm>>
      tpu.wait_dma2 semaphore(%run_scoped3A : memref<!tpu.dma_semaphore, #tpu.memory_space<semaphore_mem>>) src(%dma_wait3A_22 : memref<32x768xf32, #tpu.memory_space<hbm>>) dst(%arg7 : memref<32x768xf32, #tpu.memory_space<vmem>>)
      tpu.yield
    }) : () -> ()
    "tpu.region"() ({
      %run_scoped3A = tpu.sem_alloc : memref<!tpu.dma_semaphore, #tpu.memory_space<semaphore_mem>>
      %dma_start3A_15 = tpu.memref_slice %arg3[%mul3A_2] : memref<2048xi32, #tpu.memory_space<hbm>> -> memref<32xi32, #tpu.memory_space<hbm>>
      %dma_start3A_16 = tpu.memref_slice %arg3[%mul3A_2] : memref<2048xi32, #tpu.memory_space<hbm>> -> memref<32xi32, #tpu.memory_space<hbm>>
      tpu.enqueue_dma source(%dma_start3A_16 : memref<32xi32, #tpu.memory_space<hbm>>) target(%arg5 : memref<32xi32, #tpu.memory_space<vmem>>) target_semaphore(%run_scoped3A : memref<!tpu.dma_semaphore, #tpu.memory_space<semaphore_mem>>)
      %dma_wait3A_17 = tpu.memref_slice %arg3[%mul3A_2] : memref<2048xi32, #tpu.memory_space<hbm>> -> memref<32xi32, #tpu.memory_space<hbm>>
      %dma_wait3A_18 = tpu.memref_slice %arg3[%mul3A_2] : memref<2048xi32, #tpu.memory_space<hbm>> -> memref<32xi32, #tpu.memory_space<hbm>>
      tpu.wait_dma2 semaphore(%run_scoped3A : memref<!tpu.dma_semaphore, #tpu.memory_space<semaphore_mem>>) src(%dma_wait3A_18 : memref<32xi32, #tpu.memory_space<hbm>>) dst(%arg5 : memref<32xi32, #tpu.memory_space<vmem>>)
      tpu.yield
    }) : () -> ()
    %add3A_3 = arith.constant 1024 : i32
    %add3A_4 = arith.addi %add3A_3, %mul3A_2 : i32
    "tpu.region"() ({
      %run_scoped3A = tpu.sem_alloc : memref<!tpu.dma_semaphore, #tpu.memory_space<semaphore_mem>>
      %dma_start3A_15 = tpu.memref_slice %arg3[%add3A_4] : memref<2048xi32, #tpu.memory_space<hbm>> -> memref<32xi32, #tpu.memory_space<hbm>>
      %dma_start3A_16 = tpu.memref_slice %arg3[%add3A_4] : memref<2048xi32, #tpu.memory_space<hbm>> -> memref<32xi32, #tpu.memory_space<hbm>>
      tpu.enqueue_dma source(%dma_start3A_16 : memref<32xi32, #tpu.memory_space<hbm>>) target(%arg6 : memref<32xi32, #tpu.memory_space<vmem>>) target_semaphore(%run_scoped3A : memref<!tpu.dma_semaphore, #tpu.memory_space<semaphore_mem>>)
      %dma_wait3A_17 = tpu.memref_slice %arg3[%add3A_4] : memref<2048xi32, #tpu.memory_space<hbm>> -> memref<32xi32, #tpu.memory_space<hbm>>
      %dma_wait3A_18 = tpu.memref_slice %arg3[%add3A_4] : memref<2048xi32, #tpu.memory_space<hbm>> -> memref<32xi32, #tpu.memory_space<hbm>>
      tpu.wait_dma2 semaphore(%run_scoped3A : memref<!tpu.dma_semaphore, #tpu.memory_space<semaphore_mem>>) src(%dma_wait3A_18 : memref<32xi32, #tpu.memory_space<hbm>>) dst(%arg6 : memref<32xi32, #tpu.memory_space<vmem>>)
      tpu.yield
    }) : () -> ()
    %dma_start3A = arith.constant 0 : i32
    %dma_start3A_5 = arith.constant 0 : i32
    %dma_start3A_6 = tpu.memref_slice %arg4[%dma_start3A, %dma_start3A_5] : memref<3072x768xf32, #tpu.memory_space<hbm>> -> memref<3072x768xf32, #tpu.memory_space<hbm>>
    tpu.enqueue_indirect_dma source(%arg7 : memref<32x768xf32, #tpu.memory_space<vmem>>) target(%dma_start3A_6 : memref<3072x768xf32, #tpu.memory_space<hbm>>) offsets(%arg5 : memref<32xi32, #tpu.memory_space<vmem>>) semaphore(%arg8 : memref<!tpu.dma_semaphore, #tpu.memory_space<semaphore_mem>>)
    %dma_wait3A = arith.constant 0 : i32
    %dma_wait3A_7 = arith.constant 0 : i32
    %dma_wait3A_8 = tpu.memref_slice %arg4[%dma_wait3A, %dma_wait3A_7] : memref<3072x768xf32, #tpu.memory_space<hbm>> -> memref<3072x768xf32, #tpu.memory_space<hbm>>
    tpu.wait_indirect_dma semaphore(%arg8 : memref<!tpu.dma_semaphore, #tpu.memory_space<semaphore_mem>>) src(%arg7 : memref<32x768xf32, #tpu.memory_space<vmem>>) dst(%dma_wait3A_8 : memref<3072x768xf32, #tpu.memory_space<hbm>>)
    %dma_start3A_9 = arith.constant 0 : i32
    %dma_start3A_10 = arith.constant 0 : i32
    %dma_start3A_11 = tpu.memref_slice %arg4[%dma_start3A_9, %dma_start3A_10] : memref<3072x768xf32, #tpu.memory_space<hbm>> -> memref<3072x768xf32, #tpu.memory_space<hbm>>
    tpu.enqueue_indirect_dma source(%arg7 : memref<32x768xf32, #tpu.memory_space<vmem>>) target(%dma_start3A_11 : memref<3072x768xf32, #tpu.memory_space<hbm>>) offsets(%arg6 : memref<32xi32, #tpu.memory_space<vmem>>) semaphore(%arg8 : memref<!tpu.dma_semaphore, #tpu.memory_space<semaphore_mem>>)
    %dma_wait3A_12 = arith.constant 0 : i32
    %dma_wait3A_13 = arith.constant 0 : i32
    %dma_wait3A_14 = tpu.memref_slice %arg4[%dma_wait3A_12, %dma_wait3A_13] : memref<3072x768xf32, #tpu.memory_space<hbm>> -> memref<3072x768xf32, #tpu.memory_space<hbm>>
    tpu.wait_indirect_dma semaphore(%arg8 : memref<!tpu.dma_semaphore, #tpu.memory_space<semaphore_mem>>) src(%arg7 : memref<32x768xf32, #tpu.memory_space<vmem>>) dst(%dma_wait3A_14 : memref<3072x768xf32, #tpu.memory_space<hbm>>)
    return
  }
}

module attributes {stable_mosaic.version = 14 : i64} {
  func.func @_router_meta_body(%arg0: memref<1024x768xf32, #tpu.memory_space<vmem>>, %arg1: memref<768x8xf32, #tpu.memory_space<vmem>>, %arg2: memref<8x1xf32, #tpu.memory_space<vmem>>, %arg3: memref<1x2048xi32, #tpu.memory_space<vmem>>, %arg4: memref<1x2048xf32, #tpu.memory_space<vmem>>, %arg5: memref<1x24xi32, #tpu.memory_space<vmem>>, %arg6: memref<1x1xi32, #tpu.memory_space<vmem>>) attributes {dimension_semantics = [], scalar_prefetch = 0 : i64, scratch_operands = 0 : i64, tpu.core_type = #tpu.core_type<tc>} {
    %get3A = arith.constant 0 : index
    %get3A_0 = arith.constant 0 : index
    %get3A_1 = vector.load %arg1[%get3A, %get3A_0] : memref<768x8xf32, #tpu.memory_space<vmem>>, vector<768x8xf32>
    %get3A_2 = arith.constant 0 : index
    %get3A_3 = arith.constant 0 : index
    %get3A_4 = vector.load %arg0[%get3A_2, %get3A_3] : memref<1024x768xf32, #tpu.memory_space<vmem>>, vector<1024x768xf32>
    %dot_general3A = arith.constant dense<0.000000e+00> : vector<8x1024xf32>
    %dot_general3A_5 = tpu.matmul %get3A_1, %get3A_4, %dot_general3A {dimension_numbers = #tpu.dot_dimension_numbers<[0], [1], [1], [0], [0, 1, 1, 0], [], []>, transpose_lhs_hint = false} : vector<768x8xf32>, vector<1024x768xf32>, vector<8x1024xf32> -> vector<8x1024xf32>
    %get3A_6 = arith.constant 0 : index
    %get3A_7 = arith.constant 0 : index
    %get3A_8 = vector.load %arg2[%get3A_6, %get3A_7] : memref<8x1xf32, #tpu.memory_space<vmem>>, vector<8x1xf32>
    %add3A = vector.broadcast %get3A_8 : vector<8x1xf32> to vector<8x1024xf32>
    %add3A_9 = arith.addf %dot_general3A_5, %add3A : vector<8x1024xf32>
    %iota3A = tpu.iota {dimensions = array<i32: 0>} : vector<8x1024xi32>
    %reduce_max3A = arith.constant dense<0xFF800000> : vector<1024xf32>
    %reduce_max3A_10 = vector.multi_reduction <maximumf>, %add3A_9, %reduce_max3A [0] : vector<8x1024xf32> to vector<1024xf32>
    %broadcast_in_dim3A = vector.shape_cast %reduce_max3A_10 : vector<1024xf32> to vector<1x1024xf32>
    %eq3A = vector.broadcast %broadcast_in_dim3A : vector<1x1024xf32> to vector<8x1024xf32>
    %eq3A_11 = arith.cmpf oeq, %add3A_9, %eq3A : vector<8x1024xf32>
    %jit3A = arith.constant 8 : i32
    %broadcast_in_dim3A_12 = vector.broadcast %jit3A : i32 to vector<8x1024xi32>
    %select_n3A = arith.select %eq3A_11, %iota3A, %broadcast_in_dim3A_12 : vector<8x1024xi1>, vector<8x1024xi32>
    %reduce_min3A = arith.constant dense<2147483647> : vector<1024xi32>
    %reduce_min3A_13 = vector.multi_reduction <minsi>, %select_n3A, %reduce_min3A [0] : vector<8x1024xi32> to vector<1024xi32>
    %broadcast_in_dim3A_14 = vector.shape_cast %reduce_min3A_13 : vector<1024xi32> to vector<1x1024xi32>
    %eq3A_15 = vector.broadcast %broadcast_in_dim3A_14 : vector<1x1024xi32> to vector<8x1024xi32>
    %eq3A_16 = arith.cmpi eq, %iota3A, %eq3A_15 : vector<8x1024xi32>
    %jit3A_17 = arith.constant 0xFF800000 : f32
    %broadcast_in_dim3A_18 = vector.broadcast %jit3A_17 : f32 to vector<8x1024xf32>
    %select_n3A_19 = arith.select %eq3A_16, %broadcast_in_dim3A_18, %add3A_9 : vector<8x1024xi1>, vector<8x1024xf32>
    %reduce_max3A_20 = arith.constant dense<0xFF800000> : vector<1024xf32>
    %reduce_max3A_21 = vector.multi_reduction <maximumf>, %select_n3A_19, %reduce_max3A_20 [0] : vector<8x1024xf32> to vector<1024xf32>
    %broadcast_in_dim3A_22 = vector.shape_cast %reduce_max3A_21 : vector<1024xf32> to vector<1x1024xf32>
    %eq3A_23 = vector.broadcast %broadcast_in_dim3A_22 : vector<1x1024xf32> to vector<8x1024xf32>
    %eq3A_24 = arith.cmpf oeq, %select_n3A_19, %eq3A_23 : vector<8x1024xf32>
    %jit3A_25 = arith.constant 8 : i32
    %broadcast_in_dim3A_26 = vector.broadcast %jit3A_25 : i32 to vector<8x1024xi32>
    %select_n3A_27 = arith.select %eq3A_24, %iota3A, %broadcast_in_dim3A_26 : vector<8x1024xi1>, vector<8x1024xi32>
    %reduce_min3A_28 = arith.constant dense<2147483647> : vector<1024xi32>
    %reduce_min3A_29 = vector.multi_reduction <minsi>, %select_n3A_27, %reduce_min3A_28 [0] : vector<8x1024xi32> to vector<1024xi32>
    %broadcast_in_dim3A_30 = vector.shape_cast %reduce_min3A_29 : vector<1024xi32> to vector<1x1024xi32>
    %sub3A = arith.subf %broadcast_in_dim3A, %broadcast_in_dim3A_22 : vector<1x1024xf32>
    %logistic3A = arith.negf %sub3A : vector<1x1024xf32>
    %logistic3A_31 = math.exp %logistic3A : vector<1x1024xf32>
    %logistic3A_32 = arith.constant 1.000000e+00 : f32
    %logistic3A_33 = vector.broadcast %logistic3A_32 : f32 to vector<1x1024xf32>
    %logistic3A_34 = arith.addf %logistic3A_33, %logistic3A_31 : vector<1x1024xf32>
    %logistic3A_35 = arith.divf %logistic3A_33, %logistic3A_34 : vector<1x1024xf32>
    %eq3A_36 = vector.broadcast %broadcast_in_dim3A_14 : vector<1x1024xi32> to vector<8x1024xi32>
    %eq3A_37 = arith.cmpi eq, %iota3A, %eq3A_36 : vector<8x1024xi32>
    %eq3A_38 = vector.broadcast %broadcast_in_dim3A_30 : vector<1x1024xi32> to vector<8x1024xi32>
    %eq3A_39 = arith.cmpi eq, %iota3A, %eq3A_38 : vector<8x1024xi32>
    %concatenate3A = tpu.concatenate %eq3A_37, %eq3A_39 in 1 : vector<8x1024xi1>, vector<8x1024xi1> -> vector<8x2048xi1>
    %convert_element_type3A = arith.extui %concatenate3A : vector<8x2048xi1> to vector<8x2048xi32>
    %convert_element_type3A_40 = arith.sitofp %convert_element_type3A : vector<8x2048xi32> to vector<8x2048xf32>
    %iota3A_41 = tpu.iota {dimensions = array<i32: 1>} : vector<8x2048xi32>
    %ge3A = arith.constant 1 : i32
    %ge3A_42 = vector.broadcast %ge3A : i32 to vector<8x2048xi32>
    %ge3A_43 = arith.cmpi sge, %iota3A_41, %ge3A_42 : vector<8x2048xi32>
    %roll3A = arith.constant 1 : i32
    %roll3A_44 = tpu.dynamic_rotate %convert_element_type3A_40 by %roll3A dim 1 : vector<8x2048xf32>, i32 -> vector<8x2048xf32>
    %jit3A_45 = arith.constant 0.000000e+00 : f32
    %broadcast_in_dim3A_46 = vector.broadcast %jit3A_45 : f32 to vector<8x2048xf32>
    %select_n3A_47 = arith.select %ge3A_43, %roll3A_44, %broadcast_in_dim3A_46 : vector<8x2048xi1>, vector<8x2048xf32>
    %add3A_48 = arith.addf %convert_element_type3A_40, %select_n3A_47 : vector<8x2048xf32>
    %ge3A_49 = arith.constant 2 : i32
    %ge3A_50 = vector.broadcast %ge3A_49 : i32 to vector<8x2048xi32>
    %ge3A_51 = arith.cmpi sge, %iota3A_41, %ge3A_50 : vector<8x2048xi32>
    %roll3A_52 = arith.constant 2 : i32
    %roll3A_53 = tpu.dynamic_rotate %add3A_48 by %roll3A_52 dim 1 : vector<8x2048xf32>, i32 -> vector<8x2048xf32>
    %jit3A_54 = arith.constant 0.000000e+00 : f32
    %broadcast_in_dim3A_55 = vector.broadcast %jit3A_54 : f32 to vector<8x2048xf32>
    %select_n3A_56 = arith.select %ge3A_51, %roll3A_53, %broadcast_in_dim3A_55 : vector<8x2048xi1>, vector<8x2048xf32>
    %add3A_57 = arith.addf %add3A_48, %select_n3A_56 : vector<8x2048xf32>
    %ge3A_58 = arith.constant 4 : i32
    %ge3A_59 = vector.broadcast %ge3A_58 : i32 to vector<8x2048xi32>
    %ge3A_60 = arith.cmpi sge, %iota3A_41, %ge3A_59 : vector<8x2048xi32>
    %roll3A_61 = arith.constant 4 : i32
    %roll3A_62 = tpu.dynamic_rotate %add3A_57 by %roll3A_61 dim 1 : vector<8x2048xf32>, i32 -> vector<8x2048xf32>
    %jit3A_63 = arith.constant 0.000000e+00 : f32
    %broadcast_in_dim3A_64 = vector.broadcast %jit3A_63 : f32 to vector<8x2048xf32>
    %select_n3A_65 = arith.select %ge3A_60, %roll3A_62, %broadcast_in_dim3A_64 : vector<8x2048xi1>, vector<8x2048xf32>
    %add3A_66 = arith.addf %add3A_57, %select_n3A_65 : vector<8x2048xf32>
    %ge3A_67 = arith.constant 8 : i32
    %ge3A_68 = vector.broadcast %ge3A_67 : i32 to vector<8x2048xi32>
    %ge3A_69 = arith.cmpi sge, %iota3A_41, %ge3A_68 : vector<8x2048xi32>
    %roll3A_70 = arith.constant 8 : i32
    %roll3A_71 = tpu.dynamic_rotate %add3A_66 by %roll3A_70 dim 1 : vector<8x2048xf32>, i32 -> vector<8x2048xf32>
    %jit3A_72 = arith.constant 0.000000e+00 : f32
    %broadcast_in_dim3A_73 = vector.broadcast %jit3A_72 : f32 to vector<8x2048xf32>
    %select_n3A_74 = arith.select %ge3A_69, %roll3A_71, %broadcast_in_dim3A_73 : vector<8x2048xi1>, vector<8x2048xf32>
    %add3A_75 = arith.addf %add3A_66, %select_n3A_74 : vector<8x2048xf32>
    %ge3A_76 = arith.constant 16 : i32
    %ge3A_77 = vector.broadcast %ge3A_76 : i32 to vector<8x2048xi32>
    %ge3A_78 = arith.cmpi sge, %iota3A_41, %ge3A_77 : vector<8x2048xi32>
    %roll3A_79 = arith.constant 16 : i32
    %roll3A_80 = tpu.dynamic_rotate %add3A_75 by %roll3A_79 dim 1 : vector<8x2048xf32>, i32 -> vector<8x2048xf32>
    %jit3A_81 = arith.constant 0.000000e+00 : f32
    %broadcast_in_dim3A_82 = vector.broadcast %jit3A_81 : f32 to vector<8x2048xf32>
    %select_n3A_83 = arith.select %ge3A_78, %roll3A_80, %broadcast_in_dim3A_82 : vector<8x2048xi1>, vector<8x2048xf32>
    %add3A_84 = arith.addf %add3A_75, %select_n3A_83 : vector<8x2048xf32>
    %ge3A_85 = arith.constant 32 : i32
    %ge3A_86 = vector.broadcast %ge3A_85 : i32 to vector<8x2048xi32>
    %ge3A_87 = arith.cmpi sge, %iota3A_41, %ge3A_86 : vector<8x2048xi32>
    %roll3A_88 = arith.constant 32 : i32
    %roll3A_89 = tpu.dynamic_rotate %add3A_84 by %roll3A_88 dim 1 : vector<8x2048xf32>, i32 -> vector<8x2048xf32>
    %jit3A_90 = arith.constant 0.000000e+00 : f32
    %broadcast_in_dim3A_91 = vector.broadcast %jit3A_90 : f32 to vector<8x2048xf32>
    %select_n3A_92 = arith.select %ge3A_87, %roll3A_89, %broadcast_in_dim3A_91 : vector<8x2048xi1>, vector<8x2048xf32>
    %add3A_93 = arith.addf %add3A_84, %select_n3A_92 : vector<8x2048xf32>
    %ge3A_94 = arith.constant 64 : i32
    %ge3A_95 = vector.broadcast %ge3A_94 : i32 to vector<8x2048xi32>
    %ge3A_96 = arith.cmpi sge, %iota3A_41, %ge3A_95 : vector<8x2048xi32>
    %roll3A_97 = arith.constant 64 : i32
    %roll3A_98 = tpu.dynamic_rotate %add3A_93 by %roll3A_97 dim 1 : vector<8x2048xf32>, i32 -> vector<8x2048xf32>
    %jit3A_99 = arith.constant 0.000000e+00 : f32
    %broadcast_in_dim3A_100 = vector.broadcast %jit3A_99 : f32 to vector<8x2048xf32>
    %select_n3A_101 = arith.select %ge3A_96, %roll3A_98, %broadcast_in_dim3A_100 : vector<8x2048xi1>, vector<8x2048xf32>
    %add3A_102 = arith.addf %add3A_93, %select_n3A_101 : vector<8x2048xf32>
    %ge3A_103 = arith.constant 128 : i32
    %ge3A_104 = vector.broadcast %ge3A_103 : i32 to vector<8x2048xi32>
    %ge3A_105 = arith.cmpi sge, %iota3A_41, %ge3A_104 : vector<8x2048xi32>
    %roll3A_106 = arith.constant 128 : i32
    %roll3A_107 = tpu.dynamic_rotate %add3A_102 by %roll3A_106 dim 1 : vector<8x2048xf32>, i32 -> vector<8x2048xf32>
    %jit3A_108 = arith.constant 0.000000e+00 : f32
    %broadcast_in_dim3A_109 = vector.broadcast %jit3A_108 : f32 to vector<8x2048xf32>
    %select_n3A_110 = arith.select %ge3A_105, %roll3A_107, %broadcast_in_dim3A_109 : vector<8x2048xi1>, vector<8x2048xf32>
    %add3A_111 = arith.addf %add3A_102, %select_n3A_110 : vector<8x2048xf32>
    %ge3A_112 = arith.constant 256 : i32
    %ge3A_113 = vector.broadcast %ge3A_112 : i32 to vector<8x2048xi32>
    %ge3A_114 = arith.cmpi sge, %iota3A_41, %ge3A_113 : vector<8x2048xi32>
    %roll3A_115 = arith.constant 256 : i32
    %roll3A_116 = tpu.dynamic_rotate %add3A_111 by %roll3A_115 dim 1 : vector<8x2048xf32>, i32 -> vector<8x2048xf32>
    %jit3A_117 = arith.constant 0.000000e+00 : f32
    %broadcast_in_dim3A_118 = vector.broadcast %jit3A_117 : f32 to vector<8x2048xf32>
    %select_n3A_119 = arith.select %ge3A_114, %roll3A_116, %broadcast_in_dim3A_118 : vector<8x2048xi1>, vector<8x2048xf32>
    %add3A_120 = arith.addf %add3A_111, %select_n3A_119 : vector<8x2048xf32>
    %ge3A_121 = arith.constant 512 : i32
    %ge3A_122 = vector.broadcast %ge3A_121 : i32 to vector<8x2048xi32>
    %ge3A_123 = arith.cmpi sge, %iota3A_41, %ge3A_122 : vector<8x2048xi32>
    %roll3A_124 = arith.constant 512 : i32
    %roll3A_125 = tpu.dynamic_rotate %add3A_120 by %roll3A_124 dim 1 : vector<8x2048xf32>, i32 -> vector<8x2048xf32>
    %jit3A_126 = arith.constant 0.000000e+00 : f32
    %broadcast_in_dim3A_127 = vector.broadcast %jit3A_126 : f32 to vector<8x2048xf32>
    %select_n3A_128 = arith.select %ge3A_123, %roll3A_125, %broadcast_in_dim3A_127 : vector<8x2048xi1>, vector<8x2048xf32>
    %add3A_129 = arith.addf %add3A_120, %select_n3A_128 : vector<8x2048xf32>
    %ge3A_130 = arith.constant 1024 : i32
    %ge3A_131 = vector.broadcast %ge3A_130 : i32 to vector<8x2048xi32>
    %ge3A_132 = arith.cmpi sge, %iota3A_41, %ge3A_131 : vector<8x2048xi32>
    %roll3A_133 = arith.constant 1024 : i32
    %roll3A_134 = tpu.dynamic_rotate %add3A_129 by %roll3A_133 dim 1 : vector<8x2048xf32>, i32 -> vector<8x2048xf32>
    %jit3A_135 = arith.constant 0.000000e+00 : f32
    %broadcast_in_dim3A_136 = vector.broadcast %jit3A_135 : f32 to vector<8x2048xf32>
    %select_n3A_137 = arith.select %ge3A_132, %roll3A_134, %broadcast_in_dim3A_136 : vector<8x2048xi1>, vector<8x2048xf32>
    %add3A_138 = arith.addf %add3A_129, %select_n3A_137 : vector<8x2048xf32>
    %sub3A_139 = arith.subf %add3A_138, %convert_element_type3A_40 : vector<8x2048xf32>
    %reduce_sum3A = arith.constant dense<0.000000e+00> : vector<8xf32>
    %reduce_sum3A_140 = vector.multi_reduction <add>, %convert_element_type3A_40, %reduce_sum3A [1] : vector<8x2048xf32> to vector<8xf32>
    %broadcast_in_dim3A_141 = vector.shape_cast %reduce_sum3A_140 : vector<8xf32> to vector<8x1xf32>
    %convert_element_type3A_142 = arith.fptosi %broadcast_in_dim3A_141 : vector<8x1xf32> to vector<8x1xi32>
    %add3A_143 = arith.constant 127 : i32
    %add3A_144 = vector.broadcast %add3A_143 : i32 to vector<8x1xi32>
    %add3A_145 = arith.addi %convert_element_type3A_142, %add3A_144 : vector<8x1xi32>
    %jit3A_146 = arith.constant 128 : i32
    %div3A = vector.broadcast %jit3A_146 : i32 to vector<8x1xi32>
    %div3A_147 = arith.divsi %add3A_145, %div3A : vector<8x1xi32>
    %sign3A = arith.constant 0 : i32
    %sign3A_148 = vector.broadcast %sign3A : i32 to vector<8x1xi32>
    %sign3A_149 = arith.cmpi sgt, %add3A_145, %sign3A_148 : vector<8x1xi32>
    %sign3A_150 = arith.extui %sign3A_149 : vector<8x1xi1> to vector<8x1xi32>
    %sign3A_151 = arith.constant 0 : i32
    %sign3A_152 = vector.broadcast %sign3A_151 : i32 to vector<8x1xi32>
    %sign3A_153 = arith.cmpi slt, %add3A_145, %sign3A_152 : vector<8x1xi32>
    %sign3A_154 = arith.extui %sign3A_153 : vector<8x1xi1> to vector<8x1xi32>
    %sign3A_155 = arith.subi %sign3A_150, %sign3A_154 : vector<8x1xi32>
    %sign3A_156 = arith.constant 0 : i32
    %sign3A_157 = arith.cmpi sgt, %jit3A_146, %sign3A_156 : i32
    %sign3A_158 = arith.extui %sign3A_157 : i1 to i32
    %sign3A_159 = arith.constant 0 : i32
    %sign3A_160 = arith.cmpi slt, %jit3A_146, %sign3A_159 : i32
    %sign3A_161 = arith.extui %sign3A_160 : i1 to i32
    %sign3A_162 = arith.subi %sign3A_158, %sign3A_161 : i32
    %ne3A = vector.broadcast %sign3A_162 : i32 to vector<8x1xi32>
    %ne3A_163 = arith.cmpi ne, %sign3A_155, %ne3A : vector<8x1xi32>
    %rem3A = vector.broadcast %jit3A_146 : i32 to vector<8x1xi32>
    %rem3A_164 = arith.remsi %add3A_145, %rem3A : vector<8x1xi32>
    %ne3A_165 = arith.constant 0 : i32
    %ne3A_166 = vector.broadcast %ne3A_165 : i32 to vector<8x1xi32>
    %ne3A_167 = arith.cmpi ne, %rem3A_164, %ne3A_166 : vector<8x1xi32>
    %and3A = arith.andi %ne3A_163, %ne3A_167 : vector<8x1xi1>
    %sub3A_168 = arith.constant 1 : i32
    %sub3A_169 = vector.broadcast %sub3A_168 : i32 to vector<8x1xi32>
    %sub3A_170 = arith.subi %div3A_147, %sub3A_169 : vector<8x1xi32>
    %select_n3A_171 = arith.select %and3A, %sub3A_170, %div3A_147 : vector<8x1xi1>, vector<8x1xi32>
    %mul3A = arith.constant 128 : i32
    %mul3A_172 = vector.broadcast %mul3A : i32 to vector<8x1xi32>
    %mul3A_173 = arith.muli %select_n3A_171, %mul3A_172 : vector<8x1xi32>
    %iota3A_174 = tpu.iota {dimensions = array<i32: 0>} : vector<8x1xi32>
    %broadcast_in_dim3A_175 = arith.constant 0 : i32
    %broadcast_in_dim3A_176 = vector.broadcast %broadcast_in_dim3A_175 : i32 to vector<8x1xi32>
    %ge3A_177 = arith.constant 1 : i32
    %ge3A_178 = vector.broadcast %ge3A_177 : i32 to vector<8x1xi32>
    %ge3A_179 = arith.cmpi sge, %iota3A_174, %ge3A_178 : vector<8x1xi32>
    %roll3A_180 = arith.constant 1 : i32
    %roll3A_181 = tpu.dynamic_rotate %mul3A_173 by %roll3A_180 dim 0 : vector<8x1xi32>, i32 -> vector<8x1xi32>
    %jit3A_182 = arith.constant 0 : i32
    %broadcast_in_dim3A_183 = vector.broadcast %jit3A_182 : i32 to vector<8x1xi32>
    %select_n3A_184 = arith.select %ge3A_179, %roll3A_181, %broadcast_in_dim3A_183 : vector<8x1xi1>, vector<8x1xi32>
    %add3A_185 = arith.addi %broadcast_in_dim3A_176, %select_n3A_184 : vector<8x1xi32>
    %ge3A_186 = arith.constant 2 : i32
    %ge3A_187 = vector.broadcast %ge3A_186 : i32 to vector<8x1xi32>
    %ge3A_188 = arith.cmpi sge, %iota3A_174, %ge3A_187 : vector<8x1xi32>
    %roll3A_189 = arith.constant 2 : i32
    %roll3A_190 = tpu.dynamic_rotate %mul3A_173 by %roll3A_189 dim 0 : vector<8x1xi32>, i32 -> vector<8x1xi32>
    %jit3A_191 = arith.constant 0 : i32
    %broadcast_in_dim3A_192 = vector.broadcast %jit3A_191 : i32 to vector<8x1xi32>
    %select_n3A_193 = arith.select %ge3A_188, %roll3A_190, %broadcast_in_dim3A_192 : vector<8x1xi1>, vector<8x1xi32>
    %add3A_194 = arith.addi %add3A_185, %select_n3A_193 : vector<8x1xi32>
    %ge3A_195 = arith.constant 3 : i32
    %ge3A_196 = vector.broadcast %ge3A_195 : i32 to vector<8x1xi32>
    %ge3A_197 = arith.cmpi sge, %iota3A_174, %ge3A_196 : vector<8x1xi32>
    %roll3A_198 = arith.constant 3 : i32
    %roll3A_199 = tpu.dynamic_rotate %mul3A_173 by %roll3A_198 dim 0 : vector<8x1xi32>, i32 -> vector<8x1xi32>
    %jit3A_200 = arith.constant 0 : i32
    %broadcast_in_dim3A_201 = vector.broadcast %jit3A_200 : i32 to vector<8x1xi32>
    %select_n3A_202 = arith.select %ge3A_197, %roll3A_199, %broadcast_in_dim3A_201 : vector<8x1xi1>, vector<8x1xi32>
    %add3A_203 = arith.addi %add3A_194, %select_n3A_202 : vector<8x1xi32>
    %ge3A_204 = arith.constant 4 : i32
    %ge3A_205 = vector.broadcast %ge3A_204 : i32 to vector<8x1xi32>
    %ge3A_206 = arith.cmpi sge, %iota3A_174, %ge3A_205 : vector<8x1xi32>
    %roll3A_207 = arith.constant 4 : i32
    %roll3A_208 = tpu.dynamic_rotate %mul3A_173 by %roll3A_207 dim 0 : vector<8x1xi32>, i32 -> vector<8x1xi32>
    %jit3A_209 = arith.constant 0 : i32
    %broadcast_in_dim3A_210 = vector.broadcast %jit3A_209 : i32 to vector<8x1xi32>
    %select_n3A_211 = arith.select %ge3A_206, %roll3A_208, %broadcast_in_dim3A_210 : vector<8x1xi1>, vector<8x1xi32>
    %add3A_212 = arith.addi %add3A_203, %select_n3A_211 : vector<8x1xi32>
    %ge3A_213 = arith.constant 5 : i32
    %ge3A_214 = vector.broadcast %ge3A_213 : i32 to vector<8x1xi32>
    %ge3A_215 = arith.cmpi sge, %iota3A_174, %ge3A_214 : vector<8x1xi32>
    %roll3A_216 = arith.constant 5 : i32
    %roll3A_217 = tpu.dynamic_rotate %mul3A_173 by %roll3A_216 dim 0 : vector<8x1xi32>, i32 -> vector<8x1xi32>
    %jit3A_218 = arith.constant 0 : i32
    %broadcast_in_dim3A_219 = vector.broadcast %jit3A_218 : i32 to vector<8x1xi32>
    %select_n3A_220 = arith.select %ge3A_215, %roll3A_217, %broadcast_in_dim3A_219 : vector<8x1xi1>, vector<8x1xi32>
    %add3A_221 = arith.addi %add3A_212, %select_n3A_220 : vector<8x1xi32>
    %ge3A_222 = arith.constant 6 : i32
    %ge3A_223 = vector.broadcast %ge3A_222 : i32 to vector<8x1xi32>
    %ge3A_224 = arith.cmpi sge, %iota3A_174, %ge3A_223 : vector<8x1xi32>
    %roll3A_225 = arith.constant 6 : i32
    %roll3A_226 = tpu.dynamic_rotate %mul3A_173 by %roll3A_225 dim 0 : vector<8x1xi32>, i32 -> vector<8x1xi32>
    %jit3A_227 = arith.constant 0 : i32
    %broadcast_in_dim3A_228 = vector.broadcast %jit3A_227 : i32 to vector<8x1xi32>
    %select_n3A_229 = arith.select %ge3A_224, %roll3A_226, %broadcast_in_dim3A_228 : vector<8x1xi1>, vector<8x1xi32>
    %add3A_230 = arith.addi %add3A_221, %select_n3A_229 : vector<8x1xi32>
    %ge3A_231 = arith.constant 7 : i32
    %ge3A_232 = vector.broadcast %ge3A_231 : i32 to vector<8x1xi32>
    %ge3A_233 = arith.cmpi sge, %iota3A_174, %ge3A_232 : vector<8x1xi32>
    %roll3A_234 = arith.constant 7 : i32
    %roll3A_235 = tpu.dynamic_rotate %mul3A_173 by %roll3A_234 dim 0 : vector<8x1xi32>, i32 -> vector<8x1xi32>
    %jit3A_236 = arith.constant 0 : i32
    %broadcast_in_dim3A_237 = vector.broadcast %jit3A_236 : i32 to vector<8x1xi32>
    %select_n3A_238 = arith.select %ge3A_233, %roll3A_235, %broadcast_in_dim3A_237 : vector<8x1xi1>, vector<8x1xi32>
    %add3A_239 = arith.addi %add3A_230, %select_n3A_238 : vector<8x1xi32>
    %convert_element_type3A_240 = arith.sitofp %add3A_239 : vector<8x1xi32> to vector<8x1xf32>
    %mul3A_241 = arith.mulf %convert_element_type3A_40, %sub3A_139 : vector<8x2048xf32>
    %reduce_sum3A_242 = arith.constant dense<0.000000e+00> : vector<2048xf32>
    %reduce_sum3A_243 = vector.multi_reduction <add>, %mul3A_241, %reduce_sum3A_242 [0] : vector<8x2048xf32> to vector<2048xf32>
    %broadcast_in_dim3A_244 = vector.shape_cast %reduce_sum3A_243 : vector<2048xf32> to vector<1x2048xf32>
    %mul3A_245 = vector.broadcast %convert_element_type3A_240 : vector<8x1xf32> to vector<8x2048xf32>
    %mul3A_246 = arith.mulf %convert_element_type3A_40, %mul3A_245 : vector<8x2048xf32>
    %reduce_sum3A_247 = arith.constant dense<0.000000e+00> : vector<2048xf32>
    %reduce_sum3A_248 = vector.multi_reduction <add>, %mul3A_246, %reduce_sum3A_247 [0] : vector<8x2048xf32> to vector<2048xf32>
    %broadcast_in_dim3A_249 = vector.shape_cast %reduce_sum3A_248 : vector<2048xf32> to vector<1x2048xf32>
    %add3A_250 = arith.addf %broadcast_in_dim3A_244, %broadcast_in_dim3A_249 : vector<1x2048xf32>
    %convert_element_type3A_251 = arith.fptosi %add3A_250 : vector<1x2048xf32> to vector<1x2048xi32>
    %swap3A = arith.constant 0 : index
    %swap3A_252 = arith.constant 0 : index
    %swap3A_253 = vector.load %arg3[%swap3A, %swap3A_252] : memref<1x2048xi32, #tpu.memory_space<vmem>>, vector<1x2048xi32>
    tpu.vector_store %arg3[%swap3A, %swap3A_252], %convert_element_type3A_251 {strides = array<i32>} : memref<1x2048xi32, #tpu.memory_space<vmem>>, vector<1x2048xi32>,
    %sub3A_254 = arith.constant 1.000000e+00 : f32
    %sub3A_255 = vector.broadcast %sub3A_254 : f32 to vector<1x1024xf32>
    %sub3A_256 = arith.subf %sub3A_255, %logistic3A_35 : vector<1x1024xf32>
    %concatenate3A_257 = tpu.concatenate %logistic3A_35, %sub3A_256 in 1 : vector<1x1024xf32>, vector<1x1024xf32> -> vector<1x2048xf32>
    %swap3A_258 = arith.constant 0 : index
    %swap3A_259 = arith.constant 0 : index
    %swap3A_260 = vector.load %arg4[%swap3A_258, %swap3A_259] : memref<1x2048xf32, #tpu.memory_space<vmem>>, vector<1x2048xf32>
    tpu.vector_store %arg4[%swap3A_258, %swap3A_259], %concatenate3A_257 {strides = array<i32>} : memref<1x2048xf32, #tpu.memory_space<vmem>>, vector<1x2048xf32>,
    %iota3A_261 = tpu.iota {dimensions = array<i32: 1>} : vector<1x24xi32>
    %mul3A_262 = arith.constant 128 : i32
    %mul3A_263 = vector.broadcast %mul3A_262 : i32 to vector<1x24xi32>
    %mul3A_264 = arith.muli %iota3A_261, %mul3A_263 : vector<1x24xi32>
    %le3A = vector.broadcast %add3A_239 : vector<8x1xi32> to vector<8x24xi32>
    %le3A_265 = vector.broadcast %mul3A_264 : vector<1x24xi32> to vector<8x24xi32>
    %le3A_266 = arith.cmpi sle, %le3A, %le3A_265 : vector<8x24xi32>
    %convert_element_type3A_267 = arith.extui %le3A_266 : vector<8x24xi1> to vector<8x24xi32>
    %reduce_sum3A_268 = arith.constant dense<0> : vector<24xi32>
    %reduce_sum3A_269 = vector.multi_reduction <add>, %convert_element_type3A_267, %reduce_sum3A_268 [0] : vector<8x24xi32> to vector<24xi32>
    %broadcast_in_dim3A_270 = vector.shape_cast %reduce_sum3A_269 : vector<24xi32> to vector<1x24xi32>
    %sub3A_271 = arith.constant 1 : i32
    %sub3A_272 = vector.broadcast %sub3A_271 : i32 to vector<1x24xi32>
    %sub3A_273 = arith.subi %broadcast_in_dim3A_270, %sub3A_272 : vector<1x24xi32>
    %swap3A_274 = arith.constant 0 : index
    %swap3A_275 = arith.constant 0 : index
    %swap3A_276 = vector.load %arg5[%swap3A_274, %swap3A_275] : memref<1x24xi32, #tpu.memory_space<vmem>>, vector<1x24xi32>
    tpu.vector_store %arg5[%swap3A_274, %swap3A_275], %sub3A_273 {strides = array<i32>} : memref<1x24xi32, #tpu.memory_space<vmem>>, vector<1x24xi32>,
    %reduce_sum3A_277 = arith.constant dense<0> : vector<1xi32>
    %reduce_sum3A_278 = vector.multi_reduction <add>, %mul3A_173, %reduce_sum3A_277 [0] : vector<8x1xi32> to vector<1xi32>
    %broadcast_in_dim3A_279 = vector.shape_cast %reduce_sum3A_278 : vector<1xi32> to vector<1x1xi32>
    %jit3A_280 = arith.constant 128 : i32
    %div3A_281 = vector.broadcast %jit3A_280 : i32 to vector<1x1xi32>
    %div3A_282 = arith.divsi %broadcast_in_dim3A_279, %div3A_281 : vector<1x1xi32>
    %sign3A_283 = arith.constant 0 : i32
    %sign3A_284 = vector.broadcast %sign3A_283 : i32 to vector<1x1xi32>
    %sign3A_285 = arith.cmpi sgt, %broadcast_in_dim3A_279, %sign3A_284 : vector<1x1xi32>
    %sign3A_286 = arith.extui %sign3A_285 : vector<1x1xi1> to vector<1x1xi32>
    %sign3A_287 = arith.constant 0 : i32
    %sign3A_288 = vector.broadcast %sign3A_287 : i32 to vector<1x1xi32>
    %sign3A_289 = arith.cmpi slt, %broadcast_in_dim3A_279, %sign3A_288 : vector<1x1xi32>
    %sign3A_290 = arith.extui %sign3A_289 : vector<1x1xi1> to vector<1x1xi32>
    %sign3A_291 = arith.subi %sign3A_286, %sign3A_290 : vector<1x1xi32>
    %sign3A_292 = arith.constant 0 : i32
    %sign3A_293 = arith.cmpi sgt, %jit3A_280, %sign3A_292 : i32
    %sign3A_294 = arith.extui %sign3A_293 : i1 to i32
    %sign3A_295 = arith.constant 0 : i32
    %sign3A_296 = arith.cmpi slt, %jit3A_280, %sign3A_295 : i32
    %sign3A_297 = arith.extui %sign3A_296 : i1 to i32
    %sign3A_298 = arith.subi %sign3A_294, %sign3A_297 : i32
    %ne3A_299 = vector.broadcast %sign3A_298 : i32 to vector<1x1xi32>
    %ne3A_300 = arith.cmpi ne, %sign3A_291, %ne3A_299 : vector<1x1xi32>
    %rem3A_301 = vector.broadcast %jit3A_280 : i32 to vector<1x1xi32>
    %rem3A_302 = arith.remsi %broadcast_in_dim3A_279, %rem3A_301 : vector<1x1xi32>
    %ne3A_303 = arith.constant 0 : i32
    %ne3A_304 = vector.broadcast %ne3A_303 : i32 to vector<1x1xi32>
    %ne3A_305 = arith.cmpi ne, %rem3A_302, %ne3A_304 : vector<1x1xi32>
    %and3A_306 = arith.andi %ne3A_300, %ne3A_305 : vector<1x1xi1>
    %sub3A_307 = arith.constant 1 : i32
    %sub3A_308 = vector.broadcast %sub3A_307 : i32 to vector<1x1xi32>
    %sub3A_309 = arith.subi %div3A_282, %sub3A_308 : vector<1x1xi32>
    %select_n3A_310 = arith.select %and3A_306, %sub3A_309, %div3A_282 : vector<1x1xi1>, vector<1x1xi32>
    %swap3A_311 = arith.constant 0 : index
    %swap3A_312 = arith.constant 0 : index
    %swap3A_313 = vector.load %arg6[%swap3A_311, %swap3A_312] : memref<1x1xi32, #tpu.memory_space<vmem>>, vector<1x1xi32>
    tpu.vector_store %arg6[%swap3A_311, %swap3A_312], %select_n3A_310 {strides = array<i32>} : memref<1x1xi32, #tpu.memory_space<vmem>>, vector<1x1xi32>,
    return
  }
}

module attributes {stable_mosaic.version = 14 : i64} {
  func.func @_grouped_mlp_body(%arg0: i32, %arg1: memref<24xi32, #tpu.memory_space<smem>>, %arg2: memref<1xi32, #tpu.memory_space<smem>>, %arg3: memref<128x768xf32, #tpu.memory_space<vmem>>, %arg4: memref<1x768x2048xf32, #tpu.memory_space<vmem>>, %arg5: memref<1x1x2048xf32, #tpu.memory_space<vmem>>, %arg6: memref<1x1024x768xf32, #tpu.memory_space<vmem>>, %arg7: memref<1x1x768xf32, #tpu.memory_space<vmem>>, %arg8: memref<128x768xf32, #tpu.memory_space<vmem>>) attributes {dimension_semantics = [#tpu.dimension_semantics<arbitrary>], iteration_bounds = array<i64: 24>, scalar_prefetch = 2 : i64, scratch_operands = 0 : i64, tpu.core_type = #tpu.core_type<tc>, window_params = [{transform_indices = @transform_0, window_bounds = array<i64: 128, 768>}, {transform_indices = @transform_1, window_bounds = array<i64: 1, 768, 2048>}, {transform_indices = @transform_2, window_bounds = array<i64: 1, 1, 2048>}, {transform_indices = @transform_3, window_bounds = array<i64: 1, 1024, 768>}, {transform_indices = @transform_4, window_bounds = array<i64: 1, 1, 768>}, {transform_indices = @transform_5, window_bounds = array<i64: 128, 768>}]} {
    %get3A = arith.constant 0 : index
    %get3A_0 = memref.load %arg2[%get3A] : memref<1xi32, #tpu.memory_space<smem>>
    %lt3A = arith.cmpi slt, %arg0, %get3A_0 : i32
    %convert_element_type3A = arith.extui %lt3A : i1 to i32
    %cond3A = arith.constant 0 : i32
    %cond3A_1 = arith.cmpi ne, %convert_element_type3A, %cond3A : i32
    scf.if %cond3A_1 {
      %get3A_2 = arith.constant 0 : index
      %get3A_3 = arith.constant 0 : index
      %get3A_4 = vector.load %arg3[%get3A_2, %get3A_3] : memref<128x768xf32, #tpu.memory_space<vmem>>, vector<128x768xf32>
      %get3A_5 = arith.constant 0 : index
      %get3A_6 = arith.constant 0 : index
      %get3A_7 = arith.constant 0 : index
      %get3A_8 = vector.load %arg4[%get3A_5, %get3A_6, %get3A_7] : memref<1x768x2048xf32, #tpu.memory_space<vmem>>, vector<1x768x2048xf32>
      %get3A_9 = vector.shape_cast %get3A_8 : vector<1x768x2048xf32> to vector<768x2048xf32>
      %dot_general3A = arith.constant dense<0.000000e+00> : vector<128x2048xf32>
      %dot_general3A_10 = tpu.matmul %get3A_4, %get3A_9, %dot_general3A {dimension_numbers = #tpu.dot_dimension_numbers<[1], [0], [0], [1], [0, 0, 1, 1], [], []>, transpose_lhs_hint = false} : vector<128x768xf32>, vector<768x2048xf32>, vector<128x2048xf32> -> vector<128x2048xf32>
      %get3A_11 = arith.constant 0 : index
      %get3A_12 = arith.constant 0 : index
      %get3A_13 = arith.constant 0 : index
      %get3A_14 = vector.load %arg5[%get3A_11, %get3A_12, %get3A_13] : memref<1x1x2048xf32, #tpu.memory_space<vmem>>, vector<1x1x2048xf32>
      %get3A_15 = vector.shape_cast %get3A_14 : vector<1x1x2048xf32> to vector<1x2048xf32>
      %add3A = vector.broadcast %get3A_15 : vector<1x2048xf32> to vector<128x2048xf32>
      %add3A_16 = arith.addf %dot_general3A_10, %add3A : vector<128x2048xf32>
      %slice3A = vector.extract_strided_slice %add3A_16 {offsets = [0, 0], sizes = [128, 1024], strides = [1, 1]} : vector<128x2048xf32> to vector<128x1024xf32>
      %min3A = arith.constant 7.000000e+00 : f32
      %min3A_17 = vector.broadcast %min3A : f32 to vector<128x1024xf32>
      %min3A_18 = arith.minimumf %slice3A, %min3A_17 : vector<128x1024xf32>
      %slice3A_19 = vector.extract_strided_slice %add3A_16 {offsets = [0, 1024], sizes = [128, 1024], strides = [1, 1]} : vector<128x2048xf32> to vector<128x1024xf32>
      %jit3A = arith.constant -7.000000e+00 : f32
      %jit3A_20 = arith.constant 7.000000e+00 : f32
      %max3A = vector.broadcast %jit3A : f32 to vector<128x1024xf32>
      %max3A_21 = arith.maximumf %max3A, %slice3A_19 : vector<128x1024xf32>
      %min3A_22 = vector.broadcast %jit3A_20 : f32 to vector<128x1024xf32>
      %min3A_23 = arith.minimumf %min3A_22, %max3A_21 : vector<128x1024xf32>
      %add3A_24 = arith.constant 1.000000e+00 : f32
      %add3A_25 = vector.broadcast %add3A_24 : f32 to vector<128x1024xf32>
      %add3A_26 = arith.addf %min3A_23, %add3A_25 : vector<128x1024xf32>
      %mul3A = arith.constant 1.702000e+00 : f32
      %mul3A_27 = vector.broadcast %mul3A : f32 to vector<128x1024xf32>
      %mul3A_28 = arith.mulf %mul3A_27, %min3A_18 : vector<128x1024xf32>
      %logistic3A = arith.negf %mul3A_28 : vector<128x1024xf32>
      %logistic3A_29 = math.exp %logistic3A : vector<128x1024xf32>
      %logistic3A_30 = arith.constant 1.000000e+00 : f32
      %logistic3A_31 = vector.broadcast %logistic3A_30 : f32 to vector<128x1024xf32>
      %logistic3A_32 = arith.addf %logistic3A_31, %logistic3A_29 : vector<128x1024xf32>
      %logistic3A_33 = arith.divf %logistic3A_31, %logistic3A_32 : vector<128x1024xf32>
      %mul3A_34 = arith.mulf %min3A_18, %logistic3A_33 : vector<128x1024xf32>
      %mul3A_35 = arith.mulf %add3A_26, %mul3A_34 : vector<128x1024xf32>
      %get3A_36 = arith.constant 0 : index
      %get3A_37 = arith.constant 0 : index
      %get3A_38 = arith.constant 0 : index
      %get3A_39 = vector.load %arg6[%get3A_36, %get3A_37, %get3A_38] : memref<1x1024x768xf32, #tpu.memory_space<vmem>>, vector<1x1024x768xf32>
      %get3A_40 = vector.shape_cast %get3A_39 : vector<1x1024x768xf32> to vector<1024x768xf32>
      %dot_general3A_41 = arith.constant dense<0.000000e+00> : vector<128x768xf32>
      %dot_general3A_42 = tpu.matmul %mul3A_35, %get3A_40, %dot_general3A_41 {dimension_numbers = #tpu.dot_dimension_numbers<[1], [0], [0], [1], [0, 0, 1, 1], [], []>, transpose_lhs_hint = false} : vector<128x1024xf32>, vector<1024x768xf32>, vector<128x768xf32> -> vector<128x768xf32>
      %get3A_43 = arith.constant 0 : index
      %get3A_44 = arith.constant 0 : index
      %get3A_45 = arith.constant 0 : index
      %get3A_46 = vector.load %arg7[%get3A_43, %get3A_44, %get3A_45] : memref<1x1x768xf32, #tpu.memory_space<vmem>>, vector<1x1x768xf32>
      %get3A_47 = vector.shape_cast %get3A_46 : vector<1x1x768xf32> to vector<1x768xf32>
      %add3A_48 = vector.broadcast %get3A_47 : vector<1x768xf32> to vector<128x768xf32>
      %add3A_49 = arith.addf %dot_general3A_42, %add3A_48 : vector<128x768xf32>
      %swap3A = arith.constant 0 : index
      %swap3A_50 = arith.constant 0 : index
      %swap3A_51 = vector.load %arg8[%swap3A, %swap3A_50] : memref<128x768xf32, #tpu.memory_space<vmem>>, vector<128x768xf32>
      tpu.vector_store %arg8[%swap3A, %swap3A_50], %add3A_49 {strides = array<i32>} : memref<128x768xf32, #tpu.memory_space<vmem>>, vector<128x768xf32>,
    } else {
    }
    return
  }
  func.func @transform_0(%arg0: i32, %arg1: memref<24xi32, #tpu.memory_space<smem>>, %arg2: memref<1xi32, #tpu.memory_space<smem>>) -> (i32, i32) {
    %c0_i32 = arith.constant 0 : i32
    %c0_i32_0 = arith.constant 0 : i32
    return %arg0, %c0_i32 : i32, i32
  }
  func.func @transform_1(%arg0: i32, %arg1: memref<24xi32, #tpu.memory_space<smem>>, %arg2: memref<1xi32, #tpu.memory_space<smem>>) -> (i32, i32, i32) {
    %get3A = arith.index_cast %arg0 : i32 to index
    %get3A_0 = memref.load %arg1[%get3A] : memref<24xi32, #tpu.memory_space<smem>>
    %c0_i32 = arith.constant 0 : i32
    %c0_i32_1 = arith.constant 0 : i32
    %c0_i32_2 = arith.constant 0 : i32
    return %get3A_0, %c0_i32, %c0_i32_1 : i32, i32, i32
  }
  func.func @transform_2(%arg0: i32, %arg1: memref<24xi32, #tpu.memory_space<smem>>, %arg2: memref<1xi32, #tpu.memory_space<smem>>) -> (i32, i32, i32) {
    %get3A = arith.index_cast %arg0 : i32 to index
    %get3A_0 = memref.load %arg1[%get3A] : memref<24xi32, #tpu.memory_space<smem>>
    %c0_i32 = arith.constant 0 : i32
    %c0_i32_1 = arith.constant 0 : i32
    %c0_i32_2 = arith.constant 0 : i32
    return %get3A_0, %c0_i32, %c0_i32_1 : i32, i32, i32
  }
  func.func @transform_3(%arg0: i32, %arg1: memref<24xi32, #tpu.memory_space<smem>>, %arg2: memref<1xi32, #tpu.memory_space<smem>>) -> (i32, i32, i32) {
    %get3A = arith.index_cast %arg0 : i32 to index
    %get3A_0 = memref.load %arg1[%get3A] : memref<24xi32, #tpu.memory_space<smem>>
    %c0_i32 = arith.constant 0 : i32
    %c0_i32_1 = arith.constant 0 : i32
    %c0_i32_2 = arith.constant 0 : i32
    return %get3A_0, %c0_i32, %c0_i32_1 : i32, i32, i32
  }
  func.func @transform_4(%arg0: i32, %arg1: memref<24xi32, #tpu.memory_space<smem>>, %arg2: memref<1xi32, #tpu.memory_space<smem>>) -> (i32, i32, i32) {
    %get3A = arith.index_cast %arg0 : i32 to index
    %get3A_0 = memref.load %arg1[%get3A] : memref<24xi32, #tpu.memory_space<smem>>
    %c0_i32 = arith.constant 0 : i32
    %c0_i32_1 = arith.constant 0 : i32
    %c0_i32_2 = arith.constant 0 : i32
    return %get3A_0, %c0_i32, %c0_i32_1 : i32, i32, i32
  }
  func.func @transform_5(%arg0: i32, %arg1: memref<24xi32, #tpu.memory_space<smem>>, %arg2: memref<1xi32, #tpu.memory_space<smem>>) -> (i32, i32) {
    %c0_i32 = arith.constant 0 : i32
    %c0_i32_0 = arith.constant 0 : i32
    return %arg0, %c0_i32 : i32, i32
  }
}

</mosaic_0001>

<sc_bundles>
// kernel: kernel.6.cloned.1.call-start
scs
__scs_entry_jumppad:
0x0: {  	(pc) =	sbr.rel $0x88, $3  }
0x1: {  	(tag) =	ssettag $0x0;
	lr =	simm.s32 $0x1  }
0x2: {  	[smem:$0x3F9A] =	sst lr;
	_ =	strace $0xD0000000  }
0x3: {  	_ = 	snop  }
0x4: {  	_ = 	snop  }
0x5: {  	_ = 	snop  }
0x6: {  	_ = 	snop  }
0x7: {  	_ = 	snop  }
__scs_overlays_trampoline_lowered:
0x8: {  	[smem:$0x3FA9] =	sst s0  }
0x9: {  	[smem:$0x3FAA] =	sst s1  }
0xa: {  	[smem:$0x3FAB] =	sst s2  }
0xb: {  	[smem:$0x3FAC] =	sst s3  }
0xc: {  	[smem:$0x3FAD] =	sst s4  }
0xd: {  	[smem:$0x3FAE] =	sst s5  }
0xe: {  	[smem:$0x3FAF] =	sst s6  }
0xf: {  	[smem:$0x3FB0] =	sst s7  }
0x10: {  	[smem:$0x3FB1] =	sst s8  }
0x11: {  	[smem:$0x3FB2] =	sst s9;
	s0 =	simm.s32 @!p0 $0x0  }
0x12: {  	s1 =	sld [smem:$0x3F98];
	s0 =	simm.s32 @p0 $0x1  }
0x13: {  	[smem:$0x3FB3] =	sst s0;
	s0 =	simm.s32 @!p1 $0x0  }
0x14: {  	s2 =	sld [smem:$0x3F97];
	s0 =	simm.s32 @p1 $0x1  }
0x15: {  	[smem:$0x3FB4] =	sst s0;
	s0 =	simm.s32 @!p2 $0x0  }
0x16: {  	s3 =	sld [smem:$0x3FDB];
	s0 =	simm.s32 @p2 $0x1  }
0x17: {  	s4 =	simm.s32 $0x1BF5;
	[smem:$0x3FB6] =	sst s0  }
0x18: {  	s0 =	sld [smem:$0x3F99];
	_ =	swait.ge [sflag:s4], $0x0  }
0x19: {  	s7 =	sld [smem:$0x3F9A]  }
0x1a: {  	s8 =	sadd.s32 $0xFFFFE003, lr  }
0x1b: {  	s9 =	sadd.s32 $0xFFFFFEF7, lr;
	s5 =	simm.s32 $0xFFFFFFFF;
	p2 =	slt.u32 s8, $0xFFFFF086  }
0x1c: {  	p1 =	slt.u32 s9, $0xF7A;
	s5 =	simm.s32 @!p2 $0x0  }
0x1d: {  	s5 =	simm.s32 @p1 $0x1;
	p0 =	seq.s32 s7, s2  }
0x1e: {  	s7 =	smul.u32 @!p0 $0xF7A, s2;
	p2 =	seq.s32 @!p0 s5, $0x0  }
0x1f: {  	s9 =	smul.u32 $0xF7A, s1;
	s8 =	simm.s32 @!p0 $0x1BF5;
	p2 =	por !p2, p0  }
0x20: {  	[sflag:s8] =	ssyncset.s32 @!p0 $0xFFFFF086;
	s6 =	sadd.s32 @!p0 s3, s7;
	s7 =	simm.s32 @!p0 $0x108  }
0x21: {  	s3 =	sadd.s32 s3, s9;
	s6 =	sadd.s32 @!p0 $0x88, s6;
	s7 =	simm.s32 @p2 $0x1082  }
0x22: {  	[simem:s7], [sflag:s8] =	dma.local @!p0 [hbm:s6], $0xF7A  }
0x23: {  	s9 =	sor.u32 $0xD0000000, s2;
	s6 =	simm.s32 $0x108;
	_ =	swait.ge @!p0 [sflag:s8], $0x0  }
0x24: {  	s3 =	sadd.s32 $0x88, s3;
	s6 =	simm.s32 @!p1 $0x1082;
	[sflag:s4] =	ssyncset.s32 $0xFFFFF086  }
0x25: {  	[simem:s6], [sflag:s4] =	dma.local [hbm:s3], $0xF7A  }
0x26: {  	[smem:$0x3F9A] =	sst s1;
	(tag) =	ssettag s2;
	_ =	strace s9  }
0x27: {  	s1 =	sld [smem:$0x3FAA]  }
0x28: {  	s2 =	sld [smem:$0x3FAB]  }
0x29: {  	s4 =	sld [smem:$0x3FAD]  }
0x2a: {  	p0 =	seq.s32 s5, $0x0;
	s5 =	sld [smem:$0x3FAE]  }
0x2b: {  	s6 =	sld [smem:$0x3FAF]  }
0x2c: {  	s7 =	sld [smem:$0x3FB0]  }
0x2d: {  	s3 =	simm.s32 $0x108;
	s8 =	sld [smem:$0x3FB1]  }
0x2e: {  	s3 =	simm.s32 @!p0 $0x1082;
	s9 =	sld [smem:$0x3FB2]  }
0x2f: {  	lr =	sadd.s32 s0, s3;
	s0 =	sld [smem:$0x3FA9]  }
0x30: {  	s3 =	sld [smem:$0x3FAC]  }
0x31: {  	[smem:$0x3FB5] =	sst s10  }
0x32: {  	s10 =	sld [smem:$0x3FB3];
	_ =	sdelay $0x3  }
0x33: {  	p0 =	seq.s32 s10, $0x1;
	s10 =	sld [smem:$0x3FB5];
	_ =	sdelay $0x3  }
0x34: {  	[smem:$0x3FB5] =	sst s10  }
0x35: {  	s10 =	sld [smem:$0x3FB4];
	_ =	sdelay $0x3  }
0x36: {  	p1 =	seq.s32 s10, $0x1;
	s10 =	sld [smem:$0x3FB5];
	_ =	sdelay $0x3  }
0x37: {  	[smem:$0x3FB5] =	sst s10  }
0x38: {  	s10 =	sld [smem:$0x3FB6]  }
0x39: {  	_ = 	snop;
	(pc) =	sbr.ind lr, $3  }
0x3a: {  	_ = 	snop  }
0x3b: {  	_ = 	snop  }
0x3c: {  	p2 =	seq.s32 s10, $0x1;
	s10 =	sld [smem:$0x3FB5]  }
0x3d: {  	_ =	shalt  }
0x3e: {  	_ =	shalt  }
0x3f: {  	_ =	shalt  }
0x40: {  	_ =	shalt  }
0x41: {  	_ =	shalt  }
0x42: {  	_ =	shalt  }
0x43: {  	_ =	shalt  }
0x44: {  	_ =	shalt  }
0x45: {  	_ =	shalt  }
0x46: {  	_ =	shalt  }
0x47: {  	_ =	shalt  }
0x48: {  	_ =	shalt  }
0x49: {  	_ =	shalt  }
0x4a: {  	_ =	shalt  }
0x4b: {  	_ =	shalt  }
0x4c: {  	_ =	shalt  }
0x4d: {  	_ =	shalt  }
0x4e: {  	_ =	shalt  }
0x4f: {  	_ =	shalt  }
0x50: {  	_ =	shalt  }
0x51: {  	_ =	shalt  }
0x52: {  	_ =	shalt  }
0x53: {  	_ =	shalt  }
0x54: {  	_ =	shalt  }
0x55: {  	_ =	shalt  }
0x56: {  	_ =	shalt  }
0x57: {  	_ =	shalt  }
0x58: {  	_ =	shalt  }
0x59: {  	_ =	shalt  }
0x5a: {  	_ =	shalt  }
0x5b: {  	_ =	shalt  }
0x5c: {  	_ =	shalt  }
0x5d: {  	_ =	shalt  }
0x5e: {  	_ =	shalt  }
0x5f: {  	_ =	shalt  }
0x60: {  	_ =	shalt  }
0x61: {  	_ =	shalt  }
0x62: {  	_ =	shalt  }
0x63: {  	_ =	shalt  }
0x64: {  	_ =	shalt  }
0x65: {  	_ =	shalt  }
0x66: {  	_ =	shalt  }
0x67: {  	_ =	shalt  }
0x68: {  	_ =	shalt  }
0x69: {  	_ =	shalt  }
0x6a: {  	_ =	shalt  }
0x6b: {  	_ =	shalt  }
0x6c: {  	_ =	shalt  }
0x6d: {  	_ =	shalt  }
0x6e: {  	_ =	shalt  }
0x6f: {  	_ =	shalt  }
0x70: {  	_ =	shalt  }
0x71: {  	_ =	shalt  }
0x72: {  	_ =	shalt  }
0x73: {  	_ =	shalt  }
0x74: {  	_ =	shalt  }
0x75: {  	_ =	shalt  }
0x76: {  	_ =	shalt  }
0x77: {  	_ =	shalt  }
0x78: {  	_ =	shalt  }
0x79: {  	_ =	shalt  }
0x7a: {  	_ =	shalt  }
0x7b: {  	_ =	shalt  }
0x7c: {  	_ =	shalt  }
0x7d: {  	_ =	shalt  }
0x7e: {  	_ =	shalt  }
0x7f: {  	_ =	shalt  }
0x80: {  	_ =	shalt  }
0x81: {  	_ =	shalt  }
0x82: {  	_ =	shalt  }
0x83: {  	_ =	shalt  }
0x84: {  	_ =	shalt  }
0x85: {  	_ =	shalt  }
0x86: {  	_ =	shalt  }
0x87: {  	_ =	shalt  }
.Lfunc_end0:
.L_simem_size_0:
called_computation_lowered:
.L_overlay_start_0:
0x88: {  	s2 =	sld [smem:$0x3FD9]  }
0x89: {  	s3 =	sld [smem:$0x3FFE];
	_ =	sdelay $0x1  }
0x8a: {  	s1 =	srdreg.scid  }
0x8b: {  	s0 =	sand.u32 $0x1, s1  }
0x8c: {  	s17 =	sshll.u32 s0, $0xA;
	s2 =	sadd.s32 s3, s2  }
0x8d: {  	s2 =	sadd.s32 s2, s17  }
0x8e: {  	[smem:$0x3FC1] =	sst s2  }
0x8f: {  	_ = 	snop  }
0x90: {  	s2 =	sld [smem:$0x3FC9];
	(tm) =	ssettm $0x1  }
0x91: {  	s18 =	sld [smem:$0x3FFB];
	_ =	sdelay $0x3  }
0x92: {  	_ =	strace s18  }
0x93: {  	s3 =	sld [smem:$0x3FFC];
	_ =	sdelay $0x3  }
0x94: {  	_ =	strace s3  }
0x95: {  	s3 =	sld [smem:$0x3FFD];
	_ =	sdelay $0x3  }
0x96: {  	_ =	strace s3  }
0x97: {  	_ =	strace $0x8FFFFFFF  }
0x98: {  	s19 =	sld [smem:$0x3FDB];
	_ =	sdelay $0x1  }
0x99: {  	s4 =	simm.s32 $_scs_section_size  }
0x9a: {  	s5 =	simm.s32 $_size__tile_overlayer_lowered;
	s6 =	simm.s32 $_tile_overlayer_lowered  }
0x9b: {  	s22 =	simm.s32 $0x1BFF;
	s21 =	sshll.u32 s6, $0x1;
	s3 =	sadd.s32 s4, s19  }
0x9c: {  	s7 =	simm.s32 $0x0;
	s20 =	sshll.u32 s5, $0x1;
	s5 =	sadd.s32 s21, s3  }
0x9d: {  	[timem:s7], [sflag:s22] =	dma.local [hbm:s5], s20  }
0x9e: {  	_ =	swait.ge [sflag:s22], s20  }
0x9f: {  	s4 =	ssub.s32 $0x0, s20;
	[sflag:s22] =	ssyncset.done $0x0  }
0xa0: {  	[sflag:s22] =	ssyncadd.s32 s4;
	_ =	sdelay $0x1  }
0xa1: {  	s23 =	simm.s32 $0x1B8B  }
0xa2: {  	_ =	swait.ge [sflag:s23], $0x1  }
0xa3: {  	[sflag:s23] =	ssyncset.done $0x0  }
0xa4: {  	s25 =	simm.s32 $0x1B8E;
	s24 =	sld [smem:$0x3FFE];
	[sflag:s23] =	ssyncadd.s32 $0xFFFFFFFF  }
0xa5: {  	s26 =	simm.s32 $execute0_lowered;
	[smem:$0x3FD2] =	sst s25  }
0xa6: {  	s5 =	sshll.u32 s26, $0x1;
	_ =	strace $0x80000046;
	[dreg:$0x1] =	wrdreg $0xFFFFFFFF  }
0xa7: {  	s28 =	simm.s32 $_size_execute0_lowered;
	s3 =	sadd.s32 s3, s5;
	[dreg:$0x0] =	wrdreg $0x0  }
0xa8: {  	s5 =	sshll.u32 s28, $0x1;
	[dreg:$0x2] =	wrdreg s3  }
0xa9: {  	[dreg:$0x3] =	wrdreg s5  }
0xaa: {  	[dreg:$0x4] =	wrdreg $0xC0  }
0xab: {  	_ =	task [dreg:s7], $0x5FFFF  }
0xac: {  	[dreg:$0x1] =	wrdreg $0xFFFFFFFF  }
0xad: {  	[dreg:$0x0] =	wrdreg $0x60  }
0xae: {  	[dreg:$0x2] =	wrdreg s2  }
0xaf: {  	[dreg:$0x3] =	wrdreg s24  }
0xb0: {  	[dreg:$0x4] =	wrdreg $0x9  }
0xb1: {  	_ =	task.clear_ibuf [dreg:s7], $0x5FFFF;
	_ =	strace $0x90000046  }
0xb2: {  	s29 =	simm.s32 $0x9;
	_ =	strace $0x80000048  }
0xb3: {  	_ =	swait.ge [sflag:s29], $0x1  }
0xb4: {  	[sflag:s29] =	ssyncadd.s32 $0xFFFFFFFF  }
0xb5: {  	_ =	strace $0x90000048  }
0xb6: {  	_ =	sfence  }
0xb7: {  	s30 =	sld [smem:$0x0];
	_ =	sdelay $0x2  }
0xb8: {  	s31 =	sshll.u32 s1, $0xD;
	s1 =	sshrl.u32 s1, $0x2  }
0xb9: {  	s3 =	sand.u32 $0x4000, s31;
	s1 =	sadd.s32 s1, s30  }
0xba: {  	s0 =	sor.u32 s3, s0;
	s1 =	sshll.u32 s1, $0x11  }
0xbb: {  	s0 =	sor.u32 s1, s0  }
0xbc: {  	s0 =	sadd.s32 $0x8F2B, s0  }
0xbd: {  	[sflag:s0] =	ssyncadd.remote.s32 $0x1  }
0xbe: {  	_ =	sfence.sel $0xFFFF  }
0xbf: {  	[dreg:$0x0] =	wrdreg $0xFFFFFFFF;
	(pc) =	sbr.abs _section_cstart, $3  }
0xc0: {  	[dreg:$0x1] =	wrdreg $0xFFFFFFFF  }
0xc1: {  	_ =	task.clear_ibuf [dreg:s7], $0x2FFFF;
	_ =	strace $0x9FFFFFFF  }
0xc2: {  	(tm) =	ssettm $0x7FFFFFFF  }
0xc3: {  	_ =	shalt  }
tec
execute0_lowered:
.L_overlay_start_1:
0x0: {  	(tag) =	ssettag $0x1  }
0x1: {  	s4 =	rddreg [dreg:$0x0]  }
0x2: {  	s8 =	rddreg [dreg:$0x1];
	s2 =	srdreg.scid  }
0x3: {  	s0 =	rddreg [dreg:$0x2];
	s1 =	stileid.u32;
	s12 =	simm.s32 $0x80  }
0x4: {  	s13 =	simm.s32 $0x900;
	s14 =	simm.s32 $0x1100;
	s15 =	simm.s32 $0x1900  }
0x5: {  	s16 =	simm.s32 $0x2100;
	s17 =	simm.s32 $0x2900;
	s18 =	simm.s32 $0x3100  }
0x6: {  	s19 =	simm.s32 $0x3900;
	s20 =	simm.s32 $0x4100;
	s21 =	simm.s32 $0x4900  }
0x7: {  	s22 =	simm.s32 $0x5100;
	s23 =	simm.s32 $0x5900;
	s24 =	simm.s32 $0x1  }
0x8: {  	s3 =	sand.u32 $0x1, s2;
	s2 =	simm.s32 $0x0;
	s5 =	sshll.u32 s1, $0x3  }
0x9: {  	s6 =	sshll.u32 s3, $0x2;
	[smem:$0x7FF] =	sst s2;
	s31 =	ssub.s32 $0x2, s3  }
0xa: {  	s3 =	sadd.s32 $0x1C00, s8;
	s5 =	sor.u32 s6, s5;
	_ =	strace $0x80000047  }
0xb: {  	s7 =	sshrl.u32 s31, $0x1;
	s9 =	smul.u32 $0x300, s5;
	s10 =	sadd.s32 s5, s8  }
0xc: {  	v2 =	vlaneseq.u32;
	s11 =	ssub.s32 s31, s7;
	s7 =	sadd.s32 $0x1D00, s8;
	s8 =	sadd.s32 $0x1E00, s8  }
0xd: {  	vm0 =	vmmov $0xffff;
	v1 =	vshrl.u32 v2, $0x3;
	s5 =	sadd.s32 $0x1800, s10;
	s6 =	sadd.s32 $0x1880, s10;
	s10 =	simm.s32 $0x100  }
0xe: {  	v0 =	vand.u32 $0x7, v2;
	v2 =	vor.u32 $0x8, v2;
	v1 =	vmul.u32 $0x8, v1;
	s4 =	sadd.s32 s4, s9;
	s9 =	smax.u32 s11, $0x1;
	s11 =	simm.s32 $0x2  }
.LBB2_1:
0xf: {  	[tilespmem:s10], [sflag:$0x2] =	stream.linear.gather [hbm4b:s4+s2], $0x6000, $0x38;
	[tilespmem:$0x6100] =	vst v63  }
0x10: {  	_ =	swait.ge [sflag:s11], $0x6000  }
0x11: {  	[sflag:s11] =	ssyncset.done $0x0  }
0x12: {  	[sflag:s11] =	ssyncadd.s32 $0xFFFFA000  }
0x13: {  	[tilespmem:s2], [sflag:$0x2] =	stream.linear.gather [hbm4b:s5+s2], $0x20, $0x38;
	[tilespmem:$0x6100] =	vst v63  }
0x14: {  	_ =	swait.ge [sflag:s11], $0x20  }
0x15: {  	[sflag:s11] =	ssyncset.done $0x0  }
0x16: {  	[sflag:s11] =	ssyncadd.s32 $0xFFFFFFE0  }
0x17: {  	[tilespmem:s12], [sflag:$0x2] =	stream.linear.gather [hbm4b:s6+s2], $0x20, $0x38;
	[tilespmem:$0x6100] =	vst v63  }
0x18: {  	_ =	swait.ge [sflag:s11], $0x20  }
0x19: {  	[sflag:s11] =	ssyncset.done $0x0  }
0x1a: {  	[sflag:s11] =	ssyncadd.s32 $0xFFFFFFE0  }
0x1b: {  	v3 =	vld [tilespmem:$0x0];
	_ =	sdelay $0x4  }
0x1c: {  	v4 =	vshrl.u32 v3, $0x3  }
0x1d: {  	v4 =	vmul.u32 $0x30, v4  }
0x1e: {  	v3 =	vand.u32 $0x7, v3  }
0x1f: {  	v3 =	vor.u32 v3, v4  }
0x20: {  	v4 =	vperm.xlane v3, v0;
	_ =	sdelay $0x1  }
0x21: {  	v4 =	vadd.s32 v1, v4;
	_ =	sdelay $0x3  }
0x22: {  	v3 =	vperm.xlane v3, v2  }
0x23: {  	[hbm4b:s3+s2] =	stream.indirect_vreg.scatter [tilespmem:s10], [sflag:$0x1], $0x80, v4, vm0, $0xb8;
	[tilespmem:$0x6100] =	vst v63  }
0x24: {  	v3 =	vadd.s32 v1, v3  }
0x25: {  	[hbm4b:s7+s2] =	stream.indirect_vreg.scatter [tilespmem:s13], [sflag:$0x1], $0x80, v4, vm0, $0xb8;
	[tilespmem:$0x6100] =	vst v63  }
0x26: {  	_ = 	snop  }
0x27: {  	[hbm4b:s8+s2] =	stream.indirect_vreg.scatter [tilespmem:s14], [sflag:$0x1], $0x80, v4, vm0, $0xb8;
	[tilespmem:$0x6100] =	vst v63  }
0x28: {  	_ = 	snop  }
0x29: {  	[hbm4b:s3+s2] =	stream.indirect_vreg.scatter [tilespmem:s15], [sflag:$0x1], $0x80, v3, vm0, $0xb8;
	[tilespmem:$0x6100] =	vst v63  }
0x2a: {  	_ = 	snop  }
0x2b: {  	[hbm4b:s7+s2] =	stream.indirect_vreg.scatter [tilespmem:s16], [sflag:$0x1], $0x80, v3, vm0, $0xb8;
	[tilespmem:$0x6100] =	vst v63  }
0x2c: {  	_ = 	snop  }
0x2d: {  	[hbm4b:s8+s2] =	stream.indirect_vreg.scatter [tilespmem:s17], [sflag:$0x1], $0x80, v3, vm0, $0xb8;
	[tilespmem:$0x6100] =	vst v63  }
0x2e: {  	v3 =	vld [tilespmem:$0x10];
	_ =	sdelay $0x4  }
0x2f: {  	v61 =	vshrl.u32 v3, $0x3  }
0x30: {  	v4 =	vmul.u32 $0x30, v61  }
0x31: {  	v3 =	vand.u32 $0x7, v3  }
0x32: {  	v3 =	vor.u32 v3, v4  }
0x33: {  	v4 =	vperm.xlane v3, v0;
	_ =	sdelay $0x1  }
0x34: {  	v4 =	vadd.s32 v1, v4;
	_ =	sdelay $0x3  }
0x35: {  	v3 =	vperm.xlane v3, v2  }
0x36: {  	[hbm4b:s3+s2] =	stream.indirect_vreg.scatter [tilespmem:s18], [sflag:$0x1], $0x80, v4, vm0, $0xb8;
	[tilespmem:$0x6100] =	vst v63  }
0x37: {  	v3 =	vadd.s32 v1, v3  }
0x38: {  	[hbm4b:s7+s2] =	stream.indirect_vreg.scatter [tilespmem:s19], [sflag:$0x1], $0x80, v4, vm0, $0xb8;
	[tilespmem:$0x6100] =	vst v63  }
0x39: {  	_ = 	snop  }
0x3a: {  	[hbm4b:s8+s2] =	stream.indirect_vreg.scatter [tilespmem:s20], [sflag:$0x1], $0x80, v4, vm0, $0xb8;
	[tilespmem:$0x6100] =	vst v63  }
0x3b: {  	_ = 	snop  }
0x3c: {  	[hbm4b:s3+s2] =	stream.indirect_vreg.scatter [tilespmem:s21], [sflag:$0x1], $0x80, v3, vm0, $0xb8;
	[tilespmem:$0x6100] =	vst v63  }
0x3d: {  	_ = 	snop  }
0x3e: {  	[hbm4b:s7+s2] =	stream.indirect_vreg.scatter [tilespmem:s22], [sflag:$0x1], $0x80, v3, vm0, $0xb8;
	[tilespmem:$0x6100] =	vst v63  }
0x3f: {  	_ = 	snop  }
0x40: {  	[hbm4b:s8+s2] =	stream.indirect_vreg.scatter [tilespmem:s23], [sflag:$0x1], $0x80, v3, vm0, $0xb8;
	[tilespmem:$0x6100] =	vst v63  }
0x41: {  	_ =	swait.ge [sflag:s24], $0x6000  }
0x42: {  	[sflag:s24] =	ssyncset.done $0x0  }
0x43: {  	[sflag:s24] =	ssyncadd.s32 $0xFFFFA000  }
0x44: {  	v3 =	vld [tilespmem:$0x80];
	_ =	sdelay $0x4  }
0x45: {  	v62 =	vshrl.u32 v3, $0x3  }
0x46: {  	v4 =	vmul.u32 $0x30, v62  }
0x47: {  	v3 =	vand.u32 $0x7, v3  }
0x48: {  	v3 =	vor.u32 v3, v4  }
0x49: {  	v4 =	vperm.xlane v3, v0;
	_ =	sdelay $0x1  }
0x4a: {  	v4 =	vadd.s32 v1, v4;
	_ =	sdelay $0x3  }
0x4b: {  	v3 =	vperm.xlane v3, v2  }
0x4c: {  	[hbm4b:s3+s2] =	stream.indirect_vreg.scatter [tilespmem:s10], [sflag:$0x1], $0x80, v4, vm0, $0xb8;
	[tilespmem:$0x6100] =	vst v63  }
0x4d: {  	v3 =	vadd.s32 v1, v3  }
0x4e: {  	[hbm4b:s7+s2] =	stream.indirect_vreg.scatter [tilespmem:s13], [sflag:$0x1], $0x80, v4, vm0, $0xb8;
	[tilespmem:$0x6100] =	vst v63  }
0x4f: {  	_ = 	snop  }
0x50: {  	[hbm4b:s8+s2] =	stream.indirect_vreg.scatter [tilespmem:s14], [sflag:$0x1], $0x80, v4, vm0, $0xb8;
	[tilespmem:$0x6100] =	vst v63  }
0x51: {  	_ = 	snop  }
0x52: {  	[hbm4b:s3+s2] =	stream.indirect_vreg.scatter [tilespmem:s15], [sflag:$0x1], $0x80, v3, vm0, $0xb8;
	[tilespmem:$0x6100] =	vst v63  }
0x53: {  	_ = 	snop  }
0x54: {  	[hbm4b:s7+s2] =	stream.indirect_vreg.scatter [tilespmem:s16], [sflag:$0x1], $0x80, v3, vm0, $0xb8;
	[tilespmem:$0x6100] =	vst v63  }
0x55: {  	_ = 	snop  }
0x56: {  	[hbm4b:s8+s2] =	stream.indirect_vreg.scatter [tilespmem:s17], [sflag:$0x1], $0x80, v3, vm0, $0xb8;
	[tilespmem:$0x6100] =	vst v63  }
0x57: {  	v3 =	vld [tilespmem:$0x90];
	_ =	sdelay $0x4  }
0x58: {  	v63 =	vshrl.u32 v3, $0x3  }
0x59: {  	v4 =	vmul.u32 $0x30, v63  }
0x5a: {  	v3 =	vand.u32 $0x7, v3  }
0x5b: {  	v3 =	vor.u32 v3, v4  }
0x5c: {  	v4 =	vperm.xlane v3, v0;
	_ =	sdelay $0x1  }
0x5d: {  	v4 =	vadd.s32 v1, v4;
	_ =	sdelay $0x3  }
0x5e: {  	v3 =	vperm.xlane v3, v2  }
0x5f: {  	[hbm4b:s3+s2] =	stream.indirect_vreg.scatter [tilespmem:s18], [sflag:$0x1], $0x80, v4, vm0, $0xb8;
	[tilespmem:$0x6100] =	vst v63  }
0x60: {  	v3 =	vadd.s32 v1, v3  }
0x61: {  	[hbm4b:s7+s2] =	stream.indirect_vreg.scatter [tilespmem:s19], [sflag:$0x1], $0x80, v4, vm0, $0xb8;
	[tilespmem:$0x6100] =	vst v63  }
0x62: {  	_ = 	snop  }
0x63: {  	[hbm4b:s8+s2] =	stream.indirect_vreg.scatter [tilespmem:s20], [sflag:$0x1], $0x80, v4, vm0, $0xb8;
	[tilespmem:$0x6100] =	vst v63  }
0x64: {  	_ = 	snop  }
0x65: {  	[hbm4b:s3+s2] =	stream.indirect_vreg.scatter [tilespmem:s21], [sflag:$0x1], $0x80, v3, vm0, $0xb8;
	[tilespmem:$0x6100] =	vst v63  }
0x66: {  	p0 =	sne.s32 s9, $0x1  }
0x67: {  	[hbm4b:s7+s2] =	stream.indirect_vreg.scatter [tilespmem:s22], [sflag:$0x1], $0x80, v3, vm0, $0xb8;
	[tilespmem:$0x6100] =	vst v63  }
.Ltmp0:
0x68: {  	_ = 	snop;
	(pc) =	sbr.rel @p0 .LBB2_1-.Ltmp0, $4  }
0x69: {  	[hbm4b:s8+s2] =	stream.indirect_vreg.scatter [tilespmem:s23], [sflag:$0x1], $0x80, v3, vm0, $0xb8;
	[tilespmem:$0x6100] =	vst v63  }
0x6a: {  	_ =	swait.ge [sflag:s24], $0x6000  }
0x6b: {  	[sflag:s24] =	ssyncset.done $0x0  }
0x6c: {  	s9 =	sadd.s32 $0xFFFFFFFF, s9;
	[sflag:s24] =	ssyncadd.s32 $0xFFFFA000  }
0x6d: {  	_ =	sfence.sel $0x180000  }
0x6e: {  	[bflag:$0x0] =	sbarrier.arrive $0xFFFF  }
0x6f: {  	p0 =	sne.s32 s1, $0x0;
	_ =	strace $0x90000047  }
0x70: {  	s0 =	sadd.s32 @!p0 $0x100000, s0;
	[bflag:$0x2] =	sbarrier.arrive $0xFFFF  }
0x71: {  	[sflag:s0] =	ssyncadd.tile.s32 @!p0 $0x1;
	_ =	shalt  }
.Lfunc_end2:
_tile_overlayer_lowered:
.L_overlay_start_2:
0x72: {  	(tag) =	ssettag $0x2  }
0x73: {  	s0 =	rddreg [dreg:$0x0];
	s2 =	stileid.u32  }
0x74: {  	s1 =	rddreg [dreg:$0x1];
	p0 =	sne.s32 s2, $0x0  }
0x75: {  	s3 =	rddreg [dreg:$0x2];
	[bflag:$0x3] =	sbarrier.arrive $0xFFFF;
	s2 =	simm.s32 @!p0 $0x1C02  }
0x76: {  	[timem:s3], [sflag:s2] =	dma.local @!p0 [hbm:s0], s1  }
0x77: {  	s0 =	simm.s32 @!p0 $0x2  }
0x78: {  	_ =	swait.ge @!p0 [sflag:s0], s1  }
0x79: {  	s1 =	ssub.s32 @!p0 $0x0, s1;
	[sflag:s0] =	ssyncset.done @!p0 $0x0  }
0x7a: {  	[sflag:s0] =	ssyncadd.s32 @!p0 s1  }
0x7b: {  	[bflag:$0x3] =	sbarrier.arrive $0xFFFF  }
0x7c: {  	_ =	shalt  }

// kernel: kernel.9.cloned.1.call-start
scs
__scs_entry_jumppad:
0x0: {  	(pc) =	sbr.rel $0x88, $3  }
0x1: {  	(tag) =	ssettag $0x0;
	lr =	simm.s32 $0x1  }
0x2: {  	[smem:$0x3F9A] =	sst lr;
	_ =	strace $0xD0000000  }
0x3: {  	_ = 	snop  }
0x4: {  	_ = 	snop  }
0x5: {  	_ = 	snop  }
0x6: {  	_ = 	snop  }
0x7: {  	_ = 	snop  }
__scs_overlays_trampoline_lowered:
0x8: {  	[smem:$0x3FA9] =	sst s0  }
0x9: {  	[smem:$0x3FAA] =	sst s1  }
0xa: {  	[smem:$0x3FAB] =	sst s2  }
0xb: {  	[smem:$0x3FAC] =	sst s3  }
0xc: {  	[smem:$0x3FAD] =	sst s4  }
0xd: {  	[smem:$0x3FAE] =	sst s5  }
0xe: {  	[smem:$0x3FAF] =	sst s6  }
0xf: {  	[smem:$0x3FB0] =	sst s7  }
0x10: {  	[smem:$0x3FB1] =	sst s8  }
0x11: {  	[smem:$0x3FB2] =	sst s9;
	s0 =	simm.s32 @!p0 $0x0  }
0x12: {  	s1 =	sld [smem:$0x3F98];
	s0 =	simm.s32 @p0 $0x1  }
0x13: {  	[smem:$0x3FB3] =	sst s0;
	s0 =	simm.s32 @!p1 $0x0  }
0x14: {  	s2 =	sld [smem:$0x3F97];
	s0 =	simm.s32 @p1 $0x1  }
0x15: {  	[smem:$0x3FB4] =	sst s0;
	s0 =	simm.s32 @!p2 $0x0  }
0x16: {  	s3 =	sld [smem:$0x3FDB];
	s0 =	simm.s32 @p2 $0x1  }
0x17: {  	s4 =	simm.s32 $0x1BF5;
	[smem:$0x3FB6] =	sst s0  }
0x18: {  	s0 =	sld [smem:$0x3F99];
	_ =	swait.ge [sflag:s4], $0x0  }
0x19: {  	s7 =	sld [smem:$0x3F9A]  }
0x1a: {  	s8 =	sadd.s32 $0xFFFFE003, lr  }
0x1b: {  	s9 =	sadd.s32 $0xFFFFFEF7, lr;
	s5 =	simm.s32 $0xFFFFFFFF;
	p2 =	slt.u32 s8, $0xFFFFF086  }
0x1c: {  	p1 =	slt.u32 s9, $0xF7A;
	s5 =	simm.s32 @!p2 $0x0  }
0x1d: {  	s5 =	simm.s32 @p1 $0x1;
	p0 =	seq.s32 s7, s2  }
0x1e: {  	s7 =	smul.u32 @!p0 $0xF7A, s2;
	p2 =	seq.s32 @!p0 s5, $0x0  }
0x1f: {  	s9 =	smul.u32 $0xF7A, s1;
	s8 =	simm.s32 @!p0 $0x1BF5;
	p2 =	por !p2, p0  }
0x20: {  	[sflag:s8] =	ssyncset.s32 @!p0 $0xFFFFF086;
	s6 =	sadd.s32 @!p0 s3, s7;
	s7 =	simm.s32 @!p0 $0x108  }
0x21: {  	s3 =	sadd.s32 s3, s9;
	s6 =	sadd.s32 @!p0 $0x88, s6;
	s7 =	simm.s32 @p2 $0x1082  }
0x22: {  	[simem:s7], [sflag:s8] =	dma.local @!p0 [hbm:s6], $0xF7A  }
0x23: {  	s9 =	sor.u32 $0xD0000000, s2;
	s6 =	simm.s32 $0x108;
	_ =	swait.ge @!p0 [sflag:s8], $0x0  }
0x24: {  	s3 =	sadd.s32 $0x88, s3;
	s6 =	simm.s32 @!p1 $0x1082;
	[sflag:s4] =	ssyncset.s32 $0xFFFFF086  }
0x25: {  	[simem:s6], [sflag:s4] =	dma.local [hbm:s3], $0xF7A  }
0x26: {  	[smem:$0x3F9A] =	sst s1;
	(tag) =	ssettag s2;
	_ =	strace s9  }
0x27: {  	s1 =	sld [smem:$0x3FAA]  }
0x28: {  	s2 =	sld [smem:$0x3FAB]  }
0x29: {  	s4 =	sld [smem:$0x3FAD]  }
0x2a: {  	p0 =	seq.s32 s5, $0x0;
	s5 =	sld [smem:$0x3FAE]  }
0x2b: {  	s6 =	sld [smem:$0x3FAF]  }
0x2c: {  	s7 =	sld [smem:$0x3FB0]  }
0x2d: {  	s3 =	simm.s32 $0x108;
	s8 =	sld [smem:$0x3FB1]  }
0x2e: {  	s3 =	simm.s32 @!p0 $0x1082;
	s9 =	sld [smem:$0x3FB2]  }
0x2f: {  	lr =	sadd.s32 s0, s3;
	s0 =	sld [smem:$0x3FA9]  }
0x30: {  	s3 =	sld [smem:$0x3FAC]  }
0x31: {  	[smem:$0x3FB5] =	sst s10  }
0x32: {  	s10 =	sld [smem:$0x3FB3];
	_ =	sdelay $0x3  }
0x33: {  	p0 =	seq.s32 s10, $0x1;
	s10 =	sld [smem:$0x3FB5];
	_ =	sdelay $0x3  }
0x34: {  	[smem:$0x3FB5] =	sst s10  }
0x35: {  	s10 =	sld [smem:$0x3FB4];
	_ =	sdelay $0x3  }
0x36: {  	p1 =	seq.s32 s10, $0x1;
	s10 =	sld [smem:$0x3FB5];
	_ =	sdelay $0x3  }
0x37: {  	[smem:$0x3FB5] =	sst s10  }
0x38: {  	s10 =	sld [smem:$0x3FB6]  }
0x39: {  	_ = 	snop;
	(pc) =	sbr.ind lr, $3  }
0x3a: {  	_ = 	snop  }
0x3b: {  	_ = 	snop  }
0x3c: {  	p2 =	seq.s32 s10, $0x1;
	s10 =	sld [smem:$0x3FB5]  }
0x3d: {  	_ =	shalt  }
0x3e: {  	_ =	shalt  }
0x3f: {  	_ =	shalt  }
0x40: {  	_ =	shalt  }
0x41: {  	_ =	shalt  }
0x42: {  	_ =	shalt  }
0x43: {  	_ =	shalt  }
0x44: {  	_ =	shalt  }
0x45: {  	_ =	shalt  }
0x46: {  	_ =	shalt  }
0x47: {  	_ =	shalt  }
0x48: {  	_ =	shalt  }
0x49: {  	_ =	shalt  }
0x4a: {  	_ =	shalt  }
0x4b: {  	_ =	shalt  }
0x4c: {  	_ =	shalt  }
0x4d: {  	_ =	shalt  }
0x4e: {  	_ =	shalt  }
0x4f: {  	_ =	shalt  }
0x50: {  	_ =	shalt  }
0x51: {  	_ =	shalt  }
0x52: {  	_ =	shalt  }
0x53: {  	_ =	shalt  }
0x54: {  	_ =	shalt  }
0x55: {  	_ =	shalt  }
0x56: {  	_ =	shalt  }
0x57: {  	_ =	shalt  }
0x58: {  	_ =	shalt  }
0x59: {  	_ =	shalt  }
0x5a: {  	_ =	shalt  }
0x5b: {  	_ =	shalt  }
0x5c: {  	_ =	shalt  }
0x5d: {  	_ =	shalt  }
0x5e: {  	_ =	shalt  }
0x5f: {  	_ =	shalt  }
0x60: {  	_ =	shalt  }
0x61: {  	_ =	shalt  }
0x62: {  	_ =	shalt  }
0x63: {  	_ =	shalt  }
0x64: {  	_ =	shalt  }
0x65: {  	_ =	shalt  }
0x66: {  	_ =	shalt  }
0x67: {  	_ =	shalt  }
0x68: {  	_ =	shalt  }
0x69: {  	_ =	shalt  }
0x6a: {  	_ =	shalt  }
0x6b: {  	_ =	shalt  }
0x6c: {  	_ =	shalt  }
0x6d: {  	_ =	shalt  }
0x6e: {  	_ =	shalt  }
0x6f: {  	_ =	shalt  }
0x70: {  	_ =	shalt  }
0x71: {  	_ =	shalt  }
0x72: {  	_ =	shalt  }
0x73: {  	_ =	shalt  }
0x74: {  	_ =	shalt  }
0x75: {  	_ =	shalt  }
0x76: {  	_ =	shalt  }
0x77: {  	_ =	shalt  }
0x78: {  	_ =	shalt  }
0x79: {  	_ =	shalt  }
0x7a: {  	_ =	shalt  }
0x7b: {  	_ =	shalt  }
0x7c: {  	_ =	shalt  }
0x7d: {  	_ =	shalt  }
0x7e: {  	_ =	shalt  }
0x7f: {  	_ =	shalt  }
0x80: {  	_ =	shalt  }
0x81: {  	_ =	shalt  }
0x82: {  	_ =	shalt  }
0x83: {  	_ =	shalt  }
0x84: {  	_ =	shalt  }
0x85: {  	_ =	shalt  }
0x86: {  	_ =	shalt  }
0x87: {  	_ =	shalt  }
.Lfunc_end0:
.L_simem_size_0:
called_computation.1_lowered:
.L_overlay_start_0:
0x88: {  	s2 =	sld [smem:$0x3FD9]  }
0x89: {  	s3 =	sld [smem:$0x3FFE];
	_ =	sdelay $0x1  }
0x8a: {  	s1 =	srdreg.scid  }
0x8b: {  	s0 =	sand.u32 $0x1, s1  }
0x8c: {  	s17 =	sshll.u32 s0, $0xA;
	s2 =	sadd.s32 s3, s2  }
0x8d: {  	s2 =	sadd.s32 s2, s17  }
0x8e: {  	[smem:$0x3FC1] =	sst s2  }
0x8f: {  	_ = 	snop  }
0x90: {  	s2 =	sld [smem:$0x3FD0];
	(tm) =	ssettm $0x1  }
0x91: {  	s18 =	sld [smem:$0x3FFB];
	_ =	sdelay $0x3  }
0x92: {  	_ =	strace s18  }
0x93: {  	s3 =	sld [smem:$0x3FFC];
	_ =	sdelay $0x3  }
0x94: {  	_ =	strace s3  }
0x95: {  	s3 =	sld [smem:$0x3FFD];
	_ =	sdelay $0x3  }
0x96: {  	_ =	strace s3  }
0x97: {  	_ =	strace $0x8FFFFFFF  }
0x98: {  	s19 =	sld [smem:$0x3FDB];
	_ =	sdelay $0x1  }
0x99: {  	s4 =	simm.s32 $_scs_section_size  }
0x9a: {  	s5 =	simm.s32 $_size__tile_overlayer_lowered;
	s6 =	simm.s32 $_tile_overlayer_lowered  }
0x9b: {  	s22 =	simm.s32 $0x1BFF;
	s21 =	sshll.u32 s6, $0x1;
	s3 =	sadd.s32 s4, s19  }
0x9c: {  	s7 =	simm.s32 $0x0;
	s20 =	sshll.u32 s5, $0x1;
	s5 =	sadd.s32 s21, s3  }
0x9d: {  	[timem:s7], [sflag:s22] =	dma.local [hbm:s5], s20  }
0x9e: {  	_ =	swait.ge [sflag:s22], s20  }
0x9f: {  	s4 =	ssub.s32 $0x0, s20;
	[sflag:s22] =	ssyncset.done $0x0  }
0xa0: {  	[sflag:s22] =	ssyncadd.s32 s4;
	_ =	sdelay $0x1  }
0xa1: {  	s23 =	simm.s32 $0x1B8B  }
0xa2: {  	_ =	swait.ge [sflag:s23], $0x1  }
0xa3: {  	[sflag:s23] =	ssyncset.done $0x0  }
0xa4: {  	s25 =	simm.s32 $0x1B8E;
	s24 =	sld [smem:$0x3FFE];
	[sflag:s23] =	ssyncadd.s32 $0xFFFFFFFF  }
0xa5: {  	s26 =	simm.s32 $execute0_lowered;
	[smem:$0x3FD2] =	sst s25  }
0xa6: {  	s5 =	sshll.u32 s26, $0x1;
	_ =	strace $0x80000049;
	[dreg:$0x1] =	wrdreg $0xFFFFFFFF  }
0xa7: {  	s28 =	simm.s32 $_size_execute0_lowered;
	s3 =	sadd.s32 s3, s5;
	[dreg:$0x0] =	wrdreg $0x0  }
0xa8: {  	s5 =	sshll.u32 s28, $0x1;
	[dreg:$0x2] =	wrdreg s3  }
0xa9: {  	[dreg:$0x3] =	wrdreg s5  }
0xaa: {  	[dreg:$0x4] =	wrdreg $0xC0  }
0xab: {  	_ =	task [dreg:s7], $0x5FFFF  }
0xac: {  	[dreg:$0x1] =	wrdreg $0xFFFFFFFF  }
0xad: {  	[dreg:$0x0] =	wrdreg $0x60  }
0xae: {  	[dreg:$0x2] =	wrdreg s24  }
0xaf: {  	[dreg:$0x3] =	wrdreg s2  }
0xb0: {  	[dreg:$0x4] =	wrdreg $0x9  }
0xb1: {  	_ =	task.clear_ibuf [dreg:s7], $0x5FFFF;
	_ =	strace $0x90000049  }
0xb2: {  	s29 =	simm.s32 $0x9;
	_ =	strace $0x8000004B  }
0xb3: {  	_ =	swait.ge [sflag:s29], $0x1  }
0xb4: {  	[sflag:s29] =	ssyncadd.s32 $0xFFFFFFFF  }
0xb5: {  	_ =	strace $0x9000004B  }
0xb6: {  	_ =	sfence  }
0xb7: {  	s30 =	sld [smem:$0x0];
	_ =	sdelay $0x2  }
0xb8: {  	s31 =	sshll.u32 s1, $0xD;
	s1 =	sshrl.u32 s1, $0x2  }
0xb9: {  	s3 =	sand.u32 $0x4000, s31;
	s1 =	sadd.s32 s1, s30  }
0xba: {  	s0 =	sor.u32 s3, s0;
	s1 =	sshll.u32 s1, $0x11  }
0xbb: {  	s0 =	sor.u32 s1, s0  }
0xbc: {  	s0 =	sadd.s32 $0x8F2B, s0  }
0xbd: {  	[sflag:s0] =	ssyncadd.remote.s32 $0x1  }
0xbe: {  	_ =	sfence.sel $0xFFFF  }
0xbf: {  	[dreg:$0x0] =	wrdreg $0xFFFFFFFF;
	(pc) =	sbr.abs _section_cstart, $3  }
0xc0: {  	[dreg:$0x1] =	wrdreg $0xFFFFFFFF  }
0xc1: {  	_ =	task.clear_ibuf [dreg:s7], $0x2FFFF;
	_ =	strace $0x9FFFFFFF  }
0xc2: {  	(tm) =	ssettm $0x7FFFFFFF  }
0xc3: {  	_ =	shalt  }
tec
execute0_lowered:
.L_overlay_start_1:
0x0: {  	(tag) =	ssettag $0x1  }
0x1: {  	s0 =	rddreg [dreg:$0x0]  }
0x2: {  	s2 =	rddreg [dreg:$0x1];
	s1 =	simm.s32 $0x0;
	s4 =	srdreg.scid  }
0x3: {  	s6 =	stileid.u32;
	s12 =	simm.s32 $0x2;
	s16 =	simm.s32 $0x200  }
0x4: {  	s29 =	simm.s32 $0x6200;
	s30 =	simm.s32 $0x6A00;
	s31 =	simm.s32 $0x7200  }
0x5: {  	s13 =	simm.s32 $0x8A00;
	s14 =	simm.s32 $0x9200;
	s15 =	simm.s32 $0x9A00  }
0x6: {  	s17 =	simm.s32 $0xA200;
	s18 =	simm.s32 $0xAA00;
	s19 =	simm.s32 $0xB200  }
0x7: {  	s20 =	simm.s32 $0xBA00;
	s21 =	simm.s32 $0x1;
	s22 =	simm.s32 $0x0  }
0x8: {  	[smem:$0x7FF] =	sst s1;
	s3 =	sadd.s32 $0x1C00, s0;
	s4 =	sand.u32 $0x1, s4  }
0x9: {  	s6 =	sshll.u32 s6, $0x3;
	s7 =	sadd.s32 $0x1800, s0;
	s5 =	ssub.s32 $0x2, s4  }
0xa: {  	s9 =	sadd.s32 $0x1A00, s0;
	s4 =	sshll.u32 s4, $0x2;
	s8 =	sshrl.u32 s5, $0x1  }
0xb: {  	_ =	strace $0x8000004A;
	s6 =	sor.u32 s4, s6;
	s11 =	ssub.s32 s5, s8  }
0xc: {  	s28 =	sor.u32 $0x80, s6;
	s4 =	sadd.s32 s7, s6;
	s10 =	smul.u32 $0x300, s6  }
0xd: {  	v2 =	vlaneseq.u32;
	s6 =	sadd.s32 s9, s6;
	s8 =	sadd.s32 $0x1D00, s0;
	s5 =	sadd.s32 s7, s28  }
0xe: {  	vm0 =	vmmov $0xffff;
	v1 =	vshrl.u32 v2, $0x3;
	s7 =	sadd.s32 s9, s28;
	s9 =	sadd.s32 $0x1E00, s0;
	s11 =	smax.u32 s11, $0x1  }
0xf: {  	v0 =	vand.u32 $0x7, v2;
	v2 =	vor.u32 $0x8, v2;
	v1 =	vmul.u32 $0x8, v1;
	s0 =	simm.s32 $0x7A00;
	s10 =	sadd.s32 s2, s10;
	s2 =	simm.s32 $0x8200  }
.LBB2_1:
0x10: {  	[tilespmem:s1], [sflag:$0x2] =	stream.linear.gather [hbm4b:s4+s1], $0x20, $0x38;
	[tilespmem:$0xC200] =	vst v63  }
0x11: {  	_ =	swait.ge [sflag:s12], $0x20  }
0x12: {  	[sflag:s12] =	ssyncset.done $0x0  }
0x13: {  	s23 =	simm.s32 $0x80;
	[sflag:s12] =	ssyncadd.s32 $0xFFFFFFE0  }
0x14: {  	[tilespmem:s23], [sflag:$0x2] =	stream.linear.gather [hbm4b:s5+s1], $0x20, $0x38;
	[tilespmem:$0xC200] =	vst v63  }
0x15: {  	_ =	swait.ge [sflag:s12], $0x20  }
0x16: {  	[sflag:s12] =	ssyncset.done $0x0  }
0x17: {  	s26 =	simm.s32 $0x100;
	[sflag:s12] =	ssyncadd.s32 $0xFFFFFFE0  }
0x18: {  	[tilespmem:s26], [sflag:$0x2] =	stream.linear.gather [hbm4b:s6+s1], $0x20, $0x38;
	[tilespmem:$0xC200] =	vst v63  }
0x19: {  	_ =	swait.ge [sflag:s12], $0x20  }
0x1a: {  	[sflag:s12] =	ssyncset.done $0x0  }
0x1b: {  	s28 =	simm.s32 $0x180;
	[sflag:s12] =	ssyncadd.s32 $0xFFFFFFE0  }
0x1c: {  	[tilespmem:s28], [sflag:$0x2] =	stream.linear.gather [hbm4b:s7+s1], $0x20, $0x38;
	[tilespmem:$0xC200] =	vst v63  }
0x1d: {  	_ =	swait.ge [sflag:s12], $0x20  }
0x1e: {  	[sflag:s12] =	ssyncset.done $0x0  }
0x1f: {  	[sflag:s12] =	ssyncadd.s32 $0xFFFFFFE0  }
0x20: {  	v3 =	vld [tilespmem:$0x0];
	_ =	sdelay $0x4  }
0x21: {  	v4 =	vshrl.u32 v3, $0x3  }
0x22: {  	v4 =	vmul.u32 $0x30, v4  }
0x23: {  	v3 =	vand.u32 $0x7, v3  }
0x24: {  	v3 =	vor.u32 v3, v4  }
0x25: {  	v4 =	vperm.xlane v3, v0;
	_ =	sdelay $0x1  }
0x26: {  	v4 =	vadd.s32 v1, v4;
	_ =	sdelay $0x3  }
0x27: {  	v3 =	vperm.xlane v3, v2  }
0x28: {  	[tilespmem:s16], [sflag:$0x1] =	stream.indirect_vreg.gather [hbm4b:s3+s1], $0x80, v4, vm0, $0xb8;
	[tilespmem:$0xC200] =	vst v63  }
0x29: {  	s24 =	simm.s32 $0xA00;
	v3 =	vadd.s32 v1, v3  }
0x2a: {  	[tilespmem:s24], [sflag:$0x1] =	stream.indirect_vreg.gather [hbm4b:s8+s1], $0x80, v4, vm0, $0xb8;
	[tilespmem:$0xC200] =	vst v63  }
0x2b: {  	s25 =	simm.s32 $0x1200  }
0x2c: {  	[tilespmem:s25], [sflag:$0x1] =	stream.indirect_vreg.gather [hbm4b:s9+s1], $0x80, v4, vm0, $0xb8;
	[tilespmem:$0xC200] =	vst v63  }
0x2d: {  	s26 =	simm.s32 $0x1A00  }
0x2e: {  	[tilespmem:s26], [sflag:$0x1] =	stream.indirect_vreg.gather [hbm4b:s3+s1], $0x80, v3, vm0, $0xb8;
	[tilespmem:$0xC200] =	vst v63  }
0x2f: {  	s28 =	simm.s32 $0x2200  }
0x30: {  	[tilespmem:s28], [sflag:$0x1] =	stream.indirect_vreg.gather [hbm4b:s8+s1], $0x80, v3, vm0, $0xb8;
	[tilespmem:$0xC200] =	vst v63  }
0x31: {  	s24 =	simm.s32 $0x2A00  }
0x32: {  	[tilespmem:s24], [sflag:$0x1] =	stream.indirect_vreg.gather [hbm4b:s9+s1], $0x80, v3, vm0, $0xb8;
	[tilespmem:$0xC200] =	vst v63  }
0x33: {  	v3 =	vld [tilespmem:$0x10];
	_ =	sdelay $0x4  }
0x34: {  	v4 =	vshrl.u32 v3, $0x3  }
0x35: {  	v4 =	vmul.u32 $0x30, v4  }
0x36: {  	v3 =	vand.u32 $0x7, v3  }
0x37: {  	v3 =	vor.u32 v3, v4  }
0x38: {  	v4 =	vperm.xlane v3, v0;
	_ =	sdelay $0x1  }
0x39: {  	v4 =	vadd.s32 v1, v4;
	_ =	sdelay $0x3  }
0x3a: {  	s25 =	simm.s32 $0x3200;
	v3 =	vperm.xlane v3, v2  }
0x3b: {  	[tilespmem:s25], [sflag:$0x1] =	stream.indirect_vreg.gather [hbm4b:s3+s1], $0x80, v4, vm0, $0xb8;
	[tilespmem:$0xC200] =	vst v63  }
0x3c: {  	s26 =	simm.s32 $0x3A00;
	v3 =	vadd.s32 v1, v3  }
0x3d: {  	[tilespmem:s26], [sflag:$0x1] =	stream.indirect_vreg.gather [hbm4b:s8+s1], $0x80, v4, vm0, $0xb8;
	[tilespmem:$0xC200] =	vst v63  }
0x3e: {  	s28 =	simm.s32 $0x4200  }
0x3f: {  	[tilespmem:s28], [sflag:$0x1] =	stream.indirect_vreg.gather [hbm4b:s9+s1], $0x80, v4, vm0, $0xb8;
	[tilespmem:$0xC200] =	vst v63  }
0x40: {  	s24 =	simm.s32 $0x4A00  }
0x41: {  	[tilespmem:s24], [sflag:$0x1] =	stream.indirect_vreg.gather [hbm4b:s3+s1], $0x80, v3, vm0, $0xb8;
	[tilespmem:$0xC200] =	vst v63  }
0x42: {  	s25 =	simm.s32 $0x5200  }
0x43: {  	[tilespmem:s25], [sflag:$0x1] =	stream.indirect_vreg.gather [hbm4b:s8+s1], $0x80, v3, vm0, $0xb8;
	[tilespmem:$0xC200] =	vst v63  }
0x44: {  	s26 =	simm.s32 $0x5A00  }
0x45: {  	[tilespmem:s26], [sflag:$0x1] =	stream.indirect_vreg.gather [hbm4b:s9+s1], $0x80, v3, vm0, $0xb8;
	[tilespmem:$0xC200] =	vst v63  }
0x46: {  	v3 =	vld [tilespmem:$0x80];
	_ =	sdelay $0x4  }
0x47: {  	v4 =	vshrl.u32 v3, $0x3  }
0x48: {  	v4 =	vmul.u32 $0x30, v4  }
0x49: {  	v3 =	vand.u32 $0x7, v3  }
0x4a: {  	v3 =	vor.u32 v3, v4  }
0x4b: {  	v4 =	vperm.xlane v3, v0;
	_ =	sdelay $0x1  }
0x4c: {  	v4 =	vadd.s32 v1, v4;
	_ =	sdelay $0x3  }
0x4d: {  	v3 =	vperm.xlane v3, v2  }
0x4e: {  	[tilespmem:s29], [sflag:$0x1] =	stream.indirect_vreg.gather [hbm4b:s3+s1], $0x80, v4, vm0, $0xb8;
	[tilespmem:$0xC200] =	vst v63  }
0x4f: {  	v3 =	vadd.s32 v1, v3  }
0x50: {  	[tilespmem:s30], [sflag:$0x1] =	stream.indirect_vreg.gather [hbm4b:s8+s1], $0x80, v4, vm0, $0xb8;
	[tilespmem:$0xC200] =	vst v63  }
0x51: {  	_ = 	snop  }
0x52: {  	[tilespmem:s31], [sflag:$0x1] =	stream.indirect_vreg.gather [hbm4b:s9+s1], $0x80, v4, vm0, $0xb8;
	[tilespmem:$0xC200] =	vst v63  }
0x53: {  	_ = 	snop  }
0x54: {  	[tilespmem:s0], [sflag:$0x1] =	stream.indirect_vreg.gather [hbm4b:s3+s1], $0x80, v3, vm0, $0xb8;
	[tilespmem:$0xC200] =	vst v63  }
0x55: {  	_ = 	snop  }
0x56: {  	[tilespmem:s2], [sflag:$0x1] =	stream.indirect_vreg.gather [hbm4b:s8+s1], $0x80, v3, vm0, $0xb8;
	[tilespmem:$0xC200] =	vst v63  }
0x57: {  	_ = 	snop  }
0x58: {  	[tilespmem:s13], [sflag:$0x1] =	stream.indirect_vreg.gather [hbm4b:s9+s1], $0x80, v3, vm0, $0xb8;
	[tilespmem:$0xC200] =	vst v63  }
0x59: {  	v3 =	vld [tilespmem:$0x90];
	_ =	sdelay $0x4  }
0x5a: {  	v4 =	vshrl.u32 v3, $0x3  }
0x5b: {  	v4 =	vmul.u32 $0x30, v4  }
0x5c: {  	v3 =	vand.u32 $0x7, v3  }
0x5d: {  	v3 =	vor.u32 v3, v4  }
0x5e: {  	v4 =	vperm.xlane v3, v0;
	_ =	sdelay $0x1  }
0x5f: {  	v4 =	vadd.s32 v1, v4;
	_ =	sdelay $0x3  }
0x60: {  	v3 =	vperm.xlane v3, v2  }
0x61: {  	[tilespmem:s14], [sflag:$0x1] =	stream.indirect_vreg.gather [hbm4b:s3+s1], $0x80, v4, vm0, $0xb8;
	[tilespmem:$0xC200] =	vst v63  }
0x62: {  	v3 =	vadd.s32 v1, v3  }
0x63: {  	[tilespmem:s15], [sflag:$0x1] =	stream.indirect_vreg.gather [hbm4b:s8+s1], $0x80, v4, vm0, $0xb8;
	[tilespmem:$0xC200] =	vst v63  }
0x64: {  	_ = 	snop  }
0x65: {  	[tilespmem:s17], [sflag:$0x1] =	stream.indirect_vreg.gather [hbm4b:s9+s1], $0x80, v4, vm0, $0xb8;
	[tilespmem:$0xC200] =	vst v63  }
0x66: {  	_ = 	snop  }
0x67: {  	[tilespmem:s18], [sflag:$0x1] =	stream.indirect_vreg.gather [hbm4b:s3+s1], $0x80, v3, vm0, $0xb8;
	[tilespmem:$0xC200] =	vst v63  }
0x68: {  	_ = 	snop  }
0x69: {  	[tilespmem:s19], [sflag:$0x1] =	stream.indirect_vreg.gather [hbm4b:s8+s1], $0x80, v3, vm0, $0xb8;
	[tilespmem:$0xC200] =	vst v63  }
0x6a: {  	_ = 	snop  }
0x6b: {  	[tilespmem:s20], [sflag:$0x1] =	stream.indirect_vreg.gather [hbm4b:s9+s1], $0x80, v3, vm0, $0xb8;
	[tilespmem:$0xC200] =	vst v63  }
0x6c: {  	_ =	swait.ge [sflag:s21], $0x6000  }
0x6d: {  	[sflag:s21] =	ssyncset.done $0x0  }
0x6e: {  	[sflag:s21] =	ssyncadd.s32 $0xFFFFA000  }
0x6f: {  	_ =	swait.ge [sflag:s21], $0x6000  }
0x70: {  	s28 =	simm.s32 $0x0;
	[sflag:s21] =	ssyncset.done $0x0  }
0x71: {  	s23 =	smul.u32 $0x1800, s28;
	[sflag:s21] =	ssyncadd.s32 $0xFFFFA000  }
0x72: {  	s24 =	sand.u32 $0x380, s1;
	v3 =	vld [tilespmem:$0x100]  }
0x73: {  	s23 =	sor.u32 s24, s23;
	v4 =	vld [tilespmem:$0x180]  }
0x74: {  	v10 =	vld [tilespmem:s23+$0x6200]  }
0x75: {  	v37 =	vld [tilespmem:s23+$0x6210]  }
0x76: {  	v38 =	vld [tilespmem:s23+$0x6220]  }
0x77: {  	v39 =	vld [tilespmem:s23+$0x6230]  }
0x78: {  	v40 =	vld [tilespmem:s23+$0x6240]  }
0x79: {  	v41 =	vld [tilespmem:s23+$0x6250]  }
0x7a: {  	v42 =	vld [tilespmem:s23+$0x6260]  }
0x7b: {  	v43 =	vld [tilespmem:s23+$0x6270]  }
0x7c: {  	v44 =	vld [tilespmem:s23+$0x6600]  }
0x7d: {  	v45 =	vld [tilespmem:s23+$0x6610]  }
0x7e: {  	v46 =	vld [tilespmem:s23+$0x6620]  }
0x7f: {  	v47 =	vld [tilespmem:s23+$0x6630]  }
0x80: {  	v48 =	vld [tilespmem:s23+$0x6640]  }
0x81: {  	v49 =	vld [tilespmem:s23+$0x6650]  }
0x82: {  	v50 =	vld [tilespmem:s23+$0x6660]  }
0x83: {  	v51 =	vld [tilespmem:s23+$0x6670]  }
0x84: {  	v52 =	vld [tilespmem:s23+$0x6A00]  }
0x85: {  	v53 =	vld [tilespmem:s23+$0x6A10]  }
0x86: {  	v36 =	vld [tilespmem:s23+$0x6A20]  }
0x87: {  	v35 =	vld [tilespmem:s23+$0x6A30]  }
0x88: {  	v34 =	vld [tilespmem:s23+$0x6A40]  }
0x89: {  	v33 =	vld [tilespmem:s23+$0x6A50]  }
0x8a: {  	v32 =	vld [tilespmem:s23+$0x6A60]  }
0x8b: {  	v31 =	vld [tilespmem:s23+$0x6A70]  }
0x8c: {  	v30 =	vld [tilespmem:s23+$0x6E00]  }
0x8d: {  	v29 =	vld [tilespmem:s23+$0x6E10]  }
0x8e: {  	v28 =	vld [tilespmem:s23+$0x6E20]  }
0x8f: {  	v27 =	vld [tilespmem:s23+$0x6E30]  }
0x90: {  	v26 =	vld [tilespmem:s23+$0x6E40]  }
0x91: {  	v25 =	vld [tilespmem:s23+$0x6E50]  }
0x92: {  	v24 =	vld [tilespmem:s23+$0x6E60]  }
0x93: {  	v23 =	vld [tilespmem:s23+$0x6E70]  }
0x94: {  	v22 =	vld [tilespmem:s23+$0x7200]  }
0x95: {  	v21 =	vld [tilespmem:s23+$0x7210]  }
0x96: {  	v20 =	vld [tilespmem:s23+$0x7220]  }
0x97: {  	v19 =	vld [tilespmem:s23+$0x7230]  }
0x98: {  	v18 =	vld [tilespmem:s23+$0x7240]  }
0x99: {  	v17 =	vld [tilespmem:s23+$0x7250]  }
0x9a: {  	v16 =	vld [tilespmem:s23+$0x7260]  }
0x9b: {  	v15 =	vld [tilespmem:s23+$0x7270]  }
0x9c: {  	v14 =	vld [tilespmem:s23+$0x7600]  }
0x9d: {  	v13 =	vld [tilespmem:s23+$0x7610]  }
0x9e: {  	v12 =	vld [tilespmem:s23+$0x7620]  }
0x9f: {  	v11 =	vld [tilespmem:s23+$0x7630]  }
0xa0: {  	v7 =	vmov s1;
	v9 =	vld [tilespmem:s23+$0x7640]  }
0xa1: {  	v7 =	vand.u32 $0xF, v7;
	v54 =	vld [tilespmem:s23+$0x200]  }
0xa2: {  	v8 =	vbroadcast v7, $0x0;
	v55 =	vld [tilespmem:s23+$0x210]  }
0xa3: {  	v56 =	vld [tilespmem:s23+$0x220]  }
0xa4: {  	v57 =	vld [tilespmem:s23+$0x230];
	v7 =	vperm.xlane v3, v8;
	v8 =	vperm.xlane v4, v8  }
0xa5: {  	v58 =	vld [tilespmem:s23+$0x240]  }
0xa6: {  	v59 =	vld [tilespmem:s23+$0x250];
	v54 =	vmul.f32 v54, v7;
	v10 =	vmul.f32 v10, v8  }
0xa7: {  	v6 =	vld [tilespmem:s23+$0x7650];
	v55 =	vmul.f32 v55, v7;
	v37 =	vmul.f32 v37, v8  }
0xa8: {  	v60 =	vld [tilespmem:s23+$0x260];
	v56 =	vmul.f32 v56, v7;
	v38 =	vmul.f32 v38, v8  }
0xa9: {  	v61 =	vld [tilespmem:s23+$0x270];
	v63 =	vmul.f32 v57, v7;
	v39 =	vmul.f32 v39, v8  }
0xaa: {  	v57 =	vld [tilespmem:s23+$0x600];
	v62 =	vmul.f32 v58, v7;
	v40 =	vmul.f32 v40, v8  }
0xab: {  	v5 =	vld [tilespmem:s23+$0x7660];
	v58 =	vmul.f32 v59, v7;
	v41 =	vmul.f32 v41, v8;
	v54 =	vadd.f32 v10, v54  }
0xac: {  	v42 =	vmul.f32 v42, v8;
	v10 =	vld [tilespmem:s23+$0x7670];
	v37 =	vadd.f32 v37, v55;
	v63 =	vadd.f32 v39, v63  }
0xad: {  	v38 =	vadd.f32 v38, v56;
	v55 =	vld [tilespmem:s23+$0x610];
	v59 =	vadd.f32 v40, v62;
	v62 =	vmul.f32 v60, v7;
	[tilespmem:s23+$0x200] =	vst v54  }
0xae: {  	v56 =	vmul.f32 v43, v8;
	[tilespmem:s23+$0x230] =	vst v63;
	v63 =	vadd.f32 v41, v58;
	v54 =	vmul.f32 v61, v7;
	v58 =	vld [tilespmem:s23+$0x620]  }
0xaf: {  	[tilespmem:s23+$0x240] =	vst v59;
	v59 =	vadd.f32 v42, v62;
	v60 =	vmul.f32 v57, v7;
	v57 =	vld [tilespmem:s23+$0x650]  }
0xb0: {  	[tilespmem:s23+$0x250] =	vst v63;
	v62 =	vadd.f32 v56, v54;
	v63 =	vld [tilespmem:s23+$0x630]  }
0xb1: {  	v61 =	vmul.f32 v44, v8;
	[tilespmem:s23+$0x260] =	vst v59;
	v54 =	vld [tilespmem:s23+$0x640];
	v56 =	vmul.f32 v45, v8  }
0xb2: {  	v59 =	vld [tilespmem:s23+$0x660];
	v55 =	vmul.f32 v55, v7;
	[tilespmem:s23+$0x270] =	vst v62;
	v62 =	vmul.f32 v48, v8  }
0xb3: {  	[tilespmem:s23+$0x210] =	vst v37;
	v37 =	vld [tilespmem:s23+$0xA00];
	v40 =	vadd.f32 v61, v60;
	v43 =	vmul.f32 v58, v7;
	v58 =	vmul.f32 v46, v8  }
0xb4: {  	[tilespmem:s23+$0x220] =	vst v38;
	v61 =	vld [tilespmem:s23+$0x670];
	v48 =	vmul.f32 v49, v8;
	v41 =	vadd.f32 v56, v55;
	v42 =	vmul.f32 v57, v7  }
0xb5: {  	v60 =	vmul.f32 v47, v8;
	[tilespmem:s23+$0x600] =	vst v40;
	v40 =	vld [tilespmem:s23+$0xA10];
	v39 =	vmul.f32 v63, v7;
	v43 =	vadd.f32 v58, v43  }
0xb6: {  	v49 =	vld [tilespmem:s23+$0xA40];
	[tilespmem:s23+$0x610] =	vst v41;
	v38 =	vmul.f32 v54, v7;
	v42 =	vadd.f32 v48, v42  }
0xb7: {  	v55 =	vld [tilespmem:s23+$0xA50];
	v44 =	vmul.f32 v59, v7;
	v54 =	vmul.f32 v50, v8;
	v39 =	vadd.f32 v60, v39;
	[tilespmem:s23+$0x620] =	vst v43  }
0xb8: {  	v37 =	vmul.f32 v37, v7;
	v57 =	vld [tilespmem:s23+$0xA60];
	v58 =	vmul.f32 v52, v8;
	v38 =	vadd.f32 v62, v38;
	[tilespmem:s23+$0x650] =	vst v42  }
0xb9: {  	v56 =	vmul.f32 v51, v8;
	v41 =	vld [tilespmem:s23+$0xA20];
	v45 =	vmul.f32 v61, v7;
	v44 =	vadd.f32 v54, v44;
	[tilespmem:s23+$0x630] =	vst v39  }
0xba: {  	v63 =	vld [tilespmem:s23+$0xA30];
	v60 =	vmul.f32 v53, v8;
	v37 =	vadd.f32 v58, v37;
	v40 =	vmul.f32 v40, v7;
	[tilespmem:s23+$0x640] =	vst v38  }
0xbb: {  	v34 =	vmul.f32 v34, v8;
	v59 =	vld [tilespmem:s23+$0xA70];
	v45 =	vadd.f32 v56, v45;
	[tilespmem:s23+$0x660] =	vst v44;
	v39 =	vmul.f32 v49, v7  }
0xbc: {  	v33 =	vmul.f32 v33, v8;
	v61 =	vld [tilespmem:s23+$0xE00];
	[tilespmem:s23+$0xA00] =	vst v37;
	v38 =	vmul.f32 v55, v7;
	v40 =	vadd.f32 v60, v40  }
0xbd: {  	v32 =	vmul.f32 v32, v8;
	v62 =	vld [tilespmem:s23+$0xE10];
	v48 =	vmul.f32 v57, v7;
	[tilespmem:s23+$0x670] =	vst v45;
	v34 =	vadd.f32 v34, v39  }
0xbe: {  	v36 =	vmul.f32 v36, v8;
	v46 =	vld [tilespmem:s23+$0xE30];
	v41 =	vmul.f32 v41, v7;
	v33 =	vadd.f32 v33, v38;
	[tilespmem:s23+$0xA10] =	vst v40  }
0xbf: {  	v35 =	vmul.f32 v35, v8;
	v49 =	vld [tilespmem:s23+$0xE50];
	v43 =	vmul.f32 v63, v7;
	v32 =	vadd.f32 v32, v48;
	[tilespmem:s23+$0xA40] =	vst v34  }
0xc0: {  	v31 =	vmul.f32 v31, v8;
	v47 =	vld [tilespmem:s23+$0xE40];
	v50 =	vmul.f32 v59, v7;
	v36 =	vadd.f32 v36, v41;
	[tilespmem:s23+$0xA50] =	vst v33  }
0xc1: {  	v30 =	vmul.f32 v30, v8;
	v51 =	vld [tilespmem:s23+$0xE60];
	v52 =	vmul.f32 v61, v7;
	v35 =	vadd.f32 v35, v43;
	[tilespmem:s23+$0xA60] =	vst v32  }
0xc2: {  	v29 =	vmul.f32 v29, v8;
	v53 =	vld [tilespmem:s23+$0xE70];
	v31 =	vadd.f32 v31, v50;
	v37 =	vmul.f32 v62, v7;
	[tilespmem:s23+$0xA20] =	vst v36  }
0xc3: {  	v27 =	vmul.f32 v27, v8;
	v54 =	vld [tilespmem:s23+$0x1200];
	v30 =	vadd.f32 v30, v52;
	[tilespmem:s23+$0xA30] =	vst v35;
	v36 =	vmul.f32 v46, v7  }
0xc4: {  	v25 =	vmul.f32 v25, v8;
	v63 =	vld [tilespmem:s23+$0xE20];
	[tilespmem:s23+$0xA70] =	vst v31;
	v29 =	vadd.f32 v29, v37;
	v34 =	vmul.f32 v49, v7  }
0xc5: {  	v26 =	vmul.f32 v26, v8;
	v56 =	vld [tilespmem:s23+$0x1210];
	v35 =	vmul.f32 v47, v7;
	[tilespmem:s23+$0xE00] =	vst v30;
	v27 =	vadd.f32 v27, v36  }
0xc6: {  	v24 =	vmul.f32 v24, v8;
	v57 =	vld [tilespmem:s23+$0x1220];
	v33 =	vmul.f32 v51, v7;
	[tilespmem:s23+$0xE10] =	vst v29;
	v25 =	vadd.f32 v25, v34  }
0xc7: {  	v23 =	vmul.f32 v23, v8;
	v58 =	vld [tilespmem:s23+$0x1230];
	v32 =	vmul.f32 v53, v7;
	v26 =	vadd.f32 v26, v35;
	[tilespmem:s23+$0xE30] =	vst v27  }
0xc8: {  	v60 =	vmul.f32 v22, v8;
	v24 =	vadd.f32 v24, v33;
	v27 =	vld [tilespmem:s23+$0x1240];
	[tilespmem:s23+$0xE50] =	vst v25;
	v25 =	vmul.f32 v54, v7  }
0xc9: {  	v28 =	vmul.f32 v28, v8;
	v55 =	vmul.f32 v63, v7;
	v23 =	vadd.f32 v23, v32;
	[tilespmem:s23+$0xE40] =	vst v26;
	v26 =	vld [tilespmem:s23+$0x1250]  }
0xca: {  	v59 =	vld [tilespmem:s23+$0x1260];
	v61 =	vmul.f32 v21, v8;
	[tilespmem:s23+$0xE60] =	vst v24;
	v24 =	vmul.f32 v56, v7;
	v25 =	vadd.f32 v60, v25  }
0xcb: {  	v22 =	vld [tilespmem:s23+$0x1270];
	v62 =	vmul.f32 v20, v8;
	v28 =	vadd.f32 v28, v55;
	[tilespmem:s23+$0xE70] =	vst v23;
	v23 =	vmul.f32 v57, v7  }
0xcc: {  	v19 =	vmul.f32 v19, v8;
	v21 =	vld [tilespmem:s23+$0x1600];
	v24 =	vadd.f32 v61, v24;
	[tilespmem:s23+$0x1200] =	vst v25;
	v25 =	vmul.f32 v58, v7  }
0xcd: {  	v20 =	vld [tilespmem:s23+$0x1610];
	v63 =	vmul.f32 v18, v8;
	[tilespmem:s23+$0xE20] =	vst v28;
	v23 =	vadd.f32 v62, v23;
	v27 =	vmul.f32 v27, v7  }
0xce: {  	v18 =	vld [tilespmem:s23+$0x1620];
	[tilespmem:s23+$0x1210] =	vst v24;
	v24 =	vadd.f32 v19, v25;
	v19 =	vmul.f32 v26, v7;
	v26 =	vmul.f32 v17, v8  }
0xcf: {  	s24 =	simm.s32 $0x1;
	s25 =	simm.s32 $0x0;
	[tilespmem:s23+$0x1220] =	vst v23;
	v23 =	vmul.f32 v16, v8;
	v16 =	vld [tilespmem:s23+$0x1630];
	v17 =	vmul.f32 v59, v7;
	v25 =	vadd.f32 v63, v27  }
.LBB2_2:
0xd0: {  	s26 =	sshrl.u32 s24, $0x3;
	p0 =	sne.s32 s24, $0xF;
	[tilespmem:s23+$0x1230] =	vst v24;
	v19 =	vadd.f32 v26, v19;
	v22 =	vmul.f32 v22, v7;
	v15 =	vmul.f32 v15, v8;
	v24 =	vld [tilespmem:s23+$0x1640]  }
0xd1: {  	v14 =	vmul.f32 v14, v8;
	s25 =	sadd.s32 $0x80, s25;
	s26 =	smul.u32 $0x1800, s26;
	[tilespmem:s23+$0x1240] =	vst v25;
	v17 =	vadd.f32 v23, v17;
	v21 =	vmul.f32 v21, v7;
	v23 =	vld [tilespmem:s23+$0x1650]  }
0xd2: {  	v13 =	vmul.f32 v13, v8;
	s28 =	sand.u32 $0x380, s25;
	[tilespmem:s23+$0x1250] =	vst v19;
	v15 =	vadd.f32 v15, v22;
	v19 =	vmul.f32 v20, v7;
	v20 =	vld [tilespmem:s23+$0x1660]  }
0xd3: {  	v12 =	vmul.f32 v12, v8;
	s26 =	sor.u32 s28, s26;
	[tilespmem:s23+$0x1260] =	vst v17;
	v14 =	vadd.f32 v14, v21;
	v17 =	vmul.f32 v18, v7;
	v18 =	vld [tilespmem:s23+$0x1670]  }
0xd4: {  	v11 =	vmul.f32 v11, v8;
	v47 =	vld [tilespmem:s26+$0x6200];
	[tilespmem:s23+$0x1270] =	vst v15;
	v13 =	vadd.f32 v13, v19;
	v15 =	vmul.f32 v16, v7  }
0xd5: {  	v9 =	vmul.f32 v9, v8;
	v49 =	vld [tilespmem:s26+$0x6210];
	[tilespmem:s23+$0x1600] =	vst v14;
	v12 =	vadd.f32 v12, v17;
	v14 =	vmul.f32 v24, v7  }
0xd6: {  	v6 =	vmul.f32 v6, v8;
	v51 =	vld [tilespmem:s26+$0x6220];
	[tilespmem:s23+$0x1610] =	vst v13;
	v11 =	vadd.f32 v11, v15;
	v13 =	vmul.f32 v23, v7  }
0xd7: {  	v5 =	vmul.f32 v5, v8;
	v52 =	vld [tilespmem:s26+$0x6230];
	[tilespmem:s23+$0x1620] =	vst v12;
	v9 =	vadd.f32 v9, v14;
	v12 =	vmul.f32 v20, v7  }
0xd8: {  	v8 =	vmul.f32 v10, v8;
	v53 =	vld [tilespmem:s26+$0x6240];
	[tilespmem:s23+$0x1630] =	vst v11;
	v6 =	vadd.f32 v6, v13;
	v7 =	vmul.f32 v18, v7  }
0xd9: {  	v54 =	vld [tilespmem:s26+$0x6250];
	[tilespmem:s23+$0x1640] =	vst v9;
	v5 =	vadd.f32 v5, v12  }
0xda: {  	v50 =	vld [tilespmem:s26+$0x6260];
	[tilespmem:s23+$0x1650] =	vst v6;
	v6 =	vadd.f32 v8, v7  }
0xdb: {  	v48 =	vld [tilespmem:s26+$0x6270];
	[tilespmem:s23+$0x1660] =	vst v5  }
0xdc: {  	v46 =	vld [tilespmem:s26+$0x6600];
	[tilespmem:s23+$0x1670] =	vst v6;
	s23 =	smov.u32 s26  }
0xdd: {  	v45 =	vld [tilespmem:s23+$0x6610]  }
0xde: {  	v44 =	vld [tilespmem:s23+$0x6620]  }
0xdf: {  	v43 =	vld [tilespmem:s23+$0x6630]  }
0xe0: {  	v42 =	vld [tilespmem:s23+$0x6640]  }
0xe1: {  	v41 =	vld [tilespmem:s23+$0x6650]  }
0xe2: {  	v40 =	vld [tilespmem:s23+$0x6660]  }
0xe3: {  	v39 =	vld [tilespmem:s23+$0x6670]  }
0xe4: {  	v38 =	vld [tilespmem:s23+$0x6A00]  }
0xe5: {  	v37 =	vld [tilespmem:s23+$0x6A10]  }
0xe6: {  	v36 =	vld [tilespmem:s23+$0x6A20]  }
0xe7: {  	v35 =	vld [tilespmem:s23+$0x6A30]  }
0xe8: {  	v34 =	vld [tilespmem:s23+$0x6A40]  }
0xe9: {  	v33 =	vld [tilespmem:s23+$0x6A50]  }
0xea: {  	v32 =	vld [tilespmem:s23+$0x6A60]  }
0xeb: {  	v31 =	vld [tilespmem:s23+$0x6A70]  }
0xec: {  	v30 =	vld [tilespmem:s23+$0x6E00]  }
0xed: {  	v29 =	vld [tilespmem:s23+$0x6E10]  }
0xee: {  	v28 =	vld [tilespmem:s23+$0x6E20]  }
0xef: {  	v27 =	vld [tilespmem:s23+$0x6E30]  }
0xf0: {  	v26 =	vld [tilespmem:s23+$0x6E40]  }
0xf1: {  	v25 =	vld [tilespmem:s23+$0x6E50]  }
0xf2: {  	v24 =	vld [tilespmem:s23+$0x6E60]  }
0xf3: {  	v23 =	vld [tilespmem:s23+$0x6E70]  }
0xf4: {  	v22 =	vld [tilespmem:s23+$0x7200]  }
0xf5: {  	v21 =	vld [tilespmem:s23+$0x7210]  }
0xf6: {  	v20 =	vld [tilespmem:s23+$0x7220]  }
0xf7: {  	v19 =	vld [tilespmem:s23+$0x7230]  }
0xf8: {  	v18 =	vld [tilespmem:s23+$0x7240]  }
0xf9: {  	v17 =	vld [tilespmem:s23+$0x7250]  }
0xfa: {  	v16 =	vld [tilespmem:s23+$0x7260]  }
0xfb: {  	v15 =	vld [tilespmem:s23+$0x7270]  }
0xfc: {  	v14 =	vld [tilespmem:s23+$0x7600]  }
0xfd: {  	v13 =	vld [tilespmem:s23+$0x7610]  }
0xfe: {  	v12 =	vld [tilespmem:s23+$0x7620]  }
0xff: {  	v11 =	vld [tilespmem:s23+$0x7630]  }
0x100: {  	v9 =	vld [tilespmem:s23+$0x7640]  }
0x101: {  	v6 =	vld [tilespmem:s23+$0x7650]  }
0x102: {  	v5 =	vld [tilespmem:s23+$0x7660]  }
0x103: {  	v7 =	vmov s24;
	v10 =	vld [tilespmem:s23+$0x7670]  }
0x104: {  	v7 =	vand.u32 $0xF, v7;
	v55 =	vld [tilespmem:s23+$0x200]  }
0x105: {  	v8 =	vbroadcast v7, $0x0;
	v56 =	vld [tilespmem:s23+$0x210]  }
0x106: {  	v57 =	vld [tilespmem:s23+$0x220]  }
0x107: {  	v7 =	vperm.xlane v3, v8;
	v8 =	vperm.xlane v4, v8;
	v58 =	vld [tilespmem:s23+$0x230]  }
0x108: {  	v59 =	vld [tilespmem:s23+$0x240]  }
0x109: {  	v47 =	vmul.f32 v47, v8;
	v55 =	vmul.f32 v55, v7;
	v60 =	vld [tilespmem:s23+$0x250]  }
0x10a: {  	v49 =	vmul.f32 v49, v8;
	v56 =	vmul.f32 v56, v7;
	v61 =	vld [tilespmem:s23+$0x260]  }
0x10b: {  	v51 =	vmul.f32 v51, v8;
	v47 =	vadd.f32 v47, v55;
	v55 =	vmul.f32 v57, v7;
	v57 =	vld [tilespmem:s23+$0x270]  }
0x10c: {  	v52 =	vmul.f32 v52, v8;
	v49 =	vadd.f32 v49, v56;
	v56 =	vmul.f32 v58, v7;
	v58 =	vld [tilespmem:s23+$0x600]  }
0x10d: {  	v53 =	vmul.f32 v53, v8;
	[tilespmem:s23+$0x200] =	vst v47;
	v47 =	vadd.f32 v51, v55;
	v51 =	vmul.f32 v59, v7;
	v55 =	vld [tilespmem:s23+$0x610]  }
0x10e: {  	v54 =	vmul.f32 v54, v8;
	[tilespmem:s23+$0x210] =	vst v49;
	v49 =	vadd.f32 v52, v56;
	v52 =	vmul.f32 v60, v7;
	v56 =	vld [tilespmem:s23+$0x620]  }
0x10f: {  	v50 =	vmul.f32 v50, v8;
	[tilespmem:s23+$0x220] =	vst v47;
	v47 =	vadd.f32 v53, v51;
	v51 =	vmul.f32 v61, v7;
	v53 =	vld [tilespmem:s23+$0x630]  }
0x110: {  	v48 =	vmul.f32 v48, v8;
	[tilespmem:s23+$0x230] =	vst v49;
	v49 =	vadd.f32 v54, v52;
	v52 =	vmul.f32 v57, v7;
	v54 =	vld [tilespmem:s23+$0x640]  }
0x111: {  	v46 =	vmul.f32 v46, v8;
	[tilespmem:s23+$0x240] =	vst v47;
	v47 =	vadd.f32 v50, v51;
	v50 =	vmul.f32 v58, v7;
	v51 =	vld [tilespmem:s23+$0x650]  }
0x112: {  	v45 =	vmul.f32 v45, v8;
	[tilespmem:s23+$0x250] =	vst v49;
	v48 =	vadd.f32 v48, v52;
	v49 =	vmul.f32 v55, v7;
	v52 =	vld [tilespmem:s23+$0x660]  }
0x113: {  	v44 =	vmul.f32 v44, v8;
	[tilespmem:s23+$0x260] =	vst v47;
	v46 =	vadd.f32 v46, v50;
	v47 =	vmul.f32 v56, v7;
	v50 =	vld [tilespmem:s23+$0x670]  }
0x114: {  	v43 =	vmul.f32 v43, v8;
	[tilespmem:s23+$0x270] =	vst v48;
	v45 =	vadd.f32 v45, v49;
	v48 =	vmul.f32 v53, v7;
	v49 =	vld [tilespmem:s23+$0xA00]  }
0x115: {  	v42 =	vmul.f32 v42, v8;
	[tilespmem:s23+$0x600] =	vst v46;
	v44 =	vadd.f32 v44, v47;
	v46 =	vmul.f32 v54, v7;
	v47 =	vld [tilespmem:s23+$0xA10]  }
0x116: {  	v41 =	vmul.f32 v41, v8;
	[tilespmem:s23+$0x610] =	vst v45;
	v43 =	vadd.f32 v43, v48;
	v45 =	vmul.f32 v51, v7;
	v48 =	vld [tilespmem:s23+$0xA20]  }
0x117: {  	v40 =	vmul.f32 v40, v8;
	[tilespmem:s23+$0x620] =	vst v44;
	v42 =	vadd.f32 v42, v46;
	v44 =	vmul.f32 v52, v7;
	v46 =	vld [tilespmem:s23+$0xA30]  }
0x118: {  	v39 =	vmul.f32 v39, v8;
	[tilespmem:s23+$0x630] =	vst v43;
	v41 =	vadd.f32 v41, v45;
	v43 =	vmul.f32 v50, v7;
	v45 =	vld [tilespmem:s23+$0xA40]  }
0x119: {  	v38 =	vmul.f32 v38, v8;
	[tilespmem:s23+$0x640] =	vst v42;
	v40 =	vadd.f32 v40, v44;
	v42 =	vmul.f32 v49, v7;
	v44 =	vld [tilespmem:s23+$0xA50]  }
0x11a: {  	v37 =	vmul.f32 v37, v8;
	[tilespmem:s23+$0x650] =	vst v41;
	v39 =	vadd.f32 v39, v43;
	v41 =	vmul.f32 v47, v7;
	v43 =	vld [tilespmem:s23+$0xA60]  }
0x11b: {  	v36 =	vmul.f32 v36, v8;
	[tilespmem:s23+$0x660] =	vst v40;
	v38 =	vadd.f32 v38, v42;
	v40 =	vmul.f32 v48, v7;
	v42 =	vld [tilespmem:s23+$0xA70]  }
0x11c: {  	v35 =	vmul.f32 v35, v8;
	[tilespmem:s23+$0x670] =	vst v39;
	v37 =	vadd.f32 v37, v41;
	v39 =	vmul.f32 v46, v7;
	v41 =	vld [tilespmem:s23+$0xE00]  }
0x11d: {  	v34 =	vmul.f32 v34, v8;
	[tilespmem:s23+$0xA00] =	vst v38;
	v36 =	vadd.f32 v36, v40;
	v38 =	vmul.f32 v45, v7;
	v40 =	vld [tilespmem:s23+$0xE10]  }
0x11e: {  	v33 =	vmul.f32 v33, v8;
	[tilespmem:s23+$0xA10] =	vst v37;
	v35 =	vadd.f32 v35, v39;
	v37 =	vmul.f32 v44, v7;
	v39 =	vld [tilespmem:s23+$0xE20]  }
0x11f: {  	v32 =	vmul.f32 v32, v8;
	[tilespmem:s23+$0xA20] =	vst v36;
	v34 =	vadd.f32 v34, v38;
	v36 =	vmul.f32 v43, v7;
	v38 =	vld [tilespmem:s23+$0xE30]  }
0x120: {  	v31 =	vmul.f32 v31, v8;
	[tilespmem:s23+$0xA30] =	vst v35;
	v33 =	vadd.f32 v33, v37;
	v35 =	vmul.f32 v42, v7;
	v37 =	vld [tilespmem:s23+$0xE40]  }
0x121: {  	v30 =	vmul.f32 v30, v8;
	[tilespmem:s23+$0xA40] =	vst v34;
	v32 =	vadd.f32 v32, v36;
	v34 =	vmul.f32 v41, v7;
	v36 =	vld [tilespmem:s23+$0xE50]  }
0x122: {  	v29 =	vmul.f32 v29, v8;
	[tilespmem:s23+$0xA50] =	vst v33;
	v31 =	vadd.f32 v31, v35;
	v33 =	vmul.f32 v40, v7;
	v35 =	vld [tilespmem:s23+$0xE60]  }
0x123: {  	v28 =	vmul.f32 v28, v8;
	[tilespmem:s23+$0xA60] =	vst v32;
	v30 =	vadd.f32 v30, v34;
	v32 =	vmul.f32 v39, v7;
	v34 =	vld [tilespmem:s23+$0xE70]  }
0x124: {  	v27 =	vmul.f32 v27, v8;
	[tilespmem:s23+$0xA70] =	vst v31;
	v29 =	vadd.f32 v29, v33;
	v31 =	vmul.f32 v38, v7;
	v33 =	vld [tilespmem:s23+$0x1200]  }
0x125: {  	v26 =	vmul.f32 v26, v8;
	[tilespmem:s23+$0xE00] =	vst v30;
	v28 =	vadd.f32 v28, v32;
	v30 =	vmul.f32 v37, v7;
	v32 =	vld [tilespmem:s23+$0x1210]  }
0x126: {  	v25 =	vmul.f32 v25, v8;
	[tilespmem:s23+$0xE10] =	vst v29;
	v27 =	vadd.f32 v27, v31;
	v29 =	vmul.f32 v36, v7;
	v31 =	vld [tilespmem:s23+$0x1220]  }
0x127: {  	v24 =	vmul.f32 v24, v8;
	[tilespmem:s23+$0xE20] =	vst v28;
	v26 =	vadd.f32 v26, v30;
	v28 =	vmul.f32 v35, v7;
	v30 =	vld [tilespmem:s23+$0x1230]  }
0x128: {  	v23 =	vmul.f32 v23, v8;
	[tilespmem:s23+$0xE30] =	vst v27;
	v25 =	vadd.f32 v25, v29;
	v27 =	vmul.f32 v34, v7;
	v29 =	vld [tilespmem:s23+$0x1240]  }
0x129: {  	v22 =	vmul.f32 v22, v8;
	[tilespmem:s23+$0xE40] =	vst v26;
	v24 =	vadd.f32 v24, v28;
	v26 =	vmul.f32 v33, v7;
	v28 =	vld [tilespmem:s23+$0x1250]  }
0x12a: {  	v21 =	vmul.f32 v21, v8;
	[tilespmem:s23+$0xE50] =	vst v25;
	v23 =	vadd.f32 v23, v27;
	v25 =	vmul.f32 v32, v7;
	v27 =	vld [tilespmem:s23+$0x1260]  }
.Ltmp0:
0x12b: {  	v20 =	vmul.f32 v20, v8;
	[tilespmem:s23+$0xE60] =	vst v24;
	v24 =	vadd.f32 v22, v26;
	v26 =	vmul.f32 v31, v7;
	v22 =	vld [tilespmem:s23+$0x1270];
	(pc) =	sbr.rel @p0 .LBB2_2-.Ltmp0, $4  }
0x12c: {  	v19 =	vmul.f32 v19, v8;
	[tilespmem:s23+$0xE70] =	vst v23;
	v23 =	vadd.f32 v21, v25;
	v25 =	vmul.f32 v30, v7;
	v21 =	vld [tilespmem:s23+$0x1600]  }
0x12d: {  	v31 =	vmul.f32 v18, v8;
	[tilespmem:s23+$0x1200] =	vst v24;
	v30 =	vadd.f32 v20, v26;
	v29 =	vmul.f32 v29, v7;
	v20 =	vld [tilespmem:s23+$0x1610]  }
0x12e: {  	v26 =	vmul.f32 v17, v8;
	[tilespmem:s23+$0x1210] =	vst v23;
	v24 =	vadd.f32 v19, v25;
	v19 =	vmul.f32 v28, v7;
	v18 =	vld [tilespmem:s23+$0x1620]  }
0x12f: {  	s24 =	sadd.s32 $0x1, s24;
	v23 =	vmul.f32 v16, v8;
	[tilespmem:s23+$0x1220] =	vst v30;
	v25 =	vadd.f32 v31, v29;
	v17 =	vmul.f32 v27, v7;
	v16 =	vld [tilespmem:s23+$0x1630]  }
0x130: {  	v4 =	vadd.f32 v26, v19  }
0x131: {  	[tilespmem:s23+$0x1230] =	vst v24;
	v3 =	vld [tilespmem:s23+$0x1640];
	v22 =	vmul.f32 v22, v7;
	v15 =	vmul.f32 v15, v8  }
0x132: {  	v57 =	vld [tilespmem:s23+$0x1650];
	v14 =	vmul.f32 v14, v8;
	v17 =	vadd.f32 v23, v17;
	[tilespmem:s23+$0x1250] =	vst v4;
	v4 =	vmul.f32 v21, v7  }
0x133: {  	v58 =	vld [tilespmem:s23+$0x1660];
	v13 =	vmul.f32 v13, v8;
	[tilespmem:s23+$0x1240] =	vst v25;
	v15 =	vadd.f32 v15, v22;
	v20 =	vmul.f32 v20, v7  }
0x134: {  	v12 =	vmul.f32 v12, v8;
	v60 =	vld [tilespmem:s23+$0x1670];
	[tilespmem:s23+$0x1260] =	vst v17;
	v59 =	vmul.f32 v18, v7;
	v4 =	vadd.f32 v14, v4  }
0x135: {  	v11 =	vmul.f32 v11, v8;
	[tilespmem:s23+$0x1270] =	vst v15;
	v13 =	vadd.f32 v13, v20;
	v61 =	vmul.f32 v16, v7  }
0x136: {  	v9 =	vmul.f32 v9, v8;
	v3 =	vmul.f32 v3, v7;
	[tilespmem:s23+$0x1600] =	vst v4;
	v4 =	vadd.f32 v12, v59  }
0x137: {  	v6 =	vmul.f32 v6, v8;
	v62 =	vmul.f32 v57, v7;
	[tilespmem:s23+$0x1610] =	vst v13;
	v11 =	vadd.f32 v11, v61  }
0x138: {  	v5 =	vmul.f32 v5, v8;
	v3 =	vadd.f32 v9, v3;
	[tilespmem:s23+$0x1620] =	vst v4;
	v4 =	vmul.f32 v58, v7  }
0x139: {  	v63 =	vmul.f32 v10, v8;
	v6 =	vadd.f32 v6, v62;
	[tilespmem:s23+$0x1630] =	vst v11;
	v7 =	vmul.f32 v60, v7  }
0x13a: {  	[tilespmem:s23+$0x1640] =	vst v3;
	v3 =	vadd.f32 v5, v4  }
0x13b: {  	[tilespmem:s23+$0x1650] =	vst v6;
	v4 =	vadd.f32 v63, v7  }
0x13c: {  	[tilespmem:s23+$0x1660] =	vst v3  }
0x13d: {  	[tilespmem:s23+$0x1670] =	vst v4  }
0x13e: {  	v3 =	vld [tilespmem:$0x110]  }
0x13f: {  	s24 =	simm.s32 $0x0;
	s23 =	simm.s32 $0x0;
	v4 =	vld [tilespmem:$0x190]  }
.LBB2_4:
0x140: {  	s25 =	sshrl.u32 s24, $0x3  }
0x141: {  	s26 =	smul.u32 $0x1800, s25  }
0x142: {  	s28 =	sand.u32 $0x380, s23  }
0x143: {  	s25 =	sor.u32 s28, s26  }
0x144: {  	v7 =	vld [tilespmem:s25+$0x3200]  }
0x145: {  	v8 =	vld [tilespmem:s25+$0x9200]  }
0x146: {  	v9 =	vld [tilespmem:s25+$0x3210]  }
0x147: {  	v10 =	vld [tilespmem:s25+$0x9210]  }
0x148: {  	v11 =	vld [tilespmem:s25+$0x3220]  }
0x149: {  	v12 =	vld [tilespmem:s25+$0x9220]  }
0x14a: {  	v13 =	vld [tilespmem:s25+$0x3230]  }
0x14b: {  	v14 =	vld [tilespmem:s25+$0x9230]  }
0x14c: {  	v15 =	vld [tilespmem:s25+$0x3240]  }
0x14d: {  	v16 =	vld [tilespmem:s25+$0x9240]  }
0x14e: {  	v17 =	vld [tilespmem:s25+$0x3250]  }
0x14f: {  	v18 =	vld [tilespmem:s25+$0x9250]  }
0x150: {  	v19 =	vld [tilespmem:s25+$0x3260]  }
0x151: {  	v20 =	vld [tilespmem:s25+$0x9260]  }
0x152: {  	v21 =	vld [tilespmem:s25+$0x3270]  }
0x153: {  	v22 =	vld [tilespmem:s25+$0x9270]  }
0x154: {  	v23 =	vld [tilespmem:s25+$0x3600]  }
0x155: {  	v24 =	vld [tilespmem:s25+$0x9600]  }
0x156: {  	v25 =	vld [tilespmem:s25+$0x3610]  }
0x157: {  	v26 =	vld [tilespmem:s25+$0x9610]  }
0x158: {  	v27 =	vld [tilespmem:s25+$0x3620]  }
0x159: {  	v28 =	vld [tilespmem:s25+$0x9620]  }
0x15a: {  	v29 =	vld [tilespmem:s25+$0x3630]  }
0x15b: {  	v30 =	vld [tilespmem:s25+$0x9630]  }
0x15c: {  	v31 =	vld [tilespmem:s25+$0x3640]  }
0x15d: {  	v32 =	vld [tilespmem:s25+$0x9640]  }
0x15e: {  	v33 =	vld [tilespmem:s25+$0x3650]  }
0x15f: {  	v34 =	vld [tilespmem:s25+$0x9650]  }
0x160: {  	v35 =	vld [tilespmem:s25+$0x3660]  }
0x161: {  	v36 =	vld [tilespmem:s25+$0x9660]  }
0x162: {  	v37 =	vld [tilespmem:s25+$0x3670]  }
0x163: {  	v38 =	vld [tilespmem:s25+$0x9670]  }
0x164: {  	v39 =	vld [tilespmem:s25+$0x3A00]  }
0x165: {  	v40 =	vld [tilespmem:s25+$0x9A00]  }
0x166: {  	v41 =	vld [tilespmem:s25+$0x3A10]  }
0x167: {  	v5 =	vmov s24;
	v42 =	vld [tilespmem:s25+$0x9A10]  }
0x168: {  	v5 =	vand.u32 $0xF, v5;
	v43 =	vld [tilespmem:s25+$0x3A20]  }
0x169: {  	v6 =	vbroadcast v5, $0x0;
	v44 =	vld [tilespmem:s25+$0x9A20]  }
0x16a: {  	v45 =	vld [tilespmem:s25+$0x3A30]  }
0x16b: {  	v46 =	vld [tilespmem:s25+$0x9A30];
	v5 =	vperm.xlane v3, v6  }
0x16c: {  	v47 =	vld [tilespmem:s25+$0x3A40];
	v6 =	vperm.xlane v4, v6  }
0x16d: {  	v48 =	vld [tilespmem:s25+$0x9A40];
	v7 =	vmul.f32 v7, v5  }
0x16e: {  	v49 =	vld [tilespmem:s25+$0x3A50];
	v8 =	vmul.f32 v8, v6;
	v9 =	vmul.f32 v9, v5  }
0x16f: {  	v50 =	vld [tilespmem:s25+$0x9A50];
	v10 =	vmul.f32 v10, v6;
	v54 =	vmul.f32 v11, v5  }
0x170: {  	v51 =	vld [tilespmem:s25+$0x3A60];
	v55 =	vmul.f32 v12, v6;
	v56 =	vmul.f32 v13, v5  }
0x171: {  	v52 =	vld [tilespmem:s25+$0x9A60];
	v57 =	vmul.f32 v14, v6;
	v58 =	vmul.f32 v15, v5  }
0x172: {  	v53 =	vld [tilespmem:s25+$0x3A70];
	v59 =	vmul.f32 v16, v6;
	v61 =	vmul.f32 v17, v5  }
0x173: {  	v12 =	vld [tilespmem:s25+$0x9A70];
	v62 =	vmul.f32 v18, v6;
	v63 =	vmul.f32 v19, v5;
	v7 =	vadd.f32 v8, v7  }
0x174: {  	v14 =	vld [tilespmem:s25+$0x3E00];
	v41 =	vmul.f32 v41, v5;
	v42 =	vmul.f32 v42, v6;
	v9 =	vadd.f32 v10, v9  }
0x175: {  	v15 =	vld [tilespmem:s25+$0x9E00];
	v60 =	vadd.f32 v57, v56;
	v56 =	vmul.f32 v21, v5;
	[tilespmem:s25+$0x3200] =	vst v7;
	v7 =	vadd.f32 v55, v54  }
0x176: {  	v16 =	vld [tilespmem:s25+$0x3E10];
	v57 =	vmul.f32 v22, v6;
	[tilespmem:s25+$0x3210] =	vst v9;
	v54 =	vmul.f32 v20, v6  }
0x177: {  	v17 =	vld [tilespmem:s25+$0x9E10];
	v55 =	vadd.f32 v62, v61;
	v61 =	vmul.f32 v25, v5;
	[tilespmem:s25+$0x3220] =	vst v7;
	v7 =	vadd.f32 v59, v58  }
0x178: {  	v18 =	vld [tilespmem:s25+$0x3E20];
	[tilespmem:s25+$0x3230] =	vst v60;
	v62 =	vmul.f32 v26, v6;
	v26 =	vmul.f32 v29, v5  }
0x179: {  	v19 =	vld [tilespmem:s25+$0x9E20];
	v58 =	vmul.f32 v23, v5;
	v59 =	vmul.f32 v24, v6;
	[tilespmem:s25+$0x3240] =	vst v7;
	v7 =	vadd.f32 v54, v63  }
0x17a: {  	v21 =	vld [tilespmem:s25+$0x9E30];
	v60 =	vadd.f32 v57, v56;
	v29 =	vmul.f32 v32, v6;
	v32 =	vmul.f32 v34, v6;
	[tilespmem:s25+$0x3250] =	vst v55  }
0x17b: {  	v22 =	vld [tilespmem:s25+$0x3E40];
	v24 =	vmul.f32 v28, v6;
	v63 =	vmul.f32 v27, v5;
	[tilespmem:s25+$0x3260] =	vst v7;
	v7 =	vadd.f32 v59, v58  }
0x17c: {  	v20 =	vld [tilespmem:s25+$0x3E30];
	v34 =	vmul.f32 v36, v6;
	v36 =	vmul.f32 v37, v5;
	v56 =	vadd.f32 v42, v41;
	[tilespmem:s25+$0x3270] =	vst v60  }
0x17d: {  	v37 =	vmul.f32 v38, v6;
	v41 =	vld [tilespmem:s25+$0x4220];
	v28 =	vmul.f32 v31, v5;
	[tilespmem:s25+$0x3600] =	vst v7;
	v7 =	vadd.f32 v24, v63  }
0x17e: {  	v38 =	vmul.f32 v39, v5;
	v25 =	vadd.f32 v62, v61;
	v23 =	vld [tilespmem:s25+$0x9E40];
	v31 =	vmul.f32 v33, v5;
	[tilespmem:s25+$0x3A10] =	vst v56  }
0x17f: {  	v33 =	vmul.f32 v35, v5;
	v55 =	vmul.f32 v44, v6;
	v44 =	vld [tilespmem:s25+$0xA220];
	[tilespmem:s25+$0x3620] =	vst v7;
	v7 =	vadd.f32 v29, v28  }
0x180: {  	v39 =	vmul.f32 v40, v6;
	v40 =	vadd.f32 v37, v36;
	v60 =	vmul.f32 v48, v6;
	v48 =	vld [tilespmem:s25+$0x4230];
	[tilespmem:s25+$0x3610] =	vst v25  }
0x181: {  	v36 =	vmul.f32 v51, v5;
	v51 =	vld [tilespmem:s25+$0xA230];
	[tilespmem:s25+$0x3640] =	vst v7;
	v7 =	vadd.f32 v34, v33  }
0x182: {  	v57 =	vmul.f32 v45, v5;
	v27 =	vmul.f32 v30, v6;
	v25 =	vld [tilespmem:s25+$0x9E50];
	v35 =	vadd.f32 v32, v31;
	[tilespmem:s25+$0x3670] =	vst v40  }
0x183: {  	v12 =	vmul.f32 v12, v6;
	v54 =	vmul.f32 v43, v5;
	v31 =	vld [tilespmem:s25+$0xA200];
	[tilespmem:s25+$0x3660] =	vst v7;
	v7 =	vadd.f32 v39, v38  }
0x184: {  	v42 =	vmul.f32 v14, v5;
	v32 =	vld [tilespmem:s25+$0x4210];
	v40 =	vmul.f32 v53, v5;
	v30 =	vadd.f32 v27, v26;
	[tilespmem:s25+$0x3650] =	vst v35  }
0x185: {  	v62 =	vmul.f32 v49, v5;
	v26 =	vld [tilespmem:s25+$0x3E60];
	v59 =	vmul.f32 v47, v5;
	[tilespmem:s25+$0x3A00] =	vst v7;
	v7 =	vadd.f32 v55, v54  }
0x186: {  	v37 =	vmul.f32 v52, v6;
	v27 =	vld [tilespmem:s25+$0x9E60];
	v58 =	vmul.f32 v46, v6;
	v45 =	vadd.f32 v12, v40;
	[tilespmem:s25+$0x3630] =	vst v30  }
0x187: {  	v49 =	vmul.f32 v18, v5;
	v43 =	vmul.f32 v15, v6;
	v35 =	vld [tilespmem:s25+$0x4270];
	[tilespmem:s25+$0x3A20] =	vst v7;
	v7 =	vadd.f32 v60, v59  }
0x188: {  	v46 =	vmul.f32 v16, v5;
	v47 =	vmul.f32 v17, v6;
	v24 =	vld [tilespmem:s25+$0x3E50];
	v61 =	vadd.f32 v58, v57;
	[tilespmem:s25+$0x3A70] =	vst v45  }
0x189: {  	v40 =	vmul.f32 v41, v5;
	v41 =	vmul.f32 v44, v6;
	v30 =	vld [tilespmem:s25+$0x4200];
	[tilespmem:s25+$0x3A40] =	vst v7;
	v7 =	vadd.f32 v37, v36  }
0x18a: {  	v44 =	vmul.f32 v48, v5;
	v52 =	vadd.f32 v47, v46;
	v58 =	vld [tilespmem:s25+$0x4250];
	v45 =	vmul.f32 v51, v6;
	[tilespmem:s25+$0x3A30] =	vst v61  }
0x18b: {  	v63 =	vmul.f32 v50, v6;
	v50 =	vmul.f32 v19, v6;
	v28 =	vld [tilespmem:s25+$0x3E70];
	[tilespmem:s25+$0x3A60] =	vst v7;
	v7 =	vadd.f32 v43, v42  }
0x18c: {  	v56 =	vmul.f32 v22, v5;
	v53 =	vmul.f32 v20, v5;
	v29 =	vld [tilespmem:s25+$0x9E70];
	[tilespmem:s25+$0x3E10] =	vst v52;
	v48 =	vadd.f32 v45, v44  }
0x18d: {  	v57 =	vmul.f32 v23, v6;
	v61 =	vmul.f32 v25, v6;
	v25 =	vld [tilespmem:s25+$0x4260];
	[tilespmem:s25+$0x3E00] =	vst v7;
	v7 =	vadd.f32 v50, v49  }
0x18e: {  	[tilespmem:s25+$0x4230] =	vst v48;
	v38 =	vld [tilespmem:s25+$0xA210];
	v39 =	vadd.f32 v63, v62;
	v63 =	vmul.f32 v26, v5;
	v54 =	vmul.f32 v21, v6  }
0x18f: {  	v62 =	vld [tilespmem:s25+$0xA250];
	v60 =	vmul.f32 v24, v5;
	v24 =	vmul.f32 v27, v6;
	[tilespmem:s25+$0x3E20] =	vst v7;
	v7 =	vadd.f32 v57, v56  }
0x190: {  	v34 =	vmul.f32 v31, v6;
	v30 =	vmul.f32 v30, v5;
	[tilespmem:s25+$0x3A50] =	vst v39;
	v55 =	vld [tilespmem:s25+$0x4240];
	v59 =	vadd.f32 v54, v53  }
0x191: {  	v27 =	vmul.f32 v28, v5;
	v28 =	vmul.f32 v29, v6;
	v29 =	vld [tilespmem:s25+$0xA260];
	[tilespmem:s25+$0x3E40] =	vst v7;
	v7 =	vadd.f32 v24, v63  }
0x192: {  	v39 =	vld [tilespmem:s25+$0xA270];
	[tilespmem:s25+$0x3E30] =	vst v59;
	v26 =	vadd.f32 v61, v60  }
0x193: {  	v42 =	vld [tilespmem:s25+$0xA240];
	[tilespmem:s25+$0x3E60] =	vst v7;
	v7 =	vadd.f32 v34, v30  }
0x194: {  	v38 =	vmul.f32 v38, v6;
	v36 =	vadd.f32 v28, v27;
	v37 =	vmul.f32 v32, v5;
	[tilespmem:s25+$0x3E50] =	vst v26  }
0x195: {  	v46 =	vmul.f32 v58, v5;
	v47 =	vmul.f32 v62, v6;
	[tilespmem:s25+$0x4200] =	vst v7;
	v7 =	vadd.f32 v41, v40  }
0x196: {  	[tilespmem:s25+$0x3E70] =	vst v36;
	v43 =	vadd.f32 v38, v37;
	v49 =	vmul.f32 v25, v5;
	v50 =	vmul.f32 v29, v6  }
0x197: {  	v51 =	vmul.f32 v35, v5;
	v52 =	vmul.f32 v39, v6;
	[tilespmem:s25+$0x4220] =	vst v7;
	v7 =	vadd.f32 v47, v46  }
0x198: {  	v54 =	vmul.f32 v55, v5;
	[tilespmem:s25+$0x4210] =	vst v43;
	v53 =	vadd.f32 v50, v49;
	v55 =	vmul.f32 v42, v6  }
0x199: {  	[tilespmem:s25+$0x4250] =	vst v7;
	v7 =	vadd.f32 v52, v51  }
0x19a: {  	s26 =	sadd.s32 s26, s23;
	[tilespmem:s25+$0x4260] =	vst v53;
	v56 =	vadd.f32 v55, v54  }
0x19b: {  	s28 =	sor.u32 $0x4400, s26;
	[tilespmem:s25+$0x4270] =	vst v7  }
0x19c: {  	[tilespmem:s25+$0x4240] =	vst v56;
	v7 =	vld [tilespmem:s28+$0x200]  }
0x19d: {  	v8 =	vld [tilespmem:s28+$0x6200];
	_ =	sdelay $0x4  }
0x19e: {  	v7 =	vmul.f32 v7, v5;
	v8 =	vmul.f32 v8, v6;
	_ =	sdelay $0x1  }
0x19f: {  	v7 =	vadd.f32 v8, v7;
	_ =	sdelay $0x1  }
0x1a0: {  	[tilespmem:s28+$0x200] =	vst v7;
	s28 =	sor.u32 $0x4410, s26  }
0x1a1: {  	v7 =	vld [tilespmem:s28+$0x200]  }
0x1a2: {  	v57 =	vld [tilespmem:s28+$0x6200];
	_ =	sdelay $0x4  }
0x1a3: {  	v7 =	vmul.f32 v7, v5;
	v8 =	vmul.f32 v57, v6;
	_ =	sdelay $0x1  }
0x1a4: {  	v7 =	vadd.f32 v8, v7;
	_ =	sdelay $0x1  }
0x1a5: {  	[tilespmem:s28+$0x200] =	vst v7;
	s28 =	sor.u32 $0x4420, s26  }
0x1a6: {  	v7 =	vld [tilespmem:s28+$0x200]  }
0x1a7: {  	v58 =	vld [tilespmem:s28+$0x6200];
	_ =	sdelay $0x4  }
0x1a8: {  	v7 =	vmul.f32 v7, v5;
	v8 =	vmul.f32 v58, v6;
	_ =	sdelay $0x1  }
0x1a9: {  	v7 =	vadd.f32 v8, v7;
	_ =	sdelay $0x1  }
0x1aa: {  	[tilespmem:s28+$0x200] =	vst v7;
	s28 =	sor.u32 $0x4430, s26  }
0x1ab: {  	v7 =	vld [tilespmem:s28+$0x200]  }
0x1ac: {  	v59 =	vld [tilespmem:s28+$0x6200];
	_ =	sdelay $0x4  }
0x1ad: {  	v7 =	vmul.f32 v7, v5;
	v8 =	vmul.f32 v59, v6;
	_ =	sdelay $0x1  }
0x1ae: {  	v7 =	vadd.f32 v8, v7;
	_ =	sdelay $0x1  }
0x1af: {  	[tilespmem:s28+$0x200] =	vst v7;
	s28 =	sor.u32 $0x4440, s26  }
0x1b0: {  	v7 =	vld [tilespmem:s28+$0x200]  }
0x1b1: {  	v60 =	vld [tilespmem:s28+$0x6200];
	_ =	sdelay $0x4  }
0x1b2: {  	v7 =	vmul.f32 v7, v5;
	v8 =	vmul.f32 v60, v6;
	_ =	sdelay $0x1  }
0x1b3: {  	v7 =	vadd.f32 v8, v7;
	_ =	sdelay $0x1  }
0x1b4: {  	[tilespmem:s28+$0x200] =	vst v7;
	s28 =	sor.u32 $0x4450, s26  }
0x1b5: {  	v7 =	vld [tilespmem:s28+$0x200]  }
0x1b6: {  	v61 =	vld [tilespmem:s28+$0x6200];
	_ =	sdelay $0x4  }
0x1b7: {  	v7 =	vmul.f32 v7, v5;
	v8 =	vmul.f32 v61, v6;
	_ =	sdelay $0x1  }
0x1b8: {  	v7 =	vadd.f32 v8, v7;
	_ =	sdelay $0x1  }
0x1b9: {  	[tilespmem:s28+$0x200] =	vst v7;
	s28 =	sor.u32 $0x4460, s26  }
0x1ba: {  	v7 =	vld [tilespmem:s28+$0x200]  }
0x1bb: {  	v62 =	vld [tilespmem:s28+$0x6200];
	_ =	sdelay $0x4  }
0x1bc: {  	v7 =	vmul.f32 v7, v5;
	v8 =	vmul.f32 v62, v6;
	_ =	sdelay $0x1  }
0x1bd: {  	v7 =	vadd.f32 v8, v7;
	_ =	sdelay $0x1  }
0x1be: {  	[tilespmem:s28+$0x200] =	vst v7;
	s28 =	sor.u32 $0x4470, s26  }
0x1bf: {  	v7 =	vld [tilespmem:s28+$0x200]  }
0x1c0: {  	v63 =	vld [tilespmem:s28+$0x6200];
	_ =	sdelay $0x3  }
0x1c1: {  	p0 =	sne.s32 s24, $0xF  }
.Ltmp1:
0x1c2: {  	v5 =	vmul.f32 v7, v5;
	v6 =	vmul.f32 v63, v6;
	(pc) =	sbr.rel @p0 .LBB2_4-.Ltmp1, $3  }
0x1c3: {  	_ = 	snop  }
0x1c4: {  	v5 =	vadd.f32 v6, v5;
	_ =	sdelay $0x1  }
0x1c5: {  	s24 =	sadd.s32 $0x1, s24;
	s23 =	sadd.s32 $0x80, s23;
	[tilespmem:s28+$0x200] =	vst v5  }
0x1c6: {  	s22 =	sadd.s32 $0x1, s22  }
0x1c7: {  	p0 =	sne.s32 s22, s11  }
.Ltmp2:
0x1c8: {  	_ = 	snop;
	(pc) =	sbr.rel @p0 .LBB2_1-.Ltmp2, $4  }
0x1c9: {  	[hbm4b:s10+s1] =	stream.linear.scatter [tilespmem:s16], [sflag:$0x2], $0x6000, $0x38;
	[tilespmem:$0xC200] =	vst v63  }
0x1ca: {  	_ =	swait.ge [sflag:s12], $0x6000  }
0x1cb: {  	[sflag:s12] =	ssyncset.done $0x0  }
0x1cc: {  	[sflag:s12] =	ssyncadd.s32 $0xFFFFA000  }
0x1cd: {  	_ =	sfence.sel $0x180000  }
0x1ce: {  	[bflag:$0x0] =	sbarrier.arrive $0xFFFF  }
0x1cf: {  	_ =	strace $0x9000004A  }
0x1d0: {  	s0 =	stileid.u32;
	[bflag:$0x2] =	sbarrier.arrive $0xFFFF  }
0x1d1: {  	p0 =	sne.s32 s0, $0x0;
	s0 =	rddreg [dreg:$0x2]  }
0x1d2: {  	s0 =	sadd.s32 @!p0 $0x100000, s0  }
0x1d3: {  	[sflag:s0] =	ssyncadd.tile.s32 @!p0 $0x1;
	_ =	shalt  }
.Lfunc_end2:
_tile_overlayer_lowered:
.L_overlay_start_2:
0x1d4: {  	(tag) =	ssettag $0x2  }
0x1d5: {  	s0 =	rddreg [dreg:$0x0];
	s2 =	stileid.u32  }
0x1d6: {  	s1 =	rddreg [dreg:$0x1];
	p0 =	sne.s32 s2, $0x0  }
0x1d7: {  	s3 =	rddreg [dreg:$0x2];
	[bflag:$0x3] =	sbarrier.arrive $0xFFFF;
	s2 =	simm.s32 @!p0 $0x1C02  }
0x1d8: {  	[timem:s3], [sflag:s2] =	dma.local @!p0 [hbm:s0], s1  }
0x1d9: {  	s0 =	simm.s32 @!p0 $0x2  }
0x1da: {  	_ =	swait.ge @!p0 [sflag:s0], s1  }
0x1db: {  	s1 =	ssub.s32 @!p0 $0x0, s1;
	[sflag:s0] =	ssyncset.done @!p0 $0x0  }
0x1dc: {  	[sflag:s0] =	ssyncadd.s32 @!p0 s1  }
0x1dd: {  	[bflag:$0x3] =	sbarrier.arrive $0xFFFF  }
0x1de: {  	_ =	shalt  }

</sc_bundles>
